<compile_context>
chip_gen: v7x
topology: tpu7x:2x2x1
jax: 0.10.2.dev20260603
libtpu: 0.0.44.dev20260713+nightly
codegen_flags: <defaults>
</compile_context>

<pallas_src>
import functools
import math

import jax
import jax.numpy as jnp
from jax import lax
from jax.experimental import pallas as pl
from jax.experimental.pallas import tpu as pltpu
from jax.experimental.pallas import tpu_sc as plsc

D = 128
L = 16
NC = 2
NS = 16
NW = NC * NS
GROUP = 64
RING = 10
PRE = 7
OSLACK = RING - PRE
SCALE = math.sqrt(D)


def _make_sc_lookup(ng):

    mesh = plsc.VectorSubcoreMesh(
        core_axis_name="c", subcore_axis_name="s",
        num_cores=NC, num_subcores=NS)

    @functools.partial(
        pl.kernel,
        out_type=jax.ShapeDtypeStruct((NW, ng, GROUP, D), jnp.float32),
        mesh=mesh,
        scratch_types=[
            pltpu.VMEM((ng, GROUP), jnp.int32),
            pltpu.VMEM((RING, GROUP, D), jnp.float32),
            pltpu.SemaphoreType.DMA,
            pltpu.SemaphoreType.DMA,
        ],
    )
    def body(idx_hbm, table_hbm, out_hbm, idx_v, rows_v, gsem, osem):
        wid = lax.axis_index("s") * NC + lax.axis_index("c")
        pltpu.sync_copy(idx_hbm.at[wid], idx_v)

        for b in range(PRE):
            pltpu.async_copy(table_hbm.at[idx_v.at[b]], rows_v.at[b], gsem)

        def scale_slot(b):
            def row(r, carry):
                for j in range(D // L):
                    sl = pl.ds(j * L, L)
                    rows_v[b, r, sl] = rows_v[b, r, sl] * SCALE
                return carry
            lax.fori_loop(0, GROUP, row, 0)

        def turn(t, b):
            g = t + b
            pltpu.make_async_copy(
                table_hbm.at[idx_v.at[b]], rows_v.at[b], gsem).wait()

            scale_slot(b)
            pltpu.async_copy(rows_v.at[b], out_hbm.at[wid, g], osem)

            @pl.when(g >= OSLACK)
            def _():
                pltpu.make_async_copy(
                    rows_v.at[b], out_hbm.at[wid, g], osem).wait()

            @pl.when(g + PRE < ng)
            def _():
                pltpu.async_copy(
                    table_hbm.at[idx_v.at[g + PRE]],
                    rows_v.at[(b + PRE) % RING], gsem)

        def outer(i, carry):
            t = i * RING
            for b in range(RING):
                turn(t, b)
            return carry

        lax.fori_loop(0, ng // RING, outer, 0)

        for b in range(OSLACK):
            pltpu.make_async_copy(
                rows_v.at[0], out_hbm.at[wid, 0], osem).wait()

    return body


def kernel(x, table):
    B, T = x.shape
    n = B * T
    assert n % (NW * GROUP) == 0
    ng = n // (NW * GROUP)
    assert ng % RING == 0
    idx = x.reshape(NW, ng, GROUP)
    if idx.dtype != jnp.int32:
        idx = idx.astype(jnp.int32)
    out = _make_sc_lookup(ng)(idx, table)
    return out.reshape(B, T, D)

# --- scband reference (transcript-rebuilt; emitter-appended) ---
"""Pipeline reference for scband-token-embedding-32031866093737 (READ-ONLY COPY).

The authoritative reference and input builder live on the scoring server;
editing this copy changes nothing except your own understanding.
"""

import jax, jax.numpy as jnp
import numpy as np
import math

VOCAB = 100000
D_MODEL = 128

def setup_inputs(seed: int = 0) -> dict:
    key = jax.random.key(seed)
    k1, k2 = jax.random.split(key)
    x = jax.random.randint(k1, (1024, 200), 0, VOCAB, dtype=jnp.int64) if jax.config.jax_enable_x64 else jax.random.randint(k1, (1024, 200), 0, VOCAB).astype(jnp.int32)
    table = jax.random.normal(k2, (VOCAB, D_MODEL), dtype=jnp.float32)
    # padding_idx=0: row 0 is zero
    table = table.at[0].set(0.0)
    return {"x": x, "table": table}

def reference(x, table):
    # nn.Embedding(num_embeddings=V, embedding_dim=d, padding_idx=0) lookup,
    # then scale by sqrt(d_model)
    scale = math.sqrt(D_MODEL)
    emb = jnp.take(table, x, axis=0)  # [B, T, d]
    return emb * scale

if __name__ == "__main__":
    import jax
    _d = setup_inputs()
    print(jax.jit(kernel)(*tuple(_d.values())))

</pallas_src>

<mosaic_0001>
#map = affine_map<(d0, d1) -> (0, 0, 0)>
#map1 = affine_map<(d0, d1) -> (0, 0)>
#map2 = affine_map<(d0, d1) -> (0, 0, 0, 0)>
module attributes {stable_mosaic.version = 14 : i64} {
  func.func @body(%arg0: i32, %arg1: i32, %arg2: memref<32x100x64xi32, #tpu.memory_space<hbm>>, %arg3: memref<100000x128xf32, #tpu.memory_space<hbm>>, %arg4: memref<32x100x64x128xf32, #tpu.memory_space<hbm>>, %arg5: memref<100x64xi32, #tpu.memory_space<vmem>>, %arg6: memref<10x64x128xf32, #tpu.memory_space<vmem>>, %arg7: memref<!tpu.dma_semaphore, #tpu.memory_space<semaphore_mem>>, %arg8: memref<!tpu.dma_semaphore, #tpu.memory_space<semaphore_mem>>) attributes {dimension_semantics = [#tpu.dimension_semantics<core_parallel>, #tpu.dimension_semantics<subcore_parallel>], iteration_bounds = array<i64: 2, 16>, scalar_prefetch = 0 : i64, scratch_operands = 4 : i64, tpu.core_type = #tpu.core_type<sc_vector_subcore>, window_params = [{transform_indices = #map}, {transform_indices = #map1}, {transform_indices = #map2}]} {
    %mul3A = arith.constant 2 : i32
    %mul3A_0 = arith.muli %arg1, %mul3A : i32
    %add3A = arith.addi %mul3A_0, %arg0 : i32
    "tpu.region"() ({
      %run_scoped3A = tpu.sem_alloc : memref<!tpu.dma_semaphore, #tpu.memory_space<semaphore_mem>>
      %dma_start3A_142 = arith.constant 0 : i32
      %dma_start3A_143 = arith.constant 0 : i32
      %dma_start3A_144 = tpu.memref_slice %arg2[%add3A, %dma_start3A_142, %dma_start3A_143] : memref<32x100x64xi32, #tpu.memory_space<hbm>> -> memref<1x100x64xi32, #tpu.memory_space<hbm>>
      %dma_start3A_145 = tpu.memref_squeeze %dma_start3A_144 : memref<1x100x64xi32, #tpu.memory_space<hbm>> -> memref<100x64xi32, #tpu.memory_space<hbm>>
      %dma_start3A_146 = arith.constant 0 : i32
      %dma_start3A_147 = arith.constant 0 : i32
      %dma_start3A_148 = tpu.memref_slice %arg2[%add3A, %dma_start3A_146, %dma_start3A_147] : memref<32x100x64xi32, #tpu.memory_space<hbm>> -> memref<1x100x64xi32, #tpu.memory_space<hbm>>
      %dma_start3A_149 = tpu.memref_squeeze %dma_start3A_148 : memref<1x100x64xi32, #tpu.memory_space<hbm>> -> memref<100x64xi32, #tpu.memory_space<hbm>>
      tpu.enqueue_dma source(%dma_start3A_149 : memref<100x64xi32, #tpu.memory_space<hbm>>) target(%arg5 : memref<100x64xi32, #tpu.memory_space<vmem>>) target_semaphore(%run_scoped3A : memref<!tpu.dma_semaphore, #tpu.memory_space<semaphore_mem>>)
      %dma_wait3A_150 = arith.constant 0 : i32
      %dma_wait3A_151 = arith.constant 0 : i32
      %dma_wait3A_152 = tpu.memref_slice %arg2[%add3A, %dma_wait3A_150, %dma_wait3A_151] : memref<32x100x64xi32, #tpu.memory_space<hbm>> -> memref<1x100x64xi32, #tpu.memory_space<hbm>>
      %dma_wait3A_153 = tpu.memref_squeeze %dma_wait3A_152 : memref<1x100x64xi32, #tpu.memory_space<hbm>> -> memref<100x64xi32, #tpu.memory_space<hbm>>
      %dma_wait3A_154 = arith.constant 0 : i32
      %dma_wait3A_155 = arith.constant 0 : i32
      %dma_wait3A_156 = tpu.memref_slice %arg2[%add3A, %dma_wait3A_154, %dma_wait3A_155] : memref<32x100x64xi32, #tpu.memory_space<hbm>> -> memref<1x100x64xi32, #tpu.memory_space<hbm>>
      %dma_wait3A_157 = tpu.memref_squeeze %dma_wait3A_156 : memref<1x100x64xi32, #tpu.memory_space<hbm>> -> memref<100x64xi32, #tpu.memory_space<hbm>>
      tpu.wait_dma2 semaphore(%run_scoped3A : memref<!tpu.dma_semaphore, #tpu.memory_space<semaphore_mem>>) src(%dma_wait3A_157 : memref<100x64xi32, #tpu.memory_space<hbm>>) dst(%arg5 : memref<100x64xi32, #tpu.memory_space<vmem>>)
      tpu.yield
    }) : () -> ()
    %dma_start3A = arith.constant 0 : i32
    %dma_start3A_1 = arith.constant 0 : i32
    %dma_start3A_2 = arith.constant 0 : i32
    %dma_start3A_3 = arith.constant 0 : i32
    %dma_start3A_4 = tpu.memref_slice %arg6[%dma_start3A_1, %dma_start3A_2, %dma_start3A_3] : memref<10x64x128xf32, #tpu.memory_space<vmem>> -> memref<1x64x128xf32, #tpu.memory_space<vmem>>
    %dma_start3A_5 = tpu.memref_squeeze %dma_start3A_4 : memref<1x64x128xf32, #tpu.memory_space<vmem>> -> memref<64x128xf32, #tpu.memory_space<vmem>>
    %dma_start3A_6 = arith.constant 0 : i32
    %dma_start3A_7 = tpu.memref_slice %arg5[%dma_start3A, %dma_start3A_6] : memref<100x64xi32, #tpu.memory_space<vmem>> -> memref<1x64xi32, #tpu.memory_space<vmem>>
    %dma_start3A_8 = tpu.memref_squeeze %dma_start3A_7 : memref<1x64xi32, #tpu.memory_space<vmem>> -> memref<64xi32, #tpu.memory_space<vmem>>
    %dma_start3A_9 = arith.constant 0 : i32
    %dma_start3A_10 = arith.constant 0 : i32
    %dma_start3A_11 = tpu.memref_slice %arg3[%dma_start3A_9, %dma_start3A_10] : memref<100000x128xf32, #tpu.memory_space<hbm>> -> memref<100000x128xf32, #tpu.memory_space<hbm>>
    tpu.enqueue_indirect_dma source(%dma_start3A_11 : memref<100000x128xf32, #tpu.memory_space<hbm>>) target(%dma_start3A_5 : memref<64x128xf32, #tpu.memory_space<vmem>>) offsets(%dma_start3A_8 : memref<64xi32, #tpu.memory_space<vmem>>) semaphore(%arg7 : memref<!tpu.dma_semaphore, #tpu.memory_space<semaphore_mem>>)
    %dma_start3A_12 = arith.constant 1 : i32
    %dma_start3A_13 = arith.constant 1 : i32
    %dma_start3A_14 = arith.constant 0 : i32
    %dma_start3A_15 = arith.constant 0 : i32
    %dma_start3A_16 = tpu.memref_slice %arg6[%dma_start3A_13, %dma_start3A_14, %dma_start3A_15] : memref<10x64x128xf32, #tpu.memory_space<vmem>> -> memref<1x64x128xf32, #tpu.memory_space<vmem>>
    %dma_start3A_17 = tpu.memref_squeeze %dma_start3A_16 : memref<1x64x128xf32, #tpu.memory_space<vmem>> -> memref<64x128xf32, #tpu.memory_space<vmem>>
    %dma_start3A_18 = arith.constant 0 : i32
    %dma_start3A_19 = tpu.memref_slice %arg5[%dma_start3A_12, %dma_start3A_18] : memref<100x64xi32, #tpu.memory_space<vmem>> -> memref<1x64xi32, #tpu.memory_space<vmem>>
    %dma_start3A_20 = tpu.memref_squeeze %dma_start3A_19 : memref<1x64xi32, #tpu.memory_space<vmem>> -> memref<64xi32, #tpu.memory_space<vmem>>
    %dma_start3A_21 = arith.constant 0 : i32
    %dma_start3A_22 = arith.constant 0 : i32
    %dma_start3A_23 = tpu.memref_slice %arg3[%dma_start3A_21, %dma_start3A_22] : memref<100000x128xf32, #tpu.memory_space<hbm>> -> memref<100000x128xf32, #tpu.memory_space<hbm>>
    tpu.enqueue_indirect_dma source(%dma_start3A_23 : memref<100000x128xf32, #tpu.memory_space<hbm>>) target(%dma_start3A_17 : memref<64x128xf32, #tpu.memory_space<vmem>>) offsets(%dma_start3A_20 : memref<64xi32, #tpu.memory_space<vmem>>) semaphore(%arg7 : memref<!tpu.dma_semaphore, #tpu.memory_space<semaphore_mem>>)
    %dma_start3A_24 = arith.constant 2 : i32
    %dma_start3A_25 = arith.constant 2 : i32
    %dma_start3A_26 = arith.constant 0 : i32
    %dma_start3A_27 = arith.constant 0 : i32
    %dma_start3A_28 = tpu.memref_slice %arg6[%dma_start3A_25, %dma_start3A_26, %dma_start3A_27] : memref<10x64x128xf32, #tpu.memory_space<vmem>> -> memref<1x64x128xf32, #tpu.memory_space<vmem>>
    %dma_start3A_29 = tpu.memref_squeeze %dma_start3A_28 : memref<1x64x128xf32, #tpu.memory_space<vmem>> -> memref<64x128xf32, #tpu.memory_space<vmem>>
    %dma_start3A_30 = arith.constant 0 : i32
    %dma_start3A_31 = tpu.memref_slice %arg5[%dma_start3A_24, %dma_start3A_30] : memref<100x64xi32, #tpu.memory_space<vmem>> -> memref<1x64xi32, #tpu.memory_space<vmem>>
    %dma_start3A_32 = tpu.memref_squeeze %dma_start3A_31 : memref<1x64xi32, #tpu.memory_space<vmem>> -> memref<64xi32, #tpu.memory_space<vmem>>
    %dma_start3A_33 = arith.constant 0 : i32
    %dma_start3A_34 = arith.constant 0 : i32
    %dma_start3A_35 = tpu.memref_slice %arg3[%dma_start3A_33, %dma_start3A_34] : memref<100000x128xf32, #tpu.memory_space<hbm>> -> memref<100000x128xf32, #tpu.memory_space<hbm>>
    tpu.enqueue_indirect_dma source(%dma_start3A_35 : memref<100000x128xf32, #tpu.memory_space<hbm>>) target(%dma_start3A_29 : memref<64x128xf32, #tpu.memory_space<vmem>>) offsets(%dma_start3A_32 : memref<64xi32, #tpu.memory_space<vmem>>) semaphore(%arg7 : memref<!tpu.dma_semaphore, #tpu.memory_space<semaphore_mem>>)
    %dma_start3A_36 = arith.constant 3 : i32
    %dma_start3A_37 = arith.constant 3 : i32
    %dma_start3A_38 = arith.constant 0 : i32
    %dma_start3A_39 = arith.constant 0 : i32
    %dma_start3A_40 = tpu.memref_slice %arg6[%dma_start3A_37, %dma_start3A_38, %dma_start3A_39] : memref<10x64x128xf32, #tpu.memory_space<vmem>> -> memref<1x64x128xf32, #tpu.memory_space<vmem>>
    %dma_start3A_41 = tpu.memref_squeeze %dma_start3A_40 : memref<1x64x128xf32, #tpu.memory_space<vmem>> -> memref<64x128xf32, #tpu.memory_space<vmem>>
    %dma_start3A_42 = arith.constant 0 : i32
    %dma_start3A_43 = tpu.memref_slice %arg5[%dma_start3A_36, %dma_start3A_42] : memref<100x64xi32, #tpu.memory_space<vmem>> -> memref<1x64xi32, #tpu.memory_space<vmem>>
    %dma_start3A_44 = tpu.memref_squeeze %dma_start3A_43 : memref<1x64xi32, #tpu.memory_space<vmem>> -> memref<64xi32, #tpu.memory_space<vmem>>
    %dma_start3A_45 = arith.constant 0 : i32
    %dma_start3A_46 = arith.constant 0 : i32
    %dma_start3A_47 = tpu.memref_slice %arg3[%dma_start3A_45, %dma_start3A_46] : memref<100000x128xf32, #tpu.memory_space<hbm>> -> memref<100000x128xf32, #tpu.memory_space<hbm>>
    tpu.enqueue_indirect_dma source(%dma_start3A_47 : memref<100000x128xf32, #tpu.memory_space<hbm>>) target(%dma_start3A_41 : memref<64x128xf32, #tpu.memory_space<vmem>>) offsets(%dma_start3A_44 : memref<64xi32, #tpu.memory_space<vmem>>) semaphore(%arg7 : memref<!tpu.dma_semaphore, #tpu.memory_space<semaphore_mem>>)
    %dma_start3A_48 = arith.constant 4 : i32
    %dma_start3A_49 = arith.constant 4 : i32
    %dma_start3A_50 = arith.constant 0 : i32
    %dma_start3A_51 = arith.constant 0 : i32
    %dma_start3A_52 = tpu.memref_slice %arg6[%dma_start3A_49, %dma_start3A_50, %dma_start3A_51] : memref<10x64x128xf32, #tpu.memory_space<vmem>> -> memref<1x64x128xf32, #tpu.memory_space<vmem>>
    %dma_start3A_53 = tpu.memref_squeeze %dma_start3A_52 : memref<1x64x128xf32, #tpu.memory_space<vmem>> -> memref<64x128xf32, #tpu.memory_space<vmem>>
    %dma_start3A_54 = arith.constant 0 : i32
    %dma_start3A_55 = tpu.memref_slice %arg5[%dma_start3A_48, %dma_start3A_54] : memref<100x64xi32, #tpu.memory_space<vmem>> -> memref<1x64xi32, #tpu.memory_space<vmem>>
    %dma_start3A_56 = tpu.memref_squeeze %dma_start3A_55 : memref<1x64xi32, #tpu.memory_space<vmem>> -> memref<64xi32, #tpu.memory_space<vmem>>
    %dma_start3A_57 = arith.constant 0 : i32
    %dma_start3A_58 = arith.constant 0 : i32
    %dma_start3A_59 = tpu.memref_slice %arg3[%dma_start3A_57, %dma_start3A_58] : memref<100000x128xf32, #tpu.memory_space<hbm>> -> memref<100000x128xf32, #tpu.memory_space<hbm>>
    tpu.enqueue_indirect_dma source(%dma_start3A_59 : memref<100000x128xf32, #tpu.memory_space<hbm>>) target(%dma_start3A_53 : memref<64x128xf32, #tpu.memory_space<vmem>>) offsets(%dma_start3A_56 : memref<64xi32, #tpu.memory_space<vmem>>) semaphore(%arg7 : memref<!tpu.dma_semaphore, #tpu.memory_space<semaphore_mem>>)
    %dma_start3A_60 = arith.constant 5 : i32
    %dma_start3A_61 = arith.constant 5 : i32
    %dma_start3A_62 = arith.constant 0 : i32
    %dma_start3A_63 = arith.constant 0 : i32
    %dma_start3A_64 = tpu.memref_slice %arg6[%dma_start3A_61, %dma_start3A_62, %dma_start3A_63] : memref<10x64x128xf32, #tpu.memory_space<vmem>> -> memref<1x64x128xf32, #tpu.memory_space<vmem>>
    %dma_start3A_65 = tpu.memref_squeeze %dma_start3A_64 : memref<1x64x128xf32, #tpu.memory_space<vmem>> -> memref<64x128xf32, #tpu.memory_space<vmem>>
    %dma_start3A_66 = arith.constant 0 : i32
    %dma_start3A_67 = tpu.memref_slice %arg5[%dma_start3A_60, %dma_start3A_66] : memref<100x64xi32, #tpu.memory_space<vmem>> -> memref<1x64xi32, #tpu.memory_space<vmem>>
    %dma_start3A_68 = tpu.memref_squeeze %dma_start3A_67 : memref<1x64xi32, #tpu.memory_space<vmem>> -> memref<64xi32, #tpu.memory_space<vmem>>
    %dma_start3A_69 = arith.constant 0 : i32
    %dma_start3A_70 = arith.constant 0 : i32
    %dma_start3A_71 = tpu.memref_slice %arg3[%dma_start3A_69, %dma_start3A_70] : memref<100000x128xf32, #tpu.memory_space<hbm>> -> memref<100000x128xf32, #tpu.memory_space<hbm>>
    tpu.enqueue_indirect_dma source(%dma_start3A_71 : memref<100000x128xf32, #tpu.memory_space<hbm>>) target(%dma_start3A_65 : memref<64x128xf32, #tpu.memory_space<vmem>>) offsets(%dma_start3A_68 : memref<64xi32, #tpu.memory_space<vmem>>) semaphore(%arg7 : memref<!tpu.dma_semaphore, #tpu.memory_space<semaphore_mem>>)
    %dma_start3A_72 = arith.constant 6 : i32
    %dma_start3A_73 = arith.constant 6 : i32
    %dma_start3A_74 = arith.constant 0 : i32
    %dma_start3A_75 = arith.constant 0 : i32
    %dma_start3A_76 = tpu.memref_slice %arg6[%dma_start3A_73, %dma_start3A_74, %dma_start3A_75] : memref<10x64x128xf32, #tpu.memory_space<vmem>> -> memref<1x64x128xf32, #tpu.memory_space<vmem>>
    %dma_start3A_77 = tpu.memref_squeeze %dma_start3A_76 : memref<1x64x128xf32, #tpu.memory_space<vmem>> -> memref<64x128xf32, #tpu.memory_space<vmem>>
    %dma_start3A_78 = arith.constant 0 : i32
    %dma_start3A_79 = tpu.memref_slice %arg5[%dma_start3A_72, %dma_start3A_78] : memref<100x64xi32, #tpu.memory_space<vmem>> -> memref<1x64xi32, #tpu.memory_space<vmem>>
    %dma_start3A_80 = tpu.memref_squeeze %dma_start3A_79 : memref<1x64xi32, #tpu.memory_space<vmem>> -> memref<64xi32, #tpu.memory_space<vmem>>
    %dma_start3A_81 = arith.constant 0 : i32
    %dma_start3A_82 = arith.constant 0 : i32
    %dma_start3A_83 = tpu.memref_slice %arg3[%dma_start3A_81, %dma_start3A_82] : memref<100000x128xf32, #tpu.memory_space<hbm>> -> memref<100000x128xf32, #tpu.memory_space<hbm>>
    tpu.enqueue_indirect_dma source(%dma_start3A_83 : memref<100000x128xf32, #tpu.memory_space<hbm>>) target(%dma_start3A_77 : memref<64x128xf32, #tpu.memory_space<vmem>>) offsets(%dma_start3A_80 : memref<64xi32, #tpu.memory_space<vmem>>) semaphore(%arg7 : memref<!tpu.dma_semaphore, #tpu.memory_space<semaphore_mem>>)
    %scan3A = arith.constant 0 : i32
    %scan3A_84 = arith.constant 0 : i32
    %scan3A_85 = arith.constant 10 : i32
    %scan3A_86 = arith.addi %scan3A_84, %scan3A_85 : i32
    %scan3A_87 = arith.constant 1 : i32
    scf.for %scan3A_142 = %scan3A_84 to %scan3A_86 step %scan3A_87  : i32 {
      %mul3A_143 = arith.constant 10 : i32
      %mul3A_144 = arith.muli %scan3A_142, %mul3A_143 : i32
      %add3A_145 = arith.constant 0 : i32
      %add3A_146 = arith.addi %mul3A_144, %add3A_145 : i32
      %dma_wait3A_147 = arith.constant 0 : i32
      %dma_wait3A_148 = arith.constant 0 : i32
      %dma_wait3A_149 = arith.constant 0 : i32
      %dma_wait3A_150 = arith.constant 0 : i32
      %dma_wait3A_151 = tpu.memref_slice %arg6[%dma_wait3A_148, %dma_wait3A_149, %dma_wait3A_150] : memref<10x64x128xf32, #tpu.memory_space<vmem>> -> memref<1x64x128xf32, #tpu.memory_space<vmem>>
      %dma_wait3A_152 = tpu.memref_squeeze %dma_wait3A_151 : memref<1x64x128xf32, #tpu.memory_space<vmem>> -> memref<64x128xf32, #tpu.memory_space<vmem>>
      %dma_wait3A_153 = arith.constant 0 : i32
      %dma_wait3A_154 = tpu.memref_slice %arg5[%dma_wait3A_147, %dma_wait3A_153] : memref<100x64xi32, #tpu.memory_space<vmem>> -> memref<1x64xi32, #tpu.memory_space<vmem>>
      %dma_wait3A_155 = tpu.memref_squeeze %dma_wait3A_154 : memref<1x64xi32, #tpu.memory_space<vmem>> -> memref<64xi32, #tpu.memory_space<vmem>>
      %dma_wait3A_156 = arith.constant 0 : i32
      %dma_wait3A_157 = arith.constant 0 : i32
      %dma_wait3A_158 = tpu.memref_slice %arg3[%dma_wait3A_156, %dma_wait3A_157] : memref<100000x128xf32, #tpu.memory_space<hbm>> -> memref<100000x128xf32, #tpu.memory_space<hbm>>
      tpu.wait_indirect_dma semaphore(%arg7 : memref<!tpu.dma_semaphore, #tpu.memory_space<semaphore_mem>>) src(%dma_wait3A_158 : memref<100000x128xf32, #tpu.memory_space<hbm>>) dst(%dma_wait3A_152 : memref<64x128xf32, #tpu.memory_space<vmem>>)
      %scan3A_159 = arith.constant 0 : i32
      %scan3A_160 = arith.constant 0 : i32
      %scan3A_161 = arith.constant 64 : i32
      %scan3A_162 = arith.addi %scan3A_160, %scan3A_161 : i32
      %scan3A_163 = arith.constant 1 : i32
      scf.for %scan3A_631 = %scan3A_160 to %scan3A_162 step %scan3A_163  : i32 {
        %get3A = arith.constant 0 : i32
        %get3A_632 = arith.index_cast %get3A : i32 to index
        %get3A_633 = arith.index_cast %scan3A_631 : i32 to index
        %get3A_634 = arith.constant 0 : index
        %get3A_635 = tpu.vector_load %arg6[%get3A_632, %get3A_633, %get3A_634] {strides = array<i32>} : memref<10x64x128xf32, #tpu.memory_space<vmem>>, vector<1x1x16xf32>,
        %get3A_636 = vector.shape_cast %get3A_635 : vector<1x1x16xf32> to vector<16xf32>
        %mul3A_637 = arith.constant 11.3137083 : f32
        %mul3A_638 = vector.broadcast %mul3A_637 : f32 to vector<16xf32>
        %mul3A_639 = arith.mulf %get3A_636, %mul3A_638 : vector<16xf32>
        %swap3A = arith.constant 0 : i32
        %swap3A_640 = arith.index_cast %swap3A : i32 to index
        %swap3A_641 = arith.index_cast %scan3A_631 : i32 to index
        %swap3A_642 = arith.constant 0 : index
        %swap3A_643 = tpu.vector_load %arg6[%swap3A_640, %swap3A_641, %swap3A_642] {strides = array<i32>} : memref<10x64x128xf32, #tpu.memory_space<vmem>>, vector<1x1x16xf32>,
        %swap3A_644 = vector.shape_cast %swap3A_643 : vector<1x1x16xf32> to vector<16xf32>
        %swap3A_645 = vector.shape_cast %mul3A_639 : vector<16xf32> to vector<1x1x16xf32>
        tpu.vector_store %arg6[%swap3A_640, %swap3A_641, %swap3A_642], %swap3A_645 {strides = array<i32>} : memref<10x64x128xf32, #tpu.memory_space<vmem>>, vector<1x1x16xf32>,
        %get3A_646 = arith.constant 0 : i32
        %get3A_647 = arith.index_cast %get3A_646 : i32 to index
        %get3A_648 = arith.index_cast %scan3A_631 : i32 to index
        %get3A_649 = arith.constant 16 : index
        %get3A_650 = tpu.vector_load %arg6[%get3A_647, %get3A_648, %get3A_649] {strides = array<i32>} : memref<10x64x128xf32, #tpu.memory_space<vmem>>, vector<1x1x16xf32>,
        %get3A_651 = vector.shape_cast %get3A_650 : vector<1x1x16xf32> to vector<16xf32>
        %mul3A_652 = arith.constant 11.3137083 : f32
        %mul3A_653 = vector.broadcast %mul3A_652 : f32 to vector<16xf32>
        %mul3A_654 = arith.mulf %get3A_651, %mul3A_653 : vector<16xf32>
        %swap3A_655 = arith.constant 0 : i32
        %swap3A_656 = arith.index_cast %swap3A_655 : i32 to index
        %swap3A_657 = arith.index_cast %scan3A_631 : i32 to index
        %swap3A_658 = arith.constant 16 : index
        %swap3A_659 = tpu.vector_load %arg6[%swap3A_656, %swap3A_657, %swap3A_658] {strides = array<i32>} : memref<10x64x128xf32, #tpu.memory_space<vmem>>, vector<1x1x16xf32>,
        %swap3A_660 = vector.shape_cast %swap3A_659 : vector<1x1x16xf32> to vector<16xf32>
        %swap3A_661 = vector.shape_cast %mul3A_654 : vector<16xf32> to vector<1x1x16xf32>
        tpu.vector_store %arg6[%swap3A_656, %swap3A_657, %swap3A_658], %swap3A_661 {strides = array<i32>} : memref<10x64x128xf32, #tpu.memory_space<vmem>>, vector<1x1x16xf32>,
        %get3A_662 = arith.constant 0 : i32
        %get3A_663 = arith.index_cast %get3A_662 : i32 to index
        %get3A_664 = arith.index_cast %scan3A_631 : i32 to index
        %get3A_665 = arith.constant 32 : index
        %get3A_666 = tpu.vector_load %arg6[%get3A_663, %get3A_664, %get3A_665] {strides = array<i32>} : memref<10x64x128xf32, #tpu.memory_space<vmem>>, vector<1x1x16xf32>,
        %get3A_667 = vector.shape_cast %get3A_666 : vector<1x1x16xf32> to vector<16xf32>
        %mul3A_668 = arith.constant 11.3137083 : f32
        %mul3A_669 = vector.broadcast %mul3A_668 : f32 to vector<16xf32>
        %mul3A_670 = arith.mulf %get3A_667, %mul3A_669 : vector<16xf32>
        %swap3A_671 = arith.constant 0 : i32
        %swap3A_672 = arith.index_cast %swap3A_671 : i32 to index
        %swap3A_673 = arith.index_cast %scan3A_631 : i32 to index
        %swap3A_674 = arith.constant 32 : index
        %swap3A_675 = tpu.vector_load %arg6[%swap3A_672, %swap3A_673, %swap3A_674] {strides = array<i32>} : memref<10x64x128xf32, #tpu.memory_space<vmem>>, vector<1x1x16xf32>,
        %swap3A_676 = vector.shape_cast %swap3A_675 : vector<1x1x16xf32> to vector<16xf32>
        %swap3A_677 = vector.shape_cast %mul3A_670 : vector<16xf32> to vector<1x1x16xf32>
        tpu.vector_store %arg6[%swap3A_672, %swap3A_673, %swap3A_674], %swap3A_677 {strides = array<i32>} : memref<10x64x128xf32, #tpu.memory_space<vmem>>, vector<1x1x16xf32>,
        %get3A_678 = arith.constant 0 : i32
        %get3A_679 = arith.index_cast %get3A_678 : i32 to index
        %get3A_680 = arith.index_cast %scan3A_631 : i32 to index
        %get3A_681 = arith.constant 48 : index
        %get3A_682 = tpu.vector_load %arg6[%get3A_679, %get3A_680, %get3A_681] {strides = array<i32>} : memref<10x64x128xf32, #tpu.memory_space<vmem>>, vector<1x1x16xf32>,
        %get3A_683 = vector.shape_cast %get3A_682 : vector<1x1x16xf32> to vector<16xf32>
        %mul3A_684 = arith.constant 11.3137083 : f32
        %mul3A_685 = vector.broadcast %mul3A_684 : f32 to vector<16xf32>
        %mul3A_686 = arith.mulf %get3A_683, %mul3A_685 : vector<16xf32>
        %swap3A_687 = arith.constant 0 : i32
        %swap3A_688 = arith.index_cast %swap3A_687 : i32 to index
        %swap3A_689 = arith.index_cast %scan3A_631 : i32 to index
        %swap3A_690 = arith.constant 48 : index
        %swap3A_691 = tpu.vector_load %arg6[%swap3A_688, %swap3A_689, %swap3A_690] {strides = array<i32>} : memref<10x64x128xf32, #tpu.memory_space<vmem>>, vector<1x1x16xf32>,
        %swap3A_692 = vector.shape_cast %swap3A_691 : vector<1x1x16xf32> to vector<16xf32>
        %swap3A_693 = vector.shape_cast %mul3A_686 : vector<16xf32> to vector<1x1x16xf32>
        tpu.vector_store %arg6[%swap3A_688, %swap3A_689, %swap3A_690], %swap3A_693 {strides = array<i32>} : memref<10x64x128xf32, #tpu.memory_space<vmem>>, vector<1x1x16xf32>,
        %get3A_694 = arith.constant 0 : i32
        %get3A_695 = arith.index_cast %get3A_694 : i32 to index
        %get3A_696 = arith.index_cast %scan3A_631 : i32 to index
        %get3A_697 = arith.constant 64 : index
        %get3A_698 = tpu.vector_load %arg6[%get3A_695, %get3A_696, %get3A_697] {strides = array<i32>} : memref<10x64x128xf32, #tpu.memory_space<vmem>>, vector<1x1x16xf32>,
        %get3A_699 = vector.shape_cast %get3A_698 : vector<1x1x16xf32> to vector<16xf32>
        %mul3A_700 = arith.constant 11.3137083 : f32
        %mul3A_701 = vector.broadcast %mul3A_700 : f32 to vector<16xf32>
        %mul3A_702 = arith.mulf %get3A_699, %mul3A_701 : vector<16xf32>
        %swap3A_703 = arith.constant 0 : i32
        %swap3A_704 = arith.index_cast %swap3A_703 : i32 to index
        %swap3A_705 = arith.index_cast %scan3A_631 : i32 to index
        %swap3A_706 = arith.constant 64 : index
        %swap3A_707 = tpu.vector_load %arg6[%swap3A_704, %swap3A_705, %swap3A_706] {strides = array<i32>} : memref<10x64x128xf32, #tpu.memory_space<vmem>>, vector<1x1x16xf32>,
        %swap3A_708 = vector.shape_cast %swap3A_707 : vector<1x1x16xf32> to vector<16xf32>
        %swap3A_709 = vector.shape_cast %mul3A_702 : vector<16xf32> to vector<1x1x16xf32>
        tpu.vector_store %arg6[%swap3A_704, %swap3A_705, %swap3A_706], %swap3A_709 {strides = array<i32>} : memref<10x64x128xf32, #tpu.memory_space<vmem>>, vector<1x1x16xf32>,
        %get3A_710 = arith.constant 0 : i32
        %get3A_711 = arith.index_cast %get3A_710 : i32 to index
        %get3A_712 = arith.index_cast %scan3A_631 : i32 to index
        %get3A_713 = arith.constant 80 : index
        %get3A_714 = tpu.vector_load %arg6[%get3A_711, %get3A_712, %get3A_713] {strides = array<i32>} : memref<10x64x128xf32, #tpu.memory_space<vmem>>, vector<1x1x16xf32>,
        %get3A_715 = vector.shape_cast %get3A_714 : vector<1x1x16xf32> to vector<16xf32>
        %mul3A_716 = arith.constant 11.3137083 : f32
        %mul3A_717 = vector.broadcast %mul3A_716 : f32 to vector<16xf32>
        %mul3A_718 = arith.mulf %get3A_715, %mul3A_717 : vector<16xf32>
        %swap3A_719 = arith.constant 0 : i32
        %swap3A_720 = arith.index_cast %swap3A_719 : i32 to index
        %swap3A_721 = arith.index_cast %scan3A_631 : i32 to index
        %swap3A_722 = arith.constant 80 : index
        %swap3A_723 = tpu.vector_load %arg6[%swap3A_720, %swap3A_721, %swap3A_722] {strides = array<i32>} : memref<10x64x128xf32, #tpu.memory_space<vmem>>, vector<1x1x16xf32>,
        %swap3A_724 = vector.shape_cast %swap3A_723 : vector<1x1x16xf32> to vector<16xf32>
        %swap3A_725 = vector.shape_cast %mul3A_718 : vector<16xf32> to vector<1x1x16xf32>
        tpu.vector_store %arg6[%swap3A_720, %swap3A_721, %swap3A_722], %swap3A_725 {strides = array<i32>} : memref<10x64x128xf32, #tpu.memory_space<vmem>>, vector<1x1x16xf32>,
        %get3A_726 = arith.constant 0 : i32
        %get3A_727 = arith.index_cast %get3A_726 : i32 to index
        %get3A_728 = arith.index_cast %scan3A_631 : i32 to index
        %get3A_729 = arith.constant 96 : index
        %get3A_730 = tpu.vector_load %arg6[%get3A_727, %get3A_728, %get3A_729] {strides = array<i32>} : memref<10x64x128xf32, #tpu.memory_space<vmem>>, vector<1x1x16xf32>,
        %get3A_731 = vector.shape_cast %get3A_730 : vector<1x1x16xf32> to vector<16xf32>
        %mul3A_732 = arith.constant 11.3137083 : f32
        %mul3A_733 = vector.broadcast %mul3A_732 : f32 to vector<16xf32>
        %mul3A_734 = arith.mulf %get3A_731, %mul3A_733 : vector<16xf32>
        %swap3A_735 = arith.constant 0 : i32
        %swap3A_736 = arith.index_cast %swap3A_735 : i32 to index
        %swap3A_737 = arith.index_cast %scan3A_631 : i32 to index
        %swap3A_738 = arith.constant 96 : index
        %swap3A_739 = tpu.vector_load %arg6[%swap3A_736, %swap3A_737, %swap3A_738] {strides = array<i32>} : memref<10x64x128xf32, #tpu.memory_space<vmem>>, vector<1x1x16xf32>,
        %swap3A_740 = vector.shape_cast %swap3A_739 : vector<1x1x16xf32> to vector<16xf32>
        %swap3A_741 = vector.shape_cast %mul3A_734 : vector<16xf32> to vector<1x1x16xf32>
        tpu.vector_store %arg6[%swap3A_736, %swap3A_737, %swap3A_738], %swap3A_741 {strides = array<i32>} : memref<10x64x128xf32, #tpu.memory_space<vmem>>, vector<1x1x16xf32>,
        %get3A_742 = arith.constant 0 : i32
        %get3A_743 = arith.index_cast %get3A_742 : i32 to index
        %get3A_744 = arith.index_cast %scan3A_631 : i32 to index
        %get3A_745 = arith.constant 112 : index
        %get3A_746 = tpu.vector_load %arg6[%get3A_743, %get3A_744, %get3A_745] {strides = array<i32>} : memref<10x64x128xf32, #tpu.memory_space<vmem>>, vector<1x1x16xf32>,
        %get3A_747 = vector.shape_cast %get3A_746 : vector<1x1x16xf32> to vector<16xf32>
        %mul3A_748 = arith.constant 11.3137083 : f32
        %mul3A_749 = vector.broadcast %mul3A_748 : f32 to vector<16xf32>
        %mul3A_750 = arith.mulf %get3A_747, %mul3A_749 : vector<16xf32>
        %swap3A_751 = arith.constant 0 : i32
        %swap3A_752 = arith.index_cast %swap3A_751 : i32 to index
        %swap3A_753 = arith.index_cast %scan3A_631 : i32 to index
        %swap3A_754 = arith.constant 112 : index
        %swap3A_755 = tpu.vector_load %arg6[%swap3A_752, %swap3A_753, %swap3A_754] {strides = array<i32>} : memref<10x64x128xf32, #tpu.memory_space<vmem>>, vector<1x1x16xf32>,
        %swap3A_756 = vector.shape_cast %swap3A_755 : vector<1x1x16xf32> to vector<16xf32>
        %swap3A_757 = vector.shape_cast %mul3A_750 : vector<16xf32> to vector<1x1x16xf32>
        tpu.vector_store %arg6[%swap3A_752, %swap3A_753, %swap3A_754], %swap3A_757 {strides = array<i32>} : memref<10x64x128xf32, #tpu.memory_space<vmem>>, vector<1x1x16xf32>,
      }
      %scan3A_164 = arith.constant 64 : i32
      %dma_start3A_165 = arith.constant 0 : i32
      %dma_start3A_166 = arith.constant 0 : i32
      %dma_start3A_167 = arith.constant 0 : i32
      %dma_start3A_168 = tpu.memref_slice %arg6[%dma_start3A_165, %dma_start3A_166, %dma_start3A_167] : memref<10x64x128xf32, #tpu.memory_space<vmem>> -> memref<1x64x128xf32, #tpu.memory_space<vmem>>
      %dma_start3A_169 = tpu.memref_squeeze %dma_start3A_168 : memref<1x64x128xf32, #tpu.memory_space<vmem>> -> memref<64x128xf32, #tpu.memory_space<vmem>>
      %dma_start3A_170 = arith.constant 0 : i32
      %dma_start3A_171 = arith.constant 0 : i32
      %dma_start3A_172 = tpu.memref_slice %arg4[%add3A, %add3A_146, %dma_start3A_170, %dma_start3A_171] : memref<32x100x64x128xf32, #tpu.memory_space<hbm>> -> memref<1x1x64x128xf32, #tpu.memory_space<hbm>>
      %dma_start3A_173 = tpu.memref_squeeze %dma_start3A_172 : memref<1x1x64x128xf32, #tpu.memory_space<hbm>> -> memref<64x128xf32, #tpu.memory_space<hbm>>
      %dma_start3A_174 = arith.constant 0 : i32
      %dma_start3A_175 = arith.constant 0 : i32
      %dma_start3A_176 = tpu.memref_slice %arg4[%add3A, %add3A_146, %dma_start3A_174, %dma_start3A_175] : memref<32x100x64x128xf32, #tpu.memory_space<hbm>> -> memref<1x1x64x128xf32, #tpu.memory_space<hbm>>
      %dma_start3A_177 = tpu.memref_squeeze %dma_start3A_176 : memref<1x1x64x128xf32, #tpu.memory_space<hbm>> -> memref<64x128xf32, #tpu.memory_space<hbm>>
      %dma_start3A_178 = arith.constant 0 : i32
      %dma_start3A_179 = arith.constant 0 : i32
      %dma_start3A_180 = tpu.memref_slice %arg6[%dma_start3A_165, %dma_start3A_178, %dma_start3A_179] : memref<10x64x128xf32, #tpu.memory_space<vmem>> -> memref<1x64x128xf32, #tpu.memory_space<vmem>>
      %dma_start3A_181 = tpu.memref_squeeze %dma_start3A_180 : memref<1x64x128xf32, #tpu.memory_space<vmem>> -> memref<64x128xf32, #tpu.memory_space<vmem>>
      tpu.enqueue_dma source(%dma_start3A_181 : memref<64x128xf32, #tpu.memory_space<vmem>>) target(%dma_start3A_177 : memref<64x128xf32, #tpu.memory_space<hbm>>) target_semaphore(%arg8 : memref<!tpu.dma_semaphore, #tpu.memory_space<semaphore_mem>>)
      %ge3A = arith.constant 3 : i32
      %ge3A_182 = arith.cmpi sge, %add3A_146, %ge3A : i32
      %convert_element_type3A = arith.extui %ge3A_182 : i1 to i32
      %cond3A = arith.constant 0 : i32
      %cond3A_183 = arith.cmpi ne, %convert_element_type3A, %cond3A : i32
      scf.if %cond3A_183 {
        %dma_wait3A_631 = arith.constant 0 : i32
        %dma_wait3A_632 = arith.constant 0 : i32
        %dma_wait3A_633 = arith.constant 0 : i32
        %dma_wait3A_634 = tpu.memref_slice %arg6[%dma_wait3A_631, %dma_wait3A_632, %dma_wait3A_633] : memref<10x64x128xf32, #tpu.memory_space<vmem>> -> memref<1x64x128xf32, #tpu.memory_space<vmem>>
        %dma_wait3A_635 = tpu.memref_squeeze %dma_wait3A_634 : memref<1x64x128xf32, #tpu.memory_space<vmem>> -> memref<64x128xf32, #tpu.memory_space<vmem>>
        %dma_wait3A_636 = arith.constant 0 : i32
        %dma_wait3A_637 = arith.constant 0 : i32
        %dma_wait3A_638 = tpu.memref_slice %arg4[%add3A, %add3A_146, %dma_wait3A_636, %dma_wait3A_637] : memref<32x100x64x128xf32, #tpu.memory_space<hbm>> -> memref<1x1x64x128xf32, #tpu.memory_space<hbm>>
        %dma_wait3A_639 = tpu.memref_squeeze %dma_wait3A_638 : memref<1x1x64x128xf32, #tpu.memory_space<hbm>> -> memref<64x128xf32, #tpu.memory_space<hbm>>
        %dma_wait3A_640 = arith.constant 0 : i32
        %dma_wait3A_641 = arith.constant 0 : i32
        %dma_wait3A_642 = tpu.memref_slice %arg4[%add3A, %add3A_146, %dma_wait3A_640, %dma_wait3A_641] : memref<32x100x64x128xf32, #tpu.memory_space<hbm>> -> memref<1x1x64x128xf32, #tpu.memory_space<hbm>>
        %dma_wait3A_643 = tpu.memref_squeeze %dma_wait3A_642 : memref<1x1x64x128xf32, #tpu.memory_space<hbm>> -> memref<64x128xf32, #tpu.memory_space<hbm>>
        %dma_wait3A_644 = arith.constant 0 : i32
        %dma_wait3A_645 = arith.constant 0 : i32
        %dma_wait3A_646 = tpu.memref_slice %arg6[%dma_wait3A_631, %dma_wait3A_644, %dma_wait3A_645] : memref<10x64x128xf32, #tpu.memory_space<vmem>> -> memref<1x64x128xf32, #tpu.memory_space<vmem>>
        %dma_wait3A_647 = tpu.memref_squeeze %dma_wait3A_646 : memref<1x64x128xf32, #tpu.memory_space<vmem>> -> memref<64x128xf32, #tpu.memory_space<vmem>>
        tpu.wait_dma2 semaphore(%arg8 : memref<!tpu.dma_semaphore, #tpu.memory_space<semaphore_mem>>) src(%dma_wait3A_647 : memref<64x128xf32, #tpu.memory_space<vmem>>) dst(%dma_wait3A_643 : memref<64x128xf32, #tpu.memory_space<hbm>>)
      } else {
      }
      %add3A_184 = arith.constant 7 : i32
      %add3A_185 = arith.addi %add3A_146, %add3A_184 : i32
      %lt3A = arith.constant 100 : i32
      %lt3A_186 = arith.cmpi slt, %add3A_185, %lt3A : i32
      %convert_element_type3A_187 = arith.extui %lt3A_186 : i1 to i32
      %cond3A_188 = arith.constant 0 : i32
      %cond3A_189 = arith.cmpi ne, %convert_element_type3A_187, %cond3A_188 : i32
      scf.if %cond3A_189 {
        %add3A_631 = arith.constant 7 : i32
        %add3A_632 = arith.addi %add3A_146, %add3A_631 : i32
        %dma_start3A_633 = arith.constant 7 : i32
        %dma_start3A_634 = arith.constant 0 : i32
        %dma_start3A_635 = arith.constant 0 : i32
        %dma_start3A_636 = tpu.memref_slice %arg6[%dma_start3A_633, %dma_start3A_634, %dma_start3A_635] : memref<10x64x128xf32, #tpu.memory_space<vmem>> -> memref<1x64x128xf32, #tpu.memory_space<vmem>>
        %dma_start3A_637 = tpu.memref_squeeze %dma_start3A_636 : memref<1x64x128xf32, #tpu.memory_space<vmem>> -> memref<64x128xf32, #tpu.memory_space<vmem>>
        %dma_start3A_638 = arith.constant 0 : i32
        %dma_start3A_639 = tpu.memref_slice %arg5[%add3A_632, %dma_start3A_638] : memref<100x64xi32, #tpu.memory_space<vmem>> -> memref<1x64xi32, #tpu.memory_space<vmem>>
        %dma_start3A_640 = tpu.memref_squeeze %dma_start3A_639 : memref<1x64xi32, #tpu.memory_space<vmem>> -> memref<64xi32, #tpu.memory_space<vmem>>
        %dma_start3A_641 = arith.constant 0 : i32
        %dma_start3A_642 = arith.constant 0 : i32
        %dma_start3A_643 = tpu.memref_slice %arg3[%dma_start3A_641, %dma_start3A_642] : memref<100000x128xf32, #tpu.memory_space<hbm>> -> memref<100000x128xf32, #tpu.memory_space<hbm>>
        tpu.enqueue_indirect_dma source(%dma_start3A_643 : memref<100000x128xf32, #tpu.memory_space<hbm>>) target(%dma_start3A_637 : memref<64x128xf32, #tpu.memory_space<vmem>>) offsets(%dma_start3A_640 : memref<64xi32, #tpu.memory_space<vmem>>) semaphore(%arg7 : memref<!tpu.dma_semaphore, #tpu.memory_space<semaphore_mem>>)
      } else {
      }
      %add3A_190 = arith.constant 1 : i32
      %add3A_191 = arith.addi %mul3A_144, %add3A_190 : i32
      %dma_wait3A_192 = arith.constant 1 : i32
      %dma_wait3A_193 = arith.constant 1 : i32
      %dma_wait3A_194 = arith.constant 0 : i32
      %dma_wait3A_195 = arith.constant 0 : i32
      %dma_wait3A_196 = tpu.memref_slice %arg6[%dma_wait3A_193, %dma_wait3A_194, %dma_wait3A_195] : memref<10x64x128xf32, #tpu.memory_space<vmem>> -> memref<1x64x128xf32, #tpu.memory_space<vmem>>
      %dma_wait3A_197 = tpu.memref_squeeze %dma_wait3A_196 : memref<1x64x128xf32, #tpu.memory_space<vmem>> -> memref<64x128xf32, #tpu.memory_space<vmem>>
      %dma_wait3A_198 = arith.constant 0 : i32
      %dma_wait3A_199 = tpu.memref_slice %arg5[%dma_wait3A_192, %dma_wait3A_198] : memref<100x64xi32, #tpu.memory_space<vmem>> -> memref<1x64xi32, #tpu.memory_space<vmem>>
      %dma_wait3A_200 = tpu.memref_squeeze %dma_wait3A_199 : memref<1x64xi32, #tpu.memory_space<vmem>> -> memref<64xi32, #tpu.memory_space<vmem>>
      %dma_wait3A_201 = arith.constant 0 : i32
      %dma_wait3A_202 = arith.constant 0 : i32
      %dma_wait3A_203 = tpu.memref_slice %arg3[%dma_wait3A_201, %dma_wait3A_202] : memref<100000x128xf32, #tpu.memory_space<hbm>> -> memref<100000x128xf32, #tpu.memory_space<hbm>>
      tpu.wait_indirect_dma semaphore(%arg7 : memref<!tpu.dma_semaphore, #tpu.memory_space<semaphore_mem>>) src(%dma_wait3A_203 : memref<100000x128xf32, #tpu.memory_space<hbm>>) dst(%dma_wait3A_197 : memref<64x128xf32, #tpu.memory_space<vmem>>)
      %scan3A_204 = arith.constant 0 : i32
      %scan3A_205 = arith.constant 0 : i32
      %scan3A_206 = arith.constant 64 : i32
      %scan3A_207 = arith.addi %scan3A_205, %scan3A_206 : i32
      %scan3A_208 = arith.constant 1 : i32
      scf.for %scan3A_631 = %scan3A_205 to %scan3A_207 step %scan3A_208  : i32 {
        %get3A = arith.constant 1 : i32
        %get3A_632 = arith.index_cast %get3A : i32 to index
        %get3A_633 = arith.index_cast %scan3A_631 : i32 to index
        %get3A_634 = arith.constant 0 : index
        %get3A_635 = tpu.vector_load %arg6[%get3A_632, %get3A_633, %get3A_634] {strides = array<i32>} : memref<10x64x128xf32, #tpu.memory_space<vmem>>, vector<1x1x16xf32>,
        %get3A_636 = vector.shape_cast %get3A_635 : vector<1x1x16xf32> to vector<16xf32>
        %mul3A_637 = arith.constant 11.3137083 : f32
        %mul3A_638 = vector.broadcast %mul3A_637 : f32 to vector<16xf32>
        %mul3A_639 = arith.mulf %get3A_636, %mul3A_638 : vector<16xf32>
        %swap3A = arith.constant 1 : i32
        %swap3A_640 = arith.index_cast %swap3A : i32 to index
        %swap3A_641 = arith.index_cast %scan3A_631 : i32 to index
        %swap3A_642 = arith.constant 0 : index
        %swap3A_643 = tpu.vector_load %arg6[%swap3A_640, %swap3A_641, %swap3A_642] {strides = array<i32>} : memref<10x64x128xf32, #tpu.memory_space<vmem>>, vector<1x1x16xf32>,
        %swap3A_644 = vector.shape_cast %swap3A_643 : vector<1x1x16xf32> to vector<16xf32>
        %swap3A_645 = vector.shape_cast %mul3A_639 : vector<16xf32> to vector<1x1x16xf32>
        tpu.vector_store %arg6[%swap3A_640, %swap3A_641, %swap3A_642], %swap3A_645 {strides = array<i32>} : memref<10x64x128xf32, #tpu.memory_space<vmem>>, vector<1x1x16xf32>,
        %get3A_646 = arith.constant 1 : i32
        %get3A_647 = arith.index_cast %get3A_646 : i32 to index
        %get3A_648 = arith.index_cast %scan3A_631 : i32 to index
        %get3A_649 = arith.constant 16 : index
        %get3A_650 = tpu.vector_load %arg6[%get3A_647, %get3A_648, %get3A_649] {strides = array<i32>} : memref<10x64x128xf32, #tpu.memory_space<vmem>>, vector<1x1x16xf32>,
        %get3A_651 = vector.shape_cast %get3A_650 : vector<1x1x16xf32> to vector<16xf32>
        %mul3A_652 = arith.constant 11.3137083 : f32
        %mul3A_653 = vector.broadcast %mul3A_652 : f32 to vector<16xf32>
        %mul3A_654 = arith.mulf %get3A_651, %mul3A_653 : vector<16xf32>
        %swap3A_655 = arith.constant 1 : i32
        %swap3A_656 = arith.index_cast %swap3A_655 : i32 to index
        %swap3A_657 = arith.index_cast %scan3A_631 : i32 to index
        %swap3A_658 = arith.constant 16 : index
        %swap3A_659 = tpu.vector_load %arg6[%swap3A_656, %swap3A_657, %swap3A_658] {strides = array<i32>} : memref<10x64x128xf32, #tpu.memory_space<vmem>>, vector<1x1x16xf32>,
        %swap3A_660 = vector.shape_cast %swap3A_659 : vector<1x1x16xf32> to vector<16xf32>
        %swap3A_661 = vector.shape_cast %mul3A_654 : vector<16xf32> to vector<1x1x16xf32>
        tpu.vector_store %arg6[%swap3A_656, %swap3A_657, %swap3A_658], %swap3A_661 {strides = array<i32>} : memref<10x64x128xf32, #tpu.memory_space<vmem>>, vector<1x1x16xf32>,
        %get3A_662 = arith.constant 1 : i32
        %get3A_663 = arith.index_cast %get3A_662 : i32 to index
        %get3A_664 = arith.index_cast %scan3A_631 : i32 to index
        %get3A_665 = arith.constant 32 : index
        %get3A_666 = tpu.vector_load %arg6[%get3A_663, %get3A_664, %get3A_665] {strides = array<i32>} : memref<10x64x128xf32, #tpu.memory_space<vmem>>, vector<1x1x16xf32>,
        %get3A_667 = vector.shape_cast %get3A_666 : vector<1x1x16xf32> to vector<16xf32>
        %mul3A_668 = arith.constant 11.3137083 : f32
        %mul3A_669 = vector.broadcast %mul3A_668 : f32 to vector<16xf32>
        %mul3A_670 = arith.mulf %get3A_667, %mul3A_669 : vector<16xf32>
        %swap3A_671 = arith.constant 1 : i32
        %swap3A_672 = arith.index_cast %swap3A_671 : i32 to index
        %swap3A_673 = arith.index_cast %scan3A_631 : i32 to index
        %swap3A_674 = arith.constant 32 : index
        %swap3A_675 = tpu.vector_load %arg6[%swap3A_672, %swap3A_673, %swap3A_674] {strides = array<i32>} : memref<10x64x128xf32, #tpu.memory_space<vmem>>, vector<1x1x16xf32>,
        %swap3A_676 = vector.shape_cast %swap3A_675 : vector<1x1x16xf32> to vector<16xf32>
        %swap3A_677 = vector.shape_cast %mul3A_670 : vector<16xf32> to vector<1x1x16xf32>
        tpu.vector_store %arg6[%swap3A_672, %swap3A_673, %swap3A_674], %swap3A_677 {strides = array<i32>} : memref<10x64x128xf32, #tpu.memory_space<vmem>>, vector<1x1x16xf32>,
        %get3A_678 = arith.constant 1 : i32
        %get3A_679 = arith.index_cast %get3A_678 : i32 to index
        %get3A_680 = arith.index_cast %scan3A_631 : i32 to index
        %get3A_681 = arith.constant 48 : index
        %get3A_682 = tpu.vector_load %arg6[%get3A_679, %get3A_680, %get3A_681] {strides = array<i32>} : memref<10x64x128xf32, #tpu.memory_space<vmem>>, vector<1x1x16xf32>,
        %get3A_683 = vector.shape_cast %get3A_682 : vector<1x1x16xf32> to vector<16xf32>
        %mul3A_684 = arith.constant 11.3137083 : f32
        %mul3A_685 = vector.broadcast %mul3A_684 : f32 to vector<16xf32>
        %mul3A_686 = arith.mulf %get3A_683, %mul3A_685 : vector<16xf32>
        %swap3A_687 = arith.constant 1 : i32
        %swap3A_688 = arith.index_cast %swap3A_687 : i32 to index
        %swap3A_689 = arith.index_cast %scan3A_631 : i32 to index
        %swap3A_690 = arith.constant 48 : index
        %swap3A_691 = tpu.vector_load %arg6[%swap3A_688, %swap3A_689, %swap3A_690] {strides = array<i32>} : memref<10x64x128xf32, #tpu.memory_space<vmem>>, vector<1x1x16xf32>,
        %swap3A_692 = vector.shape_cast %swap3A_691 : vector<1x1x16xf32> to vector<16xf32>
        %swap3A_693 = vector.shape_cast %mul3A_686 : vector<16xf32> to vector<1x1x16xf32>
        tpu.vector_store %arg6[%swap3A_688, %swap3A_689, %swap3A_690], %swap3A_693 {strides = array<i32>} : memref<10x64x128xf32, #tpu.memory_space<vmem>>, vector<1x1x16xf32>,
        %get3A_694 = arith.constant 1 : i32
        %get3A_695 = arith.index_cast %get3A_694 : i32 to index
        %get3A_696 = arith.index_cast %scan3A_631 : i32 to index
        %get3A_697 = arith.constant 64 : index
        %get3A_698 = tpu.vector_load %arg6[%get3A_695, %get3A_696, %get3A_697] {strides = array<i32>} : memref<10x64x128xf32, #tpu.memory_space<vmem>>, vector<1x1x16xf32>,
        %get3A_699 = vector.shape_cast %get3A_698 : vector<1x1x16xf32> to vector<16xf32>
        %mul3A_700 = arith.constant 11.3137083 : f32
        %mul3A_701 = vector.broadcast %mul3A_700 : f32 to vector<16xf32>
        %mul3A_702 = arith.mulf %get3A_699, %mul3A_701 : vector<16xf32>
        %swap3A_703 = arith.constant 1 : i32
        %swap3A_704 = arith.index_cast %swap3A_703 : i32 to index
        %swap3A_705 = arith.index_cast %scan3A_631 : i32 to index
        %swap3A_706 = arith.constant 64 : index
        %swap3A_707 = tpu.vector_load %arg6[%swap3A_704, %swap3A_705, %swap3A_706] {strides = array<i32>} : memref<10x64x128xf32, #tpu.memory_space<vmem>>, vector<1x1x16xf32>,
        %swap3A_708 = vector.shape_cast %swap3A_707 : vector<1x1x16xf32> to vector<16xf32>
        %swap3A_709 = vector.shape_cast %mul3A_702 : vector<16xf32> to vector<1x1x16xf32>
        tpu.vector_store %arg6[%swap3A_704, %swap3A_705, %swap3A_706], %swap3A_709 {strides = array<i32>} : memref<10x64x128xf32, #tpu.memory_space<vmem>>, vector<1x1x16xf32>,
        %get3A_710 = arith.constant 1 : i32
        %get3A_711 = arith.index_cast %get3A_710 : i32 to index
        %get3A_712 = arith.index_cast %scan3A_631 : i32 to index
        %get3A_713 = arith.constant 80 : index
        %get3A_714 = tpu.vector_load %arg6[%get3A_711, %get3A_712, %get3A_713] {strides = array<i32>} : memref<10x64x128xf32, #tpu.memory_space<vmem>>, vector<1x1x16xf32>,
        %get3A_715 = vector.shape_cast %get3A_714 : vector<1x1x16xf32> to vector<16xf32>
        %mul3A_716 = arith.constant 11.3137083 : f32
        %mul3A_717 = vector.broadcast %mul3A_716 : f32 to vector<16xf32>
        %mul3A_718 = arith.mulf %get3A_715, %mul3A_717 : vector<16xf32>
        %swap3A_719 = arith.constant 1 : i32
        %swap3A_720 = arith.index_cast %swap3A_719 : i32 to index
        %swap3A_721 = arith.index_cast %scan3A_631 : i32 to index
        %swap3A_722 = arith.constant 80 : index
        %swap3A_723 = tpu.vector_load %arg6[%swap3A_720, %swap3A_721, %swap3A_722] {strides = array<i32>} : memref<10x64x128xf32, #tpu.memory_space<vmem>>, vector<1x1x16xf32>,
        %swap3A_724 = vector.shape_cast %swap3A_723 : vector<1x1x16xf32> to vector<16xf32>
        %swap3A_725 = vector.shape_cast %mul3A_718 : vector<16xf32> to vector<1x1x16xf32>
        tpu.vector_store %arg6[%swap3A_720, %swap3A_721, %swap3A_722], %swap3A_725 {strides = array<i32>} : memref<10x64x128xf32, #tpu.memory_space<vmem>>, vector<1x1x16xf32>,
        %get3A_726 = arith.constant 1 : i32
        %get3A_727 = arith.index_cast %get3A_726 : i32 to index
        %get3A_728 = arith.index_cast %scan3A_631 : i32 to index
        %get3A_729 = arith.constant 96 : index
        %get3A_730 = tpu.vector_load %arg6[%get3A_727, %get3A_728, %get3A_729] {strides = array<i32>} : memref<10x64x128xf32, #tpu.memory_space<vmem>>, vector<1x1x16xf32>,
        %get3A_731 = vector.shape_cast %get3A_730 : vector<1x1x16xf32> to vector<16xf32>
        %mul3A_732 = arith.constant 11.3137083 : f32
        %mul3A_733 = vector.broadcast %mul3A_732 : f32 to vector<16xf32>
        %mul3A_734 = arith.mulf %get3A_731, %mul3A_733 : vector<16xf32>
        %swap3A_735 = arith.constant 1 : i32
        %swap3A_736 = arith.index_cast %swap3A_735 : i32 to index
        %swap3A_737 = arith.index_cast %scan3A_631 : i32 to index
        %swap3A_738 = arith.constant 96 : index
        %swap3A_739 = tpu.vector_load %arg6[%swap3A_736, %swap3A_737, %swap3A_738] {strides = array<i32>} : memref<10x64x128xf32, #tpu.memory_space<vmem>>, vector<1x1x16xf32>,
        %swap3A_740 = vector.shape_cast %swap3A_739 : vector<1x1x16xf32> to vector<16xf32>
        %swap3A_741 = vector.shape_cast %mul3A_734 : vector<16xf32> to vector<1x1x16xf32>
        tpu.vector_store %arg6[%swap3A_736, %swap3A_737, %swap3A_738], %swap3A_741 {strides = array<i32>} : memref<10x64x128xf32, #tpu.memory_space<vmem>>, vector<1x1x16xf32>,
        %get3A_742 = arith.constant 1 : i32
        %get3A_743 = arith.index_cast %get3A_742 : i32 to index
        %get3A_744 = arith.index_cast %scan3A_631 : i32 to index
        %get3A_745 = arith.constant 112 : index
        %get3A_746 = tpu.vector_load %arg6[%get3A_743, %get3A_744, %get3A_745] {strides = array<i32>} : memref<10x64x128xf32, #tpu.memory_space<vmem>>, vector<1x1x16xf32>,
        %get3A_747 = vector.shape_cast %get3A_746 : vector<1x1x16xf32> to vector<16xf32>
        %mul3A_748 = arith.constant 11.3137083 : f32
        %mul3A_749 = vector.broadcast %mul3A_748 : f32 to vector<16xf32>
        %mul3A_750 = arith.mulf %get3A_747, %mul3A_749 : vector<16xf32>
        %swap3A_751 = arith.constant 1 : i32
        %swap3A_752 = arith.index_cast %swap3A_751 : i32 to index
        %swap3A_753 = arith.index_cast %scan3A_631 : i32 to index
        %swap3A_754 = arith.constant 112 : index
        %swap3A_755 = tpu.vector_load %arg6[%swap3A_752, %swap3A_753, %swap3A_754] {strides = array<i32>} : memref<10x64x128xf32, #tpu.memory_space<vmem>>, vector<1x1x16xf32>,
        %swap3A_756 = vector.shape_cast %swap3A_755 : vector<1x1x16xf32> to vector<16xf32>
        %swap3A_757 = vector.shape_cast %mul3A_750 : vector<16xf32> to vector<1x1x16xf32>
        tpu.vector_store %arg6[%swap3A_752, %swap3A_753, %swap3A_754], %swap3A_757 {strides = array<i32>} : memref<10x64x128xf32, #tpu.memory_space<vmem>>, vector<1x1x16xf32>,
      }
      %scan3A_209 = arith.constant 64 : i32
      %dma_start3A_210 = arith.constant 1 : i32
      %dma_start3A_211 = arith.constant 0 : i32
      %dma_start3A_212 = arith.constant 0 : i32
      %dma_start3A_213 = tpu.memref_slice %arg6[%dma_start3A_210, %dma_start3A_211, %dma_start3A_212] : memref<10x64x128xf32, #tpu.memory_space<vmem>> -> memref<1x64x128xf32, #tpu.memory_space<vmem>>
      %dma_start3A_214 = tpu.memref_squeeze %dma_start3A_213 : memref<1x64x128xf32, #tpu.memory_space<vmem>> -> memref<64x128xf32, #tpu.memory_space<vmem>>
      %dma_start3A_215 = arith.constant 0 : i32
      %dma_start3A_216 = arith.constant 0 : i32
      %dma_start3A_217 = tpu.memref_slice %arg4[%add3A, %add3A_191, %dma_start3A_215, %dma_start3A_216] : memref<32x100x64x128xf32, #tpu.memory_space<hbm>> -> memref<1x1x64x128xf32, #tpu.memory_space<hbm>>
      %dma_start3A_218 = tpu.memref_squeeze %dma_start3A_217 : memref<1x1x64x128xf32, #tpu.memory_space<hbm>> -> memref<64x128xf32, #tpu.memory_space<hbm>>
      %dma_start3A_219 = arith.constant 0 : i32
      %dma_start3A_220 = arith.constant 0 : i32
      %dma_start3A_221 = tpu.memref_slice %arg4[%add3A, %add3A_191, %dma_start3A_219, %dma_start3A_220] : memref<32x100x64x128xf32, #tpu.memory_space<hbm>> -> memref<1x1x64x128xf32, #tpu.memory_space<hbm>>
      %dma_start3A_222 = tpu.memref_squeeze %dma_start3A_221 : memref<1x1x64x128xf32, #tpu.memory_space<hbm>> -> memref<64x128xf32, #tpu.memory_space<hbm>>
      %dma_start3A_223 = arith.constant 0 : i32
      %dma_start3A_224 = arith.constant 0 : i32
      %dma_start3A_225 = tpu.memref_slice %arg6[%dma_start3A_210, %dma_start3A_223, %dma_start3A_224] : memref<10x64x128xf32, #tpu.memory_space<vmem>> -> memref<1x64x128xf32, #tpu.memory_space<vmem>>
      %dma_start3A_226 = tpu.memref_squeeze %dma_start3A_225 : memref<1x64x128xf32, #tpu.memory_space<vmem>> -> memref<64x128xf32, #tpu.memory_space<vmem>>
      tpu.enqueue_dma source(%dma_start3A_226 : memref<64x128xf32, #tpu.memory_space<vmem>>) target(%dma_start3A_222 : memref<64x128xf32, #tpu.memory_space<hbm>>) target_semaphore(%arg8 : memref<!tpu.dma_semaphore, #tpu.memory_space<semaphore_mem>>)
      %ge3A_227 = arith.constant 3 : i32
      %ge3A_228 = arith.cmpi sge, %add3A_191, %ge3A_227 : i32
      %convert_element_type3A_229 = arith.extui %ge3A_228 : i1 to i32
      %cond3A_230 = arith.constant 0 : i32
      %cond3A_231 = arith.cmpi ne, %convert_element_type3A_229, %cond3A_230 : i32
      scf.if %cond3A_231 {
        %dma_wait3A_631 = arith.constant 1 : i32
        %dma_wait3A_632 = arith.constant 0 : i32
        %dma_wait3A_633 = arith.constant 0 : i32
        %dma_wait3A_634 = tpu.memref_slice %arg6[%dma_wait3A_631, %dma_wait3A_632, %dma_wait3A_633] : memref<10x64x128xf32, #tpu.memory_space<vmem>> -> memref<1x64x128xf32, #tpu.memory_space<vmem>>
        %dma_wait3A_635 = tpu.memref_squeeze %dma_wait3A_634 : memref<1x64x128xf32, #tpu.memory_space<vmem>> -> memref<64x128xf32, #tpu.memory_space<vmem>>
        %dma_wait3A_636 = arith.constant 0 : i32
        %dma_wait3A_637 = arith.constant 0 : i32
        %dma_wait3A_638 = tpu.memref_slice %arg4[%add3A, %add3A_191, %dma_wait3A_636, %dma_wait3A_637] : memref<32x100x64x128xf32, #tpu.memory_space<hbm>> -> memref<1x1x64x128xf32, #tpu.memory_space<hbm>>
        %dma_wait3A_639 = tpu.memref_squeeze %dma_wait3A_638 : memref<1x1x64x128xf32, #tpu.memory_space<hbm>> -> memref<64x128xf32, #tpu.memory_space<hbm>>
        %dma_wait3A_640 = arith.constant 0 : i32
        %dma_wait3A_641 = arith.constant 0 : i32
        %dma_wait3A_642 = tpu.memref_slice %arg4[%add3A, %add3A_191, %dma_wait3A_640, %dma_wait3A_641] : memref<32x100x64x128xf32, #tpu.memory_space<hbm>> -> memref<1x1x64x128xf32, #tpu.memory_space<hbm>>
        %dma_wait3A_643 = tpu.memref_squeeze %dma_wait3A_642 : memref<1x1x64x128xf32, #tpu.memory_space<hbm>> -> memref<64x128xf32, #tpu.memory_space<hbm>>
        %dma_wait3A_644 = arith.constant 0 : i32
        %dma_wait3A_645 = arith.constant 0 : i32
        %dma_wait3A_646 = tpu.memref_slice %arg6[%dma_wait3A_631, %dma_wait3A_644, %dma_wait3A_645] : memref<10x64x128xf32, #tpu.memory_space<vmem>> -> memref<1x64x128xf32, #tpu.memory_space<vmem>>
        %dma_wait3A_647 = tpu.memref_squeeze %dma_wait3A_646 : memref<1x64x128xf32, #tpu.memory_space<vmem>> -> memref<64x128xf32, #tpu.memory_space<vmem>>
        tpu.wait_dma2 semaphore(%arg8 : memref<!tpu.dma_semaphore, #tpu.memory_space<semaphore_mem>>) src(%dma_wait3A_647 : memref<64x128xf32, #tpu.memory_space<vmem>>) dst(%dma_wait3A_643 : memref<64x128xf32, #tpu.memory_space<hbm>>)
      } else {
      }
      %add3A_232 = arith.constant 7 : i32
      %add3A_233 = arith.addi %add3A_191, %add3A_232 : i32
      %lt3A_234 = arith.constant 100 : i32
      %lt3A_235 = arith.cmpi slt, %add3A_233, %lt3A_234 : i32
      %convert_element_type3A_236 = arith.extui %lt3A_235 : i1 to i32
      %cond3A_237 = arith.constant 0 : i32
      %cond3A_238 = arith.cmpi ne, %convert_element_type3A_236, %cond3A_237 : i32
      scf.if %cond3A_238 {
        %add3A_631 = arith.constant 7 : i32
        %add3A_632 = arith.addi %add3A_191, %add3A_631 : i32
        %dma_start3A_633 = arith.constant 8 : i32
        %dma_start3A_634 = arith.constant 0 : i32
        %dma_start3A_635 = arith.constant 0 : i32
        %dma_start3A_636 = tpu.memref_slice %arg6[%dma_start3A_633, %dma_start3A_634, %dma_start3A_635] : memref<10x64x128xf32, #tpu.memory_space<vmem>> -> memref<1x64x128xf32, #tpu.memory_space<vmem>>
        %dma_start3A_637 = tpu.memref_squeeze %dma_start3A_636 : memref<1x64x128xf32, #tpu.memory_space<vmem>> -> memref<64x128xf32, #tpu.memory_space<vmem>>
        %dma_start3A_638 = arith.constant 0 : i32
        %dma_start3A_639 = tpu.memref_slice %arg5[%add3A_632, %dma_start3A_638] : memref<100x64xi32, #tpu.memory_space<vmem>> -> memref<1x64xi32, #tpu.memory_space<vmem>>
        %dma_start3A_640 = tpu.memref_squeeze %dma_start3A_639 : memref<1x64xi32, #tpu.memory_space<vmem>> -> memref<64xi32, #tpu.memory_space<vmem>>
        %dma_start3A_641 = arith.constant 0 : i32
        %dma_start3A_642 = arith.constant 0 : i32
        %dma_start3A_643 = tpu.memref_slice %arg3[%dma_start3A_641, %dma_start3A_642] : memref<100000x128xf32, #tpu.memory_space<hbm>> -> memref<100000x128xf32, #tpu.memory_space<hbm>>
        tpu.enqueue_indirect_dma source(%dma_start3A_643 : memref<100000x128xf32, #tpu.memory_space<hbm>>) target(%dma_start3A_637 : memref<64x128xf32, #tpu.memory_space<vmem>>) offsets(%dma_start3A_640 : memref<64xi32, #tpu.memory_space<vmem>>) semaphore(%arg7 : memref<!tpu.dma_semaphore, #tpu.memory_space<semaphore_mem>>)
      } else {
      }
      %add3A_239 = arith.constant 2 : i32
      %add3A_240 = arith.addi %mul3A_144, %add3A_239 : i32
      %dma_wait3A_241 = arith.constant 2 : i32
      %dma_wait3A_242 = arith.constant 2 : i32
      %dma_wait3A_243 = arith.constant 0 : i32
      %dma_wait3A_244 = arith.constant 0 : i32
      %dma_wait3A_245 = tpu.memref_slice %arg6[%dma_wait3A_242, %dma_wait3A_243, %dma_wait3A_244] : memref<10x64x128xf32, #tpu.memory_space<vmem>> -> memref<1x64x128xf32, #tpu.memory_space<vmem>>
      %dma_wait3A_246 = tpu.memref_squeeze %dma_wait3A_245 : memref<1x64x128xf32, #tpu.memory_space<vmem>> -> memref<64x128xf32, #tpu.memory_space<vmem>>
      %dma_wait3A_247 = arith.constant 0 : i32
      %dma_wait3A_248 = tpu.memref_slice %arg5[%dma_wait3A_241, %dma_wait3A_247] : memref<100x64xi32, #tpu.memory_space<vmem>> -> memref<1x64xi32, #tpu.memory_space<vmem>>
      %dma_wait3A_249 = tpu.memref_squeeze %dma_wait3A_248 : memref<1x64xi32, #tpu.memory_space<vmem>> -> memref<64xi32, #tpu.memory_space<vmem>>
      %dma_wait3A_250 = arith.constant 0 : i32
      %dma_wait3A_251 = arith.constant 0 : i32
      %dma_wait3A_252 = tpu.memref_slice %arg3[%dma_wait3A_250, %dma_wait3A_251] : memref<100000x128xf32, #tpu.memory_space<hbm>> -> memref<100000x128xf32, #tpu.memory_space<hbm>>
      tpu.wait_indirect_dma semaphore(%arg7 : memref<!tpu.dma_semaphore, #tpu.memory_space<semaphore_mem>>) src(%dma_wait3A_252 : memref<100000x128xf32, #tpu.memory_space<hbm>>) dst(%dma_wait3A_246 : memref<64x128xf32, #tpu.memory_space<vmem>>)
      %scan3A_253 = arith.constant 0 : i32
      %scan3A_254 = arith.constant 0 : i32
      %scan3A_255 = arith.constant 64 : i32
      %scan3A_256 = arith.addi %scan3A_254, %scan3A_255 : i32
      %scan3A_257 = arith.constant 1 : i32
      scf.for %scan3A_631 = %scan3A_254 to %scan3A_256 step %scan3A_257  : i32 {
        %get3A = arith.constant 2 : i32
        %get3A_632 = arith.index_cast %get3A : i32 to index
        %get3A_633 = arith.index_cast %scan3A_631 : i32 to index
        %get3A_634 = arith.constant 0 : index
        %get3A_635 = tpu.vector_load %arg6[%get3A_632, %get3A_633, %get3A_634] {strides = array<i32>} : memref<10x64x128xf32, #tpu.memory_space<vmem>>, vector<1x1x16xf32>,
        %get3A_636 = vector.shape_cast %get3A_635 : vector<1x1x16xf32> to vector<16xf32>
        %mul3A_637 = arith.constant 11.3137083 : f32
        %mul3A_638 = vector.broadcast %mul3A_637 : f32 to vector<16xf32>
        %mul3A_639 = arith.mulf %get3A_636, %mul3A_638 : vector<16xf32>
        %swap3A = arith.constant 2 : i32
        %swap3A_640 = arith.index_cast %swap3A : i32 to index
        %swap3A_641 = arith.index_cast %scan3A_631 : i32 to index
        %swap3A_642 = arith.constant 0 : index
        %swap3A_643 = tpu.vector_load %arg6[%swap3A_640, %swap3A_641, %swap3A_642] {strides = array<i32>} : memref<10x64x128xf32, #tpu.memory_space<vmem>>, vector<1x1x16xf32>,
        %swap3A_644 = vector.shape_cast %swap3A_643 : vector<1x1x16xf32> to vector<16xf32>
        %swap3A_645 = vector.shape_cast %mul3A_639 : vector<16xf32> to vector<1x1x16xf32>
        tpu.vector_store %arg6[%swap3A_640, %swap3A_641, %swap3A_642], %swap3A_645 {strides = array<i32>} : memref<10x64x128xf32, #tpu.memory_space<vmem>>, vector<1x1x16xf32>,
        %get3A_646 = arith.constant 2 : i32
        %get3A_647 = arith.index_cast %get3A_646 : i32 to index
        %get3A_648 = arith.index_cast %scan3A_631 : i32 to index
        %get3A_649 = arith.constant 16 : index
        %get3A_650 = tpu.vector_load %arg6[%get3A_647, %get3A_648, %get3A_649] {strides = array<i32>} : memref<10x64x128xf32, #tpu.memory_space<vmem>>, vector<1x1x16xf32>,
        %get3A_651 = vector.shape_cast %get3A_650 : vector<1x1x16xf32> to vector<16xf32>
        %mul3A_652 = arith.constant 11.3137083 : f32
        %mul3A_653 = vector.broadcast %mul3A_652 : f32 to vector<16xf32>
        %mul3A_654 = arith.mulf %get3A_651, %mul3A_653 : vector<16xf32>
        %swap3A_655 = arith.constant 2 : i32
        %swap3A_656 = arith.index_cast %swap3A_655 : i32 to index
        %swap3A_657 = arith.index_cast %scan3A_631 : i32 to index
        %swap3A_658 = arith.constant 16 : index
        %swap3A_659 = tpu.vector_load %arg6[%swap3A_656, %swap3A_657, %swap3A_658] {strides = array<i32>} : memref<10x64x128xf32, #tpu.memory_space<vmem>>, vector<1x1x16xf32>,
        %swap3A_660 = vector.shape_cast %swap3A_659 : vector<1x1x16xf32> to vector<16xf32>
        %swap3A_661 = vector.shape_cast %mul3A_654 : vector<16xf32> to vector<1x1x16xf32>
        tpu.vector_store %arg6[%swap3A_656, %swap3A_657, %swap3A_658], %swap3A_661 {strides = array<i32>} : memref<10x64x128xf32, #tpu.memory_space<vmem>>, vector<1x1x16xf32>,
        %get3A_662 = arith.constant 2 : i32
        %get3A_663 = arith.index_cast %get3A_662 : i32 to index
        %get3A_664 = arith.index_cast %scan3A_631 : i32 to index
        %get3A_665 = arith.constant 32 : index
        %get3A_666 = tpu.vector_load %arg6[%get3A_663, %get3A_664, %get3A_665] {strides = array<i32>} : memref<10x64x128xf32, #tpu.memory_space<vmem>>, vector<1x1x16xf32>,
        %get3A_667 = vector.shape_cast %get3A_666 : vector<1x1x16xf32> to vector<16xf32>
        %mul3A_668 = arith.constant 11.3137083 : f32
        %mul3A_669 = vector.broadcast %mul3A_668 : f32 to vector<16xf32>
        %mul3A_670 = arith.mulf %get3A_667, %mul3A_669 : vector<16xf32>
        %swap3A_671 = arith.constant 2 : i32
        %swap3A_672 = arith.index_cast %swap3A_671 : i32 to index
        %swap3A_673 = arith.index_cast %scan3A_631 : i32 to index
        %swap3A_674 = arith.constant 32 : index
        %swap3A_675 = tpu.vector_load %arg6[%swap3A_672, %swap3A_673, %swap3A_674] {strides = array<i32>} : memref<10x64x128xf32, #tpu.memory_space<vmem>>, vector<1x1x16xf32>,
        %swap3A_676 = vector.shape_cast %swap3A_675 : vector<1x1x16xf32> to vector<16xf32>
        %swap3A_677 = vector.shape_cast %mul3A_670 : vector<16xf32> to vector<1x1x16xf32>
        tpu.vector_store %arg6[%swap3A_672, %swap3A_673, %swap3A_674], %swap3A_677 {strides = array<i32>} : memref<10x64x128xf32, #tpu.memory_space<vmem>>, vector<1x1x16xf32>,
        %get3A_678 = arith.constant 2 : i32
        %get3A_679 = arith.index_cast %get3A_678 : i32 to index
        %get3A_680 = arith.index_cast %scan3A_631 : i32 to index
        %get3A_681 = arith.constant 48 : index
        %get3A_682 = tpu.vector_load %arg6[%get3A_679, %get3A_680, %get3A_681] {strides = array<i32>} : memref<10x64x128xf32, #tpu.memory_space<vmem>>, vector<1x1x16xf32>,
        %get3A_683 = vector.shape_cast %get3A_682 : vector<1x1x16xf32> to vector<16xf32>
        %mul3A_684 = arith.constant 11.3137083 : f32
        %mul3A_685 = vector.broadcast %mul3A_684 : f32 to vector<16xf32>
        %mul3A_686 = arith.mulf %get3A_683, %mul3A_685 : vector<16xf32>
        %swap3A_687 = arith.constant 2 : i32
        %swap3A_688 = arith.index_cast %swap3A_687 : i32 to index
        %swap3A_689 = arith.index_cast %scan3A_631 : i32 to index
        %swap3A_690 = arith.constant 48 : index
        %swap3A_691 = tpu.vector_load %arg6[%swap3A_688, %swap3A_689, %swap3A_690] {strides = array<i32>} : memref<10x64x128xf32, #tpu.memory_space<vmem>>, vector<1x1x16xf32>,
        %swap3A_692 = vector.shape_cast %swap3A_691 : vector<1x1x16xf32> to vector<16xf32>
        %swap3A_693 = vector.shape_cast %mul3A_686 : vector<16xf32> to vector<1x1x16xf32>
        tpu.vector_store %arg6[%swap3A_688, %swap3A_689, %swap3A_690], %swap3A_693 {strides = array<i32>} : memref<10x64x128xf32, #tpu.memory_space<vmem>>, vector<1x1x16xf32>,
        %get3A_694 = arith.constant 2 : i32
        %get3A_695 = arith.index_cast %get3A_694 : i32 to index
        %get3A_696 = arith.index_cast %scan3A_631 : i32 to index
        %get3A_697 = arith.constant 64 : index
        %get3A_698 = tpu.vector_load %arg6[%get3A_695, %get3A_696, %get3A_697] {strides = array<i32>} : memref<10x64x128xf32, #tpu.memory_space<vmem>>, vector<1x1x16xf32>,
        %get3A_699 = vector.shape_cast %get3A_698 : vector<1x1x16xf32> to vector<16xf32>
        %mul3A_700 = arith.constant 11.3137083 : f32
        %mul3A_701 = vector.broadcast %mul3A_700 : f32 to vector<16xf32>
        %mul3A_702 = arith.mulf %get3A_699, %mul3A_701 : vector<16xf32>
        %swap3A_703 = arith.constant 2 : i32
        %swap3A_704 = arith.index_cast %swap3A_703 : i32 to index
        %swap3A_705 = arith.index_cast %scan3A_631 : i32 to index
        %swap3A_706 = arith.constant 64 : index
        %swap3A_707 = tpu.vector_load %arg6[%swap3A_704, %swap3A_705, %swap3A_706] {strides = array<i32>} : memref<10x64x128xf32, #tpu.memory_space<vmem>>, vector<1x1x16xf32>,
        %swap3A_708 = vector.shape_cast %swap3A_707 : vector<1x1x16xf32> to vector<16xf32>
        %swap3A_709 = vector.shape_cast %mul3A_702 : vector<16xf32> to vector<1x1x16xf32>
        tpu.vector_store %arg6[%swap3A_704, %swap3A_705, %swap3A_706], %swap3A_709 {strides = array<i32>} : memref<10x64x128xf32, #tpu.memory_space<vmem>>, vector<1x1x16xf32>,
        %get3A_710 = arith.constant 2 : i32
        %get3A_711 = arith.index_cast %get3A_710 : i32 to index
        %get3A_712 = arith.index_cast %scan3A_631 : i32 to index
        %get3A_713 = arith.constant 80 : index
        %get3A_714 = tpu.vector_load %arg6[%get3A_711, %get3A_712, %get3A_713] {strides = array<i32>} : memref<10x64x128xf32, #tpu.memory_space<vmem>>, vector<1x1x16xf32>,
        %get3A_715 = vector.shape_cast %get3A_714 : vector<1x1x16xf32> to vector<16xf32>
        %mul3A_716 = arith.constant 11.3137083 : f32
        %mul3A_717 = vector.broadcast %mul3A_716 : f32 to vector<16xf32>
        %mul3A_718 = arith.mulf %get3A_715, %mul3A_717 : vector<16xf32>
        %swap3A_719 = arith.constant 2 : i32
        %swap3A_720 = arith.index_cast %swap3A_719 : i32 to index
        %swap3A_721 = arith.index_cast %scan3A_631 : i32 to index
        %swap3A_722 = arith.constant 80 : index
        %swap3A_723 = tpu.vector_load %arg6[%swap3A_720, %swap3A_721, %swap3A_722] {strides = array<i32>} : memref<10x64x128xf32, #tpu.memory_space<vmem>>, vector<1x1x16xf32>,
        %swap3A_724 = vector.shape_cast %swap3A_723 : vector<1x1x16xf32> to vector<16xf32>
        %swap3A_725 = vector.shape_cast %mul3A_718 : vector<16xf32> to vector<1x1x16xf32>
        tpu.vector_store %arg6[%swap3A_720, %swap3A_721, %swap3A_722], %swap3A_725 {strides = array<i32>} : memref<10x64x128xf32, #tpu.memory_space<vmem>>, vector<1x1x16xf32>,
        %get3A_726 = arith.constant 2 : i32
        %get3A_727 = arith.index_cast %get3A_726 : i32 to index
        %get3A_728 = arith.index_cast %scan3A_631 : i32 to index
        %get3A_729 = arith.constant 96 : index
        %get3A_730 = tpu.vector_load %arg6[%get3A_727, %get3A_728, %get3A_729] {strides = array<i32>} : memref<10x64x128xf32, #tpu.memory_space<vmem>>, vector<1x1x16xf32>,
        %get3A_731 = vector.shape_cast %get3A_730 : vector<1x1x16xf32> to vector<16xf32>
        %mul3A_732 = arith.constant 11.3137083 : f32
        %mul3A_733 = vector.broadcast %mul3A_732 : f32 to vector<16xf32>
        %mul3A_734 = arith.mulf %get3A_731, %mul3A_733 : vector<16xf32>
        %swap3A_735 = arith.constant 2 : i32
        %swap3A_736 = arith.index_cast %swap3A_735 : i32 to index
        %swap3A_737 = arith.index_cast %scan3A_631 : i32 to index
        %swap3A_738 = arith.constant 96 : index
        %swap3A_739 = tpu.vector_load %arg6[%swap3A_736, %swap3A_737, %swap3A_738] {strides = array<i32>} : memref<10x64x128xf32, #tpu.memory_space<vmem>>, vector<1x1x16xf32>,
        %swap3A_740 = vector.shape_cast %swap3A_739 : vector<1x1x16xf32> to vector<16xf32>
        %swap3A_741 = vector.shape_cast %mul3A_734 : vector<16xf32> to vector<1x1x16xf32>
        tpu.vector_store %arg6[%swap3A_736, %swap3A_737, %swap3A_738], %swap3A_741 {strides = array<i32>} : memref<10x64x128xf32, #tpu.memory_space<vmem>>, vector<1x1x16xf32>,
        %get3A_742 = arith.constant 2 : i32
        %get3A_743 = arith.index_cast %get3A_742 : i32 to index
        %get3A_744 = arith.index_cast %scan3A_631 : i32 to index
        %get3A_745 = arith.constant 112 : index
        %get3A_746 = tpu.vector_load %arg6[%get3A_743, %get3A_744, %get3A_745] {strides = array<i32>} : memref<10x64x128xf32, #tpu.memory_space<vmem>>, vector<1x1x16xf32>,
        %get3A_747 = vector.shape_cast %get3A_746 : vector<1x1x16xf32> to vector<16xf32>
        %mul3A_748 = arith.constant 11.3137083 : f32
        %mul3A_749 = vector.broadcast %mul3A_748 : f32 to vector<16xf32>
        %mul3A_750 = arith.mulf %get3A_747, %mul3A_749 : vector<16xf32>
        %swap3A_751 = arith.constant 2 : i32
        %swap3A_752 = arith.index_cast %swap3A_751 : i32 to index
        %swap3A_753 = arith.index_cast %scan3A_631 : i32 to index
        %swap3A_754 = arith.constant 112 : index
        %swap3A_755 = tpu.vector_load %arg6[%swap3A_752, %swap3A_753, %swap3A_754] {strides = array<i32>} : memref<10x64x128xf32, #tpu.memory_space<vmem>>, vector<1x1x16xf32>,
        %swap3A_756 = vector.shape_cast %swap3A_755 : vector<1x1x16xf32> to vector<16xf32>
        %swap3A_757 = vector.shape_cast %mul3A_750 : vector<16xf32> to vector<1x1x16xf32>
        tpu.vector_store %arg6[%swap3A_752, %swap3A_753, %swap3A_754], %swap3A_757 {strides = array<i32>} : memref<10x64x128xf32, #tpu.memory_space<vmem>>, vector<1x1x16xf32>,
      }
      %scan3A_258 = arith.constant 64 : i32
      %dma_start3A_259 = arith.constant 2 : i32
      %dma_start3A_260 = arith.constant 0 : i32
      %dma_start3A_261 = arith.constant 0 : i32
      %dma_start3A_262 = tpu.memref_slice %arg6[%dma_start3A_259, %dma_start3A_260, %dma_start3A_261] : memref<10x64x128xf32, #tpu.memory_space<vmem>> -> memref<1x64x128xf32, #tpu.memory_space<vmem>>
      %dma_start3A_263 = tpu.memref_squeeze %dma_start3A_262 : memref<1x64x128xf32, #tpu.memory_space<vmem>> -> memref<64x128xf32, #tpu.memory_space<vmem>>
      %dma_start3A_264 = arith.constant 0 : i32
      %dma_start3A_265 = arith.constant 0 : i32
      %dma_start3A_266 = tpu.memref_slice %arg4[%add3A, %add3A_240, %dma_start3A_264, %dma_start3A_265] : memref<32x100x64x128xf32, #tpu.memory_space<hbm>> -> memref<1x1x64x128xf32, #tpu.memory_space<hbm>>
      %dma_start3A_267 = tpu.memref_squeeze %dma_start3A_266 : memref<1x1x64x128xf32, #tpu.memory_space<hbm>> -> memref<64x128xf32, #tpu.memory_space<hbm>>
      %dma_start3A_268 = arith.constant 0 : i32
      %dma_start3A_269 = arith.constant 0 : i32
      %dma_start3A_270 = tpu.memref_slice %arg4[%add3A, %add3A_240, %dma_start3A_268, %dma_start3A_269] : memref<32x100x64x128xf32, #tpu.memory_space<hbm>> -> memref<1x1x64x128xf32, #tpu.memory_space<hbm>>
      %dma_start3A_271 = tpu.memref_squeeze %dma_start3A_270 : memref<1x1x64x128xf32, #tpu.memory_space<hbm>> -> memref<64x128xf32, #tpu.memory_space<hbm>>
      %dma_start3A_272 = arith.constant 0 : i32
      %dma_start3A_273 = arith.constant 0 : i32
      %dma_start3A_274 = tpu.memref_slice %arg6[%dma_start3A_259, %dma_start3A_272, %dma_start3A_273] : memref<10x64x128xf32, #tpu.memory_space<vmem>> -> memref<1x64x128xf32, #tpu.memory_space<vmem>>
      %dma_start3A_275 = tpu.memref_squeeze %dma_start3A_274 : memref<1x64x128xf32, #tpu.memory_space<vmem>> -> memref<64x128xf32, #tpu.memory_space<vmem>>
      tpu.enqueue_dma source(%dma_start3A_275 : memref<64x128xf32, #tpu.memory_space<vmem>>) target(%dma_start3A_271 : memref<64x128xf32, #tpu.memory_space<hbm>>) target_semaphore(%arg8 : memref<!tpu.dma_semaphore, #tpu.memory_space<semaphore_mem>>)
      %ge3A_276 = arith.constant 3 : i32
      %ge3A_277 = arith.cmpi sge, %add3A_240, %ge3A_276 : i32
      %convert_element_type3A_278 = arith.extui %ge3A_277 : i1 to i32
      %cond3A_279 = arith.constant 0 : i32
      %cond3A_280 = arith.cmpi ne, %convert_element_type3A_278, %cond3A_279 : i32
      scf.if %cond3A_280 {
        %dma_wait3A_631 = arith.constant 2 : i32
        %dma_wait3A_632 = arith.constant 0 : i32
        %dma_wait3A_633 = arith.constant 0 : i32
        %dma_wait3A_634 = tpu.memref_slice %arg6[%dma_wait3A_631, %dma_wait3A_632, %dma_wait3A_633] : memref<10x64x128xf32, #tpu.memory_space<vmem>> -> memref<1x64x128xf32, #tpu.memory_space<vmem>>
        %dma_wait3A_635 = tpu.memref_squeeze %dma_wait3A_634 : memref<1x64x128xf32, #tpu.memory_space<vmem>> -> memref<64x128xf32, #tpu.memory_space<vmem>>
        %dma_wait3A_636 = arith.constant 0 : i32
        %dma_wait3A_637 = arith.constant 0 : i32
        %dma_wait3A_638 = tpu.memref_slice %arg4[%add3A, %add3A_240, %dma_wait3A_636, %dma_wait3A_637] : memref<32x100x64x128xf32, #tpu.memory_space<hbm>> -> memref<1x1x64x128xf32, #tpu.memory_space<hbm>>
        %dma_wait3A_639 = tpu.memref_squeeze %dma_wait3A_638 : memref<1x1x64x128xf32, #tpu.memory_space<hbm>> -> memref<64x128xf32, #tpu.memory_space<hbm>>
        %dma_wait3A_640 = arith.constant 0 : i32
        %dma_wait3A_641 = arith.constant 0 : i32
        %dma_wait3A_642 = tpu.memref_slice %arg4[%add3A, %add3A_240, %dma_wait3A_640, %dma_wait3A_641] : memref<32x100x64x128xf32, #tpu.memory_space<hbm>> -> memref<1x1x64x128xf32, #tpu.memory_space<hbm>>
        %dma_wait3A_643 = tpu.memref_squeeze %dma_wait3A_642 : memref<1x1x64x128xf32, #tpu.memory_space<hbm>> -> memref<64x128xf32, #tpu.memory_space<hbm>>
        %dma_wait3A_644 = arith.constant 0 : i32
        %dma_wait3A_645 = arith.constant 0 : i32
        %dma_wait3A_646 = tpu.memref_slice %arg6[%dma_wait3A_631, %dma_wait3A_644, %dma_wait3A_645] : memref<10x64x128xf32, #tpu.memory_space<vmem>> -> memref<1x64x128xf32, #tpu.memory_space<vmem>>
        %dma_wait3A_647 = tpu.memref_squeeze %dma_wait3A_646 : memref<1x64x128xf32, #tpu.memory_space<vmem>> -> memref<64x128xf32, #tpu.memory_space<vmem>>
        tpu.wait_dma2 semaphore(%arg8 : memref<!tpu.dma_semaphore, #tpu.memory_space<semaphore_mem>>) src(%dma_wait3A_647 : memref<64x128xf32, #tpu.memory_space<vmem>>) dst(%dma_wait3A_643 : memref<64x128xf32, #tpu.memory_space<hbm>>)
      } else {
      }
      %add3A_281 = arith.constant 7 : i32
      %add3A_282 = arith.addi %add3A_240, %add3A_281 : i32
      %lt3A_283 = arith.constant 100 : i32
      %lt3A_284 = arith.cmpi slt, %add3A_282, %lt3A_283 : i32
      %convert_element_type3A_285 = arith.extui %lt3A_284 : i1 to i32
      %cond3A_286 = arith.constant 0 : i32
      %cond3A_287 = arith.cmpi ne, %convert_element_type3A_285, %cond3A_286 : i32
      scf.if %cond3A_287 {
        %add3A_631 = arith.constant 7 : i32
        %add3A_632 = arith.addi %add3A_240, %add3A_631 : i32
        %dma_start3A_633 = arith.constant 9 : i32
        %dma_start3A_634 = arith.constant 0 : i32
        %dma_start3A_635 = arith.constant 0 : i32
        %dma_start3A_636 = tpu.memref_slice %arg6[%dma_start3A_633, %dma_start3A_634, %dma_start3A_635] : memref<10x64x128xf32, #tpu.memory_space<vmem>> -> memref<1x64x128xf32, #tpu.memory_space<vmem>>
        %dma_start3A_637 = tpu.memref_squeeze %dma_start3A_636 : memref<1x64x128xf32, #tpu.memory_space<vmem>> -> memref<64x128xf32, #tpu.memory_space<vmem>>
        %dma_start3A_638 = arith.constant 0 : i32
        %dma_start3A_639 = tpu.memref_slice %arg5[%add3A_632, %dma_start3A_638] : memref<100x64xi32, #tpu.memory_space<vmem>> -> memref<1x64xi32, #tpu.memory_space<vmem>>
        %dma_start3A_640 = tpu.memref_squeeze %dma_start3A_639 : memref<1x64xi32, #tpu.memory_space<vmem>> -> memref<64xi32, #tpu.memory_space<vmem>>
        %dma_start3A_641 = arith.constant 0 : i32
        %dma_start3A_642 = arith.constant 0 : i32
        %dma_start3A_643 = tpu.memref_slice %arg3[%dma_start3A_641, %dma_start3A_642] : memref<100000x128xf32, #tpu.memory_space<hbm>> -> memref<100000x128xf32, #tpu.memory_space<hbm>>
        tpu.enqueue_indirect_dma source(%dma_start3A_643 : memref<100000x128xf32, #tpu.memory_space<hbm>>) target(%dma_start3A_637 : memref<64x128xf32, #tpu.memory_space<vmem>>) offsets(%dma_start3A_640 : memref<64xi32, #tpu.memory_space<vmem>>) semaphore(%arg7 : memref<!tpu.dma_semaphore, #tpu.memory_space<semaphore_mem>>)
      } else {
      }
      %add3A_288 = arith.constant 3 : i32
      %add3A_289 = arith.addi %mul3A_144, %add3A_288 : i32
      %dma_wait3A_290 = arith.constant 3 : i32
      %dma_wait3A_291 = arith.constant 3 : i32
      %dma_wait3A_292 = arith.constant 0 : i32
      %dma_wait3A_293 = arith.constant 0 : i32
      %dma_wait3A_294 = tpu.memref_slice %arg6[%dma_wait3A_291, %dma_wait3A_292, %dma_wait3A_293] : memref<10x64x128xf32, #tpu.memory_space<vmem>> -> memref<1x64x128xf32, #tpu.memory_space<vmem>>
      %dma_wait3A_295 = tpu.memref_squeeze %dma_wait3A_294 : memref<1x64x128xf32, #tpu.memory_space<vmem>> -> memref<64x128xf32, #tpu.memory_space<vmem>>
      %dma_wait3A_296 = arith.constant 0 : i32
      %dma_wait3A_297 = tpu.memref_slice %arg5[%dma_wait3A_290, %dma_wait3A_296] : memref<100x64xi32, #tpu.memory_space<vmem>> -> memref<1x64xi32, #tpu.memory_space<vmem>>
      %dma_wait3A_298 = tpu.memref_squeeze %dma_wait3A_297 : memref<1x64xi32, #tpu.memory_space<vmem>> -> memref<64xi32, #tpu.memory_space<vmem>>
      %dma_wait3A_299 = arith.constant 0 : i32
      %dma_wait3A_300 = arith.constant 0 : i32
      %dma_wait3A_301 = tpu.memref_slice %arg3[%dma_wait3A_299, %dma_wait3A_300] : memref<100000x128xf32, #tpu.memory_space<hbm>> -> memref<100000x128xf32, #tpu.memory_space<hbm>>
      tpu.wait_indirect_dma semaphore(%arg7 : memref<!tpu.dma_semaphore, #tpu.memory_space<semaphore_mem>>) src(%dma_wait3A_301 : memref<100000x128xf32, #tpu.memory_space<hbm>>) dst(%dma_wait3A_295 : memref<64x128xf32, #tpu.memory_space<vmem>>)
      %scan3A_302 = arith.constant 0 : i32
      %scan3A_303 = arith.constant 0 : i32
      %scan3A_304 = arith.constant 64 : i32
      %scan3A_305 = arith.addi %scan3A_303, %scan3A_304 : i32
      %scan3A_306 = arith.constant 1 : i32
      scf.for %scan3A_631 = %scan3A_303 to %scan3A_305 step %scan3A_306  : i32 {
        %get3A = arith.constant 3 : i32
        %get3A_632 = arith.index_cast %get3A : i32 to index
        %get3A_633 = arith.index_cast %scan3A_631 : i32 to index
        %get3A_634 = arith.constant 0 : index
        %get3A_635 = tpu.vector_load %arg6[%get3A_632, %get3A_633, %get3A_634] {strides = array<i32>} : memref<10x64x128xf32, #tpu.memory_space<vmem>>, vector<1x1x16xf32>,
        %get3A_636 = vector.shape_cast %get3A_635 : vector<1x1x16xf32> to vector<16xf32>
        %mul3A_637 = arith.constant 11.3137083 : f32
        %mul3A_638 = vector.broadcast %mul3A_637 : f32 to vector<16xf32>
        %mul3A_639 = arith.mulf %get3A_636, %mul3A_638 : vector<16xf32>
        %swap3A = arith.constant 3 : i32
        %swap3A_640 = arith.index_cast %swap3A : i32 to index
        %swap3A_641 = arith.index_cast %scan3A_631 : i32 to index
        %swap3A_642 = arith.constant 0 : index
        %swap3A_643 = tpu.vector_load %arg6[%swap3A_640, %swap3A_641, %swap3A_642] {strides = array<i32>} : memref<10x64x128xf32, #tpu.memory_space<vmem>>, vector<1x1x16xf32>,
        %swap3A_644 = vector.shape_cast %swap3A_643 : vector<1x1x16xf32> to vector<16xf32>
        %swap3A_645 = vector.shape_cast %mul3A_639 : vector<16xf32> to vector<1x1x16xf32>
        tpu.vector_store %arg6[%swap3A_640, %swap3A_641, %swap3A_642], %swap3A_645 {strides = array<i32>} : memref<10x64x128xf32, #tpu.memory_space<vmem>>, vector<1x1x16xf32>,
        %get3A_646 = arith.constant 3 : i32
        %get3A_647 = arith.index_cast %get3A_646 : i32 to index
        %get3A_648 = arith.index_cast %scan3A_631 : i32 to index
        %get3A_649 = arith.constant 16 : index
        %get3A_650 = tpu.vector_load %arg6[%get3A_647, %get3A_648, %get3A_649] {strides = array<i32>} : memref<10x64x128xf32, #tpu.memory_space<vmem>>, vector<1x1x16xf32>,
        %get3A_651 = vector.shape_cast %get3A_650 : vector<1x1x16xf32> to vector<16xf32>
        %mul3A_652 = arith.constant 11.3137083 : f32
        %mul3A_653 = vector.broadcast %mul3A_652 : f32 to vector<16xf32>
        %mul3A_654 = arith.mulf %get3A_651, %mul3A_653 : vector<16xf32>
        %swap3A_655 = arith.constant 3 : i32
        %swap3A_656 = arith.index_cast %swap3A_655 : i32 to index
        %swap3A_657 = arith.index_cast %scan3A_631 : i32 to index
        %swap3A_658 = arith.constant 16 : index
        %swap3A_659 = tpu.vector_load %arg6[%swap3A_656, %swap3A_657, %swap3A_658] {strides = array<i32>} : memref<10x64x128xf32, #tpu.memory_space<vmem>>, vector<1x1x16xf32>,
        %swap3A_660 = vector.shape_cast %swap3A_659 : vector<1x1x16xf32> to vector<16xf32>
        %swap3A_661 = vector.shape_cast %mul3A_654 : vector<16xf32> to vector<1x1x16xf32>
        tpu.vector_store %arg6[%swap3A_656, %swap3A_657, %swap3A_658], %swap3A_661 {strides = array<i32>} : memref<10x64x128xf32, #tpu.memory_space<vmem>>, vector<1x1x16xf32>,
        %get3A_662 = arith.constant 3 : i32
        %get3A_663 = arith.index_cast %get3A_662 : i32 to index
        %get3A_664 = arith.index_cast %scan3A_631 : i32 to index
        %get3A_665 = arith.constant 32 : index
        %get3A_666 = tpu.vector_load %arg6[%get3A_663, %get3A_664, %get3A_665] {strides = array<i32>} : memref<10x64x128xf32, #tpu.memory_space<vmem>>, vector<1x1x16xf32>,
        %get3A_667 = vector.shape_cast %get3A_666 : vector<1x1x16xf32> to vector<16xf32>
        %mul3A_668 = arith.constant 11.3137083 : f32
        %mul3A_669 = vector.broadcast %mul3A_668 : f32 to vector<16xf32>
        %mul3A_670 = arith.mulf %get3A_667, %mul3A_669 : vector<16xf32>
        %swap3A_671 = arith.constant 3 : i32
        %swap3A_672 = arith.index_cast %swap3A_671 : i32 to index
        %swap3A_673 = arith.index_cast %scan3A_631 : i32 to index
        %swap3A_674 = arith.constant 32 : index
        %swap3A_675 = tpu.vector_load %arg6[%swap3A_672, %swap3A_673, %swap3A_674] {strides = array<i32>} : memref<10x64x128xf32, #tpu.memory_space<vmem>>, vector<1x1x16xf32>,
        %swap3A_676 = vector.shape_cast %swap3A_675 : vector<1x1x16xf32> to vector<16xf32>
        %swap3A_677 = vector.shape_cast %mul3A_670 : vector<16xf32> to vector<1x1x16xf32>
        tpu.vector_store %arg6[%swap3A_672, %swap3A_673, %swap3A_674], %swap3A_677 {strides = array<i32>} : memref<10x64x128xf32, #tpu.memory_space<vmem>>, vector<1x1x16xf32>,
        %get3A_678 = arith.constant 3 : i32
        %get3A_679 = arith.index_cast %get3A_678 : i32 to index
        %get3A_680 = arith.index_cast %scan3A_631 : i32 to index
        %get3A_681 = arith.constant 48 : index
        %get3A_682 = tpu.vector_load %arg6[%get3A_679, %get3A_680, %get3A_681] {strides = array<i32>} : memref<10x64x128xf32, #tpu.memory_space<vmem>>, vector<1x1x16xf32>,
        %get3A_683 = vector.shape_cast %get3A_682 : vector<1x1x16xf32> to vector<16xf32>
        %mul3A_684 = arith.constant 11.3137083 : f32
        %mul3A_685 = vector.broadcast %mul3A_684 : f32 to vector<16xf32>
        %mul3A_686 = arith.mulf %get3A_683, %mul3A_685 : vector<16xf32>
        %swap3A_687 = arith.constant 3 : i32
        %swap3A_688 = arith.index_cast %swap3A_687 : i32 to index
        %swap3A_689 = arith.index_cast %scan3A_631 : i32 to index
        %swap3A_690 = arith.constant 48 : index
        %swap3A_691 = tpu.vector_load %arg6[%swap3A_688, %swap3A_689, %swap3A_690] {strides = array<i32>} : memref<10x64x128xf32, #tpu.memory_space<vmem>>, vector<1x1x16xf32>,
        %swap3A_692 = vector.shape_cast %swap3A_691 : vector<1x1x16xf32> to vector<16xf32>
        %swap3A_693 = vector.shape_cast %mul3A_686 : vector<16xf32> to vector<1x1x16xf32>
        tpu.vector_store %arg6[%swap3A_688, %swap3A_689, %swap3A_690], %swap3A_693 {strides = array<i32>} : memref<10x64x128xf32, #tpu.memory_space<vmem>>, vector<1x1x16xf32>,
        %get3A_694 = arith.constant 3 : i32
        %get3A_695 = arith.index_cast %get3A_694 : i32 to index
        %get3A_696 = arith.index_cast %scan3A_631 : i32 to index
        %get3A_697 = arith.constant 64 : index
        %get3A_698 = tpu.vector_load %arg6[%get3A_695, %get3A_696, %get3A_697] {strides = array<i32>} : memref<10x64x128xf32, #tpu.memory_space<vmem>>, vector<1x1x16xf32>,
        %get3A_699 = vector.shape_cast %get3A_698 : vector<1x1x16xf32> to vector<16xf32>
        %mul3A_700 = arith.constant 11.3137083 : f32
        %mul3A_701 = vector.broadcast %mul3A_700 : f32 to vector<16xf32>
        %mul3A_702 = arith.mulf %get3A_699, %mul3A_701 : vector<16xf32>
        %swap3A_703 = arith.constant 3 : i32
        %swap3A_704 = arith.index_cast %swap3A_703 : i32 to index
        %swap3A_705 = arith.index_cast %scan3A_631 : i32 to index
        %swap3A_706 = arith.constant 64 : index
        %swap3A_707 = tpu.vector_load %arg6[%swap3A_704, %swap3A_705, %swap3A_706] {strides = array<i32>} : memref<10x64x128xf32, #tpu.memory_space<vmem>>, vector<1x1x16xf32>,
        %swap3A_708 = vector.shape_cast %swap3A_707 : vector<1x1x16xf32> to vector<16xf32>
        %swap3A_709 = vector.shape_cast %mul3A_702 : vector<16xf32> to vector<1x1x16xf32>
        tpu.vector_store %arg6[%swap3A_704, %swap3A_705, %swap3A_706], %swap3A_709 {strides = array<i32>} : memref<10x64x128xf32, #tpu.memory_space<vmem>>, vector<1x1x16xf32>,
        %get3A_710 = arith.constant 3 : i32
        %get3A_711 = arith.index_cast %get3A_710 : i32 to index
        %get3A_712 = arith.index_cast %scan3A_631 : i32 to index
        %get3A_713 = arith.constant 80 : index
        %get3A_714 = tpu.vector_load %arg6[%get3A_711, %get3A_712, %get3A_713] {strides = array<i32>} : memref<10x64x128xf32, #tpu.memory_space<vmem>>, vector<1x1x16xf32>,
        %get3A_715 = vector.shape_cast %get3A_714 : vector<1x1x16xf32> to vector<16xf32>
        %mul3A_716 = arith.constant 11.3137083 : f32
        %mul3A_717 = vector.broadcast %mul3A_716 : f32 to vector<16xf32>
        %mul3A_718 = arith.mulf %get3A_715, %mul3A_717 : vector<16xf32>
        %swap3A_719 = arith.constant 3 : i32
        %swap3A_720 = arith.index_cast %swap3A_719 : i32 to index
        %swap3A_721 = arith.index_cast %scan3A_631 : i32 to index
        %swap3A_722 = arith.constant 80 : index
        %swap3A_723 = tpu.vector_load %arg6[%swap3A_720, %swap3A_721, %swap3A_722] {strides = array<i32>} : memref<10x64x128xf32, #tpu.memory_space<vmem>>, vector<1x1x16xf32>,
        %swap3A_724 = vector.shape_cast %swap3A_723 : vector<1x1x16xf32> to vector<16xf32>
        %swap3A_725 = vector.shape_cast %mul3A_718 : vector<16xf32> to vector<1x1x16xf32>
        tpu.vector_store %arg6[%swap3A_720, %swap3A_721, %swap3A_722], %swap3A_725 {strides = array<i32>} : memref<10x64x128xf32, #tpu.memory_space<vmem>>, vector<1x1x16xf32>,
        %get3A_726 = arith.constant 3 : i32
        %get3A_727 = arith.index_cast %get3A_726 : i32 to index
        %get3A_728 = arith.index_cast %scan3A_631 : i32 to index
        %get3A_729 = arith.constant 96 : index
        %get3A_730 = tpu.vector_load %arg6[%get3A_727, %get3A_728, %get3A_729] {strides = array<i32>} : memref<10x64x128xf32, #tpu.memory_space<vmem>>, vector<1x1x16xf32>,
        %get3A_731 = vector.shape_cast %get3A_730 : vector<1x1x16xf32> to vector<16xf32>
        %mul3A_732 = arith.constant 11.3137083 : f32
        %mul3A_733 = vector.broadcast %mul3A_732 : f32 to vector<16xf32>
        %mul3A_734 = arith.mulf %get3A_731, %mul3A_733 : vector<16xf32>
        %swap3A_735 = arith.constant 3 : i32
        %swap3A_736 = arith.index_cast %swap3A_735 : i32 to index
        %swap3A_737 = arith.index_cast %scan3A_631 : i32 to index
        %swap3A_738 = arith.constant 96 : index
        %swap3A_739 = tpu.vector_load %arg6[%swap3A_736, %swap3A_737, %swap3A_738] {strides = array<i32>} : memref<10x64x128xf32, #tpu.memory_space<vmem>>, vector<1x1x16xf32>,
        %swap3A_740 = vector.shape_cast %swap3A_739 : vector<1x1x16xf32> to vector<16xf32>
        %swap3A_741 = vector.shape_cast %mul3A_734 : vector<16xf32> to vector<1x1x16xf32>
        tpu.vector_store %arg6[%swap3A_736, %swap3A_737, %swap3A_738], %swap3A_741 {strides = array<i32>} : memref<10x64x128xf32, #tpu.memory_space<vmem>>, vector<1x1x16xf32>,
        %get3A_742 = arith.constant 3 : i32
        %get3A_743 = arith.index_cast %get3A_742 : i32 to index
        %get3A_744 = arith.index_cast %scan3A_631 : i32 to index
        %get3A_745 = arith.constant 112 : index
        %get3A_746 = tpu.vector_load %arg6[%get3A_743, %get3A_744, %get3A_745] {strides = array<i32>} : memref<10x64x128xf32, #tpu.memory_space<vmem>>, vector<1x1x16xf32>,
        %get3A_747 = vector.shape_cast %get3A_746 : vector<1x1x16xf32> to vector<16xf32>
        %mul3A_748 = arith.constant 11.3137083 : f32
        %mul3A_749 = vector.broadcast %mul3A_748 : f32 to vector<16xf32>
        %mul3A_750 = arith.mulf %get3A_747, %mul3A_749 : vector<16xf32>
        %swap3A_751 = arith.constant 3 : i32
        %swap3A_752 = arith.index_cast %swap3A_751 : i32 to index
        %swap3A_753 = arith.index_cast %scan3A_631 : i32 to index
        %swap3A_754 = arith.constant 112 : index
        %swap3A_755 = tpu.vector_load %arg6[%swap3A_752, %swap3A_753, %swap3A_754] {strides = array<i32>} : memref<10x64x128xf32, #tpu.memory_space<vmem>>, vector<1x1x16xf32>,
        %swap3A_756 = vector.shape_cast %swap3A_755 : vector<1x1x16xf32> to vector<16xf32>
        %swap3A_757 = vector.shape_cast %mul3A_750 : vector<16xf32> to vector<1x1x16xf32>
        tpu.vector_store %arg6[%swap3A_752, %swap3A_753, %swap3A_754], %swap3A_757 {strides = array<i32>} : memref<10x64x128xf32, #tpu.memory_space<vmem>>, vector<1x1x16xf32>,
      }
      %scan3A_307 = arith.constant 64 : i32
      %dma_start3A_308 = arith.constant 3 : i32
      %dma_start3A_309 = arith.constant 0 : i32
      %dma_start3A_310 = arith.constant 0 : i32
      %dma_start3A_311 = tpu.memref_slice %arg6[%dma_start3A_308, %dma_start3A_309, %dma_start3A_310] : memref<10x64x128xf32, #tpu.memory_space<vmem>> -> memref<1x64x128xf32, #tpu.memory_space<vmem>>
      %dma_start3A_312 = tpu.memref_squeeze %dma_start3A_311 : memref<1x64x128xf32, #tpu.memory_space<vmem>> -> memref<64x128xf32, #tpu.memory_space<vmem>>
      %dma_start3A_313 = arith.constant 0 : i32
      %dma_start3A_314 = arith.constant 0 : i32
      %dma_start3A_315 = tpu.memref_slice %arg4[%add3A, %add3A_289, %dma_start3A_313, %dma_start3A_314] : memref<32x100x64x128xf32, #tpu.memory_space<hbm>> -> memref<1x1x64x128xf32, #tpu.memory_space<hbm>>
      %dma_start3A_316 = tpu.memref_squeeze %dma_start3A_315 : memref<1x1x64x128xf32, #tpu.memory_space<hbm>> -> memref<64x128xf32, #tpu.memory_space<hbm>>
      %dma_start3A_317 = arith.constant 0 : i32
      %dma_start3A_318 = arith.constant 0 : i32
      %dma_start3A_319 = tpu.memref_slice %arg4[%add3A, %add3A_289, %dma_start3A_317, %dma_start3A_318] : memref<32x100x64x128xf32, #tpu.memory_space<hbm>> -> memref<1x1x64x128xf32, #tpu.memory_space<hbm>>
      %dma_start3A_320 = tpu.memref_squeeze %dma_start3A_319 : memref<1x1x64x128xf32, #tpu.memory_space<hbm>> -> memref<64x128xf32, #tpu.memory_space<hbm>>
      %dma_start3A_321 = arith.constant 0 : i32
      %dma_start3A_322 = arith.constant 0 : i32
      %dma_start3A_323 = tpu.memref_slice %arg6[%dma_start3A_308, %dma_start3A_321, %dma_start3A_322] : memref<10x64x128xf32, #tpu.memory_space<vmem>> -> memref<1x64x128xf32, #tpu.memory_space<vmem>>
      %dma_start3A_324 = tpu.memref_squeeze %dma_start3A_323 : memref<1x64x128xf32, #tpu.memory_space<vmem>> -> memref<64x128xf32, #tpu.memory_space<vmem>>
      tpu.enqueue_dma source(%dma_start3A_324 : memref<64x128xf32, #tpu.memory_space<vmem>>) target(%dma_start3A_320 : memref<64x128xf32, #tpu.memory_space<hbm>>) target_semaphore(%arg8 : memref<!tpu.dma_semaphore, #tpu.memory_space<semaphore_mem>>)
      %ge3A_325 = arith.constant 3 : i32
      %ge3A_326 = arith.cmpi sge, %add3A_289, %ge3A_325 : i32
      %convert_element_type3A_327 = arith.extui %ge3A_326 : i1 to i32
      %cond3A_328 = arith.constant 0 : i32
      %cond3A_329 = arith.cmpi ne, %convert_element_type3A_327, %cond3A_328 : i32
      scf.if %cond3A_329 {
        %dma_wait3A_631 = arith.constant 3 : i32
        %dma_wait3A_632 = arith.constant 0 : i32
        %dma_wait3A_633 = arith.constant 0 : i32
        %dma_wait3A_634 = tpu.memref_slice %arg6[%dma_wait3A_631, %dma_wait3A_632, %dma_wait3A_633] : memref<10x64x128xf32, #tpu.memory_space<vmem>> -> memref<1x64x128xf32, #tpu.memory_space<vmem>>
        %dma_wait3A_635 = tpu.memref_squeeze %dma_wait3A_634 : memref<1x64x128xf32, #tpu.memory_space<vmem>> -> memref<64x128xf32, #tpu.memory_space<vmem>>
        %dma_wait3A_636 = arith.constant 0 : i32
        %dma_wait3A_637 = arith.constant 0 : i32
        %dma_wait3A_638 = tpu.memref_slice %arg4[%add3A, %add3A_289, %dma_wait3A_636, %dma_wait3A_637] : memref<32x100x64x128xf32, #tpu.memory_space<hbm>> -> memref<1x1x64x128xf32, #tpu.memory_space<hbm>>
        %dma_wait3A_639 = tpu.memref_squeeze %dma_wait3A_638 : memref<1x1x64x128xf32, #tpu.memory_space<hbm>> -> memref<64x128xf32, #tpu.memory_space<hbm>>
        %dma_wait3A_640 = arith.constant 0 : i32
        %dma_wait3A_641 = arith.constant 0 : i32
        %dma_wait3A_642 = tpu.memref_slice %arg4[%add3A, %add3A_289, %dma_wait3A_640, %dma_wait3A_641] : memref<32x100x64x128xf32, #tpu.memory_space<hbm>> -> memref<1x1x64x128xf32, #tpu.memory_space<hbm>>
        %dma_wait3A_643 = tpu.memref_squeeze %dma_wait3A_642 : memref<1x1x64x128xf32, #tpu.memory_space<hbm>> -> memref<64x128xf32, #tpu.memory_space<hbm>>
        %dma_wait3A_644 = arith.constant 0 : i32
        %dma_wait3A_645 = arith.constant 0 : i32
        %dma_wait3A_646 = tpu.memref_slice %arg6[%dma_wait3A_631, %dma_wait3A_644, %dma_wait3A_645] : memref<10x64x128xf32, #tpu.memory_space<vmem>> -> memref<1x64x128xf32, #tpu.memory_space<vmem>>
        %dma_wait3A_647 = tpu.memref_squeeze %dma_wait3A_646 : memref<1x64x128xf32, #tpu.memory_space<vmem>> -> memref<64x128xf32, #tpu.memory_space<vmem>>
        tpu.wait_dma2 semaphore(%arg8 : memref<!tpu.dma_semaphore, #tpu.memory_space<semaphore_mem>>) src(%dma_wait3A_647 : memref<64x128xf32, #tpu.memory_space<vmem>>) dst(%dma_wait3A_643 : memref<64x128xf32, #tpu.memory_space<hbm>>)
      } else {
      }
      %add3A_330 = arith.constant 7 : i32
      %add3A_331 = arith.addi %add3A_289, %add3A_330 : i32
      %lt3A_332 = arith.constant 100 : i32
      %lt3A_333 = arith.cmpi slt, %add3A_331, %lt3A_332 : i32
      %convert_element_type3A_334 = arith.extui %lt3A_333 : i1 to i32
      %cond3A_335 = arith.constant 0 : i32
      %cond3A_336 = arith.cmpi ne, %convert_element_type3A_334, %cond3A_335 : i32
      scf.if %cond3A_336 {
        %add3A_631 = arith.constant 7 : i32
        %add3A_632 = arith.addi %add3A_289, %add3A_631 : i32
        %dma_start3A_633 = arith.constant 0 : i32
        %dma_start3A_634 = arith.constant 0 : i32
        %dma_start3A_635 = arith.constant 0 : i32
        %dma_start3A_636 = tpu.memref_slice %arg6[%dma_start3A_633, %dma_start3A_634, %dma_start3A_635] : memref<10x64x128xf32, #tpu.memory_space<vmem>> -> memref<1x64x128xf32, #tpu.memory_space<vmem>>
        %dma_start3A_637 = tpu.memref_squeeze %dma_start3A_636 : memref<1x64x128xf32, #tpu.memory_space<vmem>> -> memref<64x128xf32, #tpu.memory_space<vmem>>
        %dma_start3A_638 = arith.constant 0 : i32
        %dma_start3A_639 = tpu.memref_slice %arg5[%add3A_632, %dma_start3A_638] : memref<100x64xi32, #tpu.memory_space<vmem>> -> memref<1x64xi32, #tpu.memory_space<vmem>>
        %dma_start3A_640 = tpu.memref_squeeze %dma_start3A_639 : memref<1x64xi32, #tpu.memory_space<vmem>> -> memref<64xi32, #tpu.memory_space<vmem>>
        %dma_start3A_641 = arith.constant 0 : i32
        %dma_start3A_642 = arith.constant 0 : i32
        %dma_start3A_643 = tpu.memref_slice %arg3[%dma_start3A_641, %dma_start3A_642] : memref<100000x128xf32, #tpu.memory_space<hbm>> -> memref<100000x128xf32, #tpu.memory_space<hbm>>
        tpu.enqueue_indirect_dma source(%dma_start3A_643 : memref<100000x128xf32, #tpu.memory_space<hbm>>) target(%dma_start3A_637 : memref<64x128xf32, #tpu.memory_space<vmem>>) offsets(%dma_start3A_640 : memref<64xi32, #tpu.memory_space<vmem>>) semaphore(%arg7 : memref<!tpu.dma_semaphore, #tpu.memory_space<semaphore_mem>>)
      } else {
      }
      %add3A_337 = arith.constant 4 : i32
      %add3A_338 = arith.addi %mul3A_144, %add3A_337 : i32
      %dma_wait3A_339 = arith.constant 4 : i32
      %dma_wait3A_340 = arith.constant 4 : i32
      %dma_wait3A_341 = arith.constant 0 : i32
      %dma_wait3A_342 = arith.constant 0 : i32
      %dma_wait3A_343 = tpu.memref_slice %arg6[%dma_wait3A_340, %dma_wait3A_341, %dma_wait3A_342] : memref<10x64x128xf32, #tpu.memory_space<vmem>> -> memref<1x64x128xf32, #tpu.memory_space<vmem>>
      %dma_wait3A_344 = tpu.memref_squeeze %dma_wait3A_343 : memref<1x64x128xf32, #tpu.memory_space<vmem>> -> memref<64x128xf32, #tpu.memory_space<vmem>>
      %dma_wait3A_345 = arith.constant 0 : i32
      %dma_wait3A_346 = tpu.memref_slice %arg5[%dma_wait3A_339, %dma_wait3A_345] : memref<100x64xi32, #tpu.memory_space<vmem>> -> memref<1x64xi32, #tpu.memory_space<vmem>>
      %dma_wait3A_347 = tpu.memref_squeeze %dma_wait3A_346 : memref<1x64xi32, #tpu.memory_space<vmem>> -> memref<64xi32, #tpu.memory_space<vmem>>
      %dma_wait3A_348 = arith.constant 0 : i32
      %dma_wait3A_349 = arith.constant 0 : i32
      %dma_wait3A_350 = tpu.memref_slice %arg3[%dma_wait3A_348, %dma_wait3A_349] : memref<100000x128xf32, #tpu.memory_space<hbm>> -> memref<100000x128xf32, #tpu.memory_space<hbm>>
      tpu.wait_indirect_dma semaphore(%arg7 : memref<!tpu.dma_semaphore, #tpu.memory_space<semaphore_mem>>) src(%dma_wait3A_350 : memref<100000x128xf32, #tpu.memory_space<hbm>>) dst(%dma_wait3A_344 : memref<64x128xf32, #tpu.memory_space<vmem>>)
      %scan3A_351 = arith.constant 0 : i32
      %scan3A_352 = arith.constant 0 : i32
      %scan3A_353 = arith.constant 64 : i32
      %scan3A_354 = arith.addi %scan3A_352, %scan3A_353 : i32
      %scan3A_355 = arith.constant 1 : i32
      scf.for %scan3A_631 = %scan3A_352 to %scan3A_354 step %scan3A_355  : i32 {
        %get3A = arith.constant 4 : i32
        %get3A_632 = arith.index_cast %get3A : i32 to index
        %get3A_633 = arith.index_cast %scan3A_631 : i32 to index
        %get3A_634 = arith.constant 0 : index
        %get3A_635 = tpu.vector_load %arg6[%get3A_632, %get3A_633, %get3A_634] {strides = array<i32>} : memref<10x64x128xf32, #tpu.memory_space<vmem>>, vector<1x1x16xf32>,
        %get3A_636 = vector.shape_cast %get3A_635 : vector<1x1x16xf32> to vector<16xf32>
        %mul3A_637 = arith.constant 11.3137083 : f32
        %mul3A_638 = vector.broadcast %mul3A_637 : f32 to vector<16xf32>
        %mul3A_639 = arith.mulf %get3A_636, %mul3A_638 : vector<16xf32>
        %swap3A = arith.constant 4 : i32
        %swap3A_640 = arith.index_cast %swap3A : i32 to index
        %swap3A_641 = arith.index_cast %scan3A_631 : i32 to index
        %swap3A_642 = arith.constant 0 : index
        %swap3A_643 = tpu.vector_load %arg6[%swap3A_640, %swap3A_641, %swap3A_642] {strides = array<i32>} : memref<10x64x128xf32, #tpu.memory_space<vmem>>, vector<1x1x16xf32>,
        %swap3A_644 = vector.shape_cast %swap3A_643 : vector<1x1x16xf32> to vector<16xf32>
        %swap3A_645 = vector.shape_cast %mul3A_639 : vector<16xf32> to vector<1x1x16xf32>
        tpu.vector_store %arg6[%swap3A_640, %swap3A_641, %swap3A_642], %swap3A_645 {strides = array<i32>} : memref<10x64x128xf32, #tpu.memory_space<vmem>>, vector<1x1x16xf32>,
        %get3A_646 = arith.constant 4 : i32
        %get3A_647 = arith.index_cast %get3A_646 : i32 to index
        %get3A_648 = arith.index_cast %scan3A_631 : i32 to index
        %get3A_649 = arith.constant 16 : index
        %get3A_650 = tpu.vector_load %arg6[%get3A_647, %get3A_648, %get3A_649] {strides = array<i32>} : memref<10x64x128xf32, #tpu.memory_space<vmem>>, vector<1x1x16xf32>,
        %get3A_651 = vector.shape_cast %get3A_650 : vector<1x1x16xf32> to vector<16xf32>
        %mul3A_652 = arith.constant 11.3137083 : f32
        %mul3A_653 = vector.broadcast %mul3A_652 : f32 to vector<16xf32>
        %mul3A_654 = arith.mulf %get3A_651, %mul3A_653 : vector<16xf32>
        %swap3A_655 = arith.constant 4 : i32
        %swap3A_656 = arith.index_cast %swap3A_655 : i32 to index
        %swap3A_657 = arith.index_cast %scan3A_631 : i32 to index
        %swap3A_658 = arith.constant 16 : index
        %swap3A_659 = tpu.vector_load %arg6[%swap3A_656, %swap3A_657, %swap3A_658] {strides = array<i32>} : memref<10x64x128xf32, #tpu.memory_space<vmem>>, vector<1x1x16xf32>,
        %swap3A_660 = vector.shape_cast %swap3A_659 : vector<1x1x16xf32> to vector<16xf32>
        %swap3A_661 = vector.shape_cast %mul3A_654 : vector<16xf32> to vector<1x1x16xf32>
        tpu.vector_store %arg6[%swap3A_656, %swap3A_657, %swap3A_658], %swap3A_661 {strides = array<i32>} : memref<10x64x128xf32, #tpu.memory_space<vmem>>, vector<1x1x16xf32>,
        %get3A_662 = arith.constant 4 : i32
        %get3A_663 = arith.index_cast %get3A_662 : i32 to index
        %get3A_664 = arith.index_cast %scan3A_631 : i32 to index
        %get3A_665 = arith.constant 32 : index
        %get3A_666 = tpu.vector_load %arg6[%get3A_663, %get3A_664, %get3A_665] {strides = array<i32>} : memref<10x64x128xf32, #tpu.memory_space<vmem>>, vector<1x1x16xf32>,
        %get3A_667 = vector.shape_cast %get3A_666 : vector<1x1x16xf32> to vector<16xf32>
        %mul3A_668 = arith.constant 11.3137083 : f32
        %mul3A_669 = vector.broadcast %mul3A_668 : f32 to vector<16xf32>
        %mul3A_670 = arith.mulf %get3A_667, %mul3A_669 : vector<16xf32>
        %swap3A_671 = arith.constant 4 : i32
        %swap3A_672 = arith.index_cast %swap3A_671 : i32 to index
        %swap3A_673 = arith.index_cast %scan3A_631 : i32 to index
        %swap3A_674 = arith.constant 32 : index
        %swap3A_675 = tpu.vector_load %arg6[%swap3A_672, %swap3A_673, %swap3A_674] {strides = array<i32>} : memref<10x64x128xf32, #tpu.memory_space<vmem>>, vector<1x1x16xf32>,
        %swap3A_676 = vector.shape_cast %swap3A_675 : vector<1x1x16xf32> to vector<16xf32>
        %swap3A_677 = vector.shape_cast %mul3A_670 : vector<16xf32> to vector<1x1x16xf32>
        tpu.vector_store %arg6[%swap3A_672, %swap3A_673, %swap3A_674], %swap3A_677 {strides = array<i32>} : memref<10x64x128xf32, #tpu.memory_space<vmem>>, vector<1x1x16xf32>,
        %get3A_678 = arith.constant 4 : i32
        %get3A_679 = arith.index_cast %get3A_678 : i32 to index
        %get3A_680 = arith.index_cast %scan3A_631 : i32 to index
        %get3A_681 = arith.constant 48 : index
        %get3A_682 = tpu.vector_load %arg6[%get3A_679, %get3A_680, %get3A_681] {strides = array<i32>} : memref<10x64x128xf32, #tpu.memory_space<vmem>>, vector<1x1x16xf32>,
        %get3A_683 = vector.shape_cast %get3A_682 : vector<1x1x16xf32> to vector<16xf32>
        %mul3A_684 = arith.constant 11.3137083 : f32
        %mul3A_685 = vector.broadcast %mul3A_684 : f32 to vector<16xf32>
        %mul3A_686 = arith.mulf %get3A_683, %mul3A_685 : vector<16xf32>
        %swap3A_687 = arith.constant 4 : i32
        %swap3A_688 = arith.index_cast %swap3A_687 : i32 to index
        %swap3A_689 = arith.index_cast %scan3A_631 : i32 to index
        %swap3A_690 = arith.constant 48 : index
        %swap3A_691 = tpu.vector_load %arg6[%swap3A_688, %swap3A_689, %swap3A_690] {strides = array<i32>} : memref<10x64x128xf32, #tpu.memory_space<vmem>>, vector<1x1x16xf32>,
        %swap3A_692 = vector.shape_cast %swap3A_691 : vector<1x1x16xf32> to vector<16xf32>
        %swap3A_693 = vector.shape_cast %mul3A_686 : vector<16xf32> to vector<1x1x16xf32>
        tpu.vector_store %arg6[%swap3A_688, %swap3A_689, %swap3A_690], %swap3A_693 {strides = array<i32>} : memref<10x64x128xf32, #tpu.memory_space<vmem>>, vector<1x1x16xf32>,
        %get3A_694 = arith.constant 4 : i32
        %get3A_695 = arith.index_cast %get3A_694 : i32 to index
        %get3A_696 = arith.index_cast %scan3A_631 : i32 to index
        %get3A_697 = arith.constant 64 : index
        %get3A_698 = tpu.vector_load %arg6[%get3A_695, %get3A_696, %get3A_697] {strides = array<i32>} : memref<10x64x128xf32, #tpu.memory_space<vmem>>, vector<1x1x16xf32>,
        %get3A_699 = vector.shape_cast %get3A_698 : vector<1x1x16xf32> to vector<16xf32>
        %mul3A_700 = arith.constant 11.3137083 : f32
        %mul3A_701 = vector.broadcast %mul3A_700 : f32 to vector<16xf32>
        %mul3A_702 = arith.mulf %get3A_699, %mul3A_701 : vector<16xf32>
        %swap3A_703 = arith.constant 4 : i32
        %swap3A_704 = arith.index_cast %swap3A_703 : i32 to index
        %swap3A_705 = arith.index_cast %scan3A_631 : i32 to index
        %swap3A_706 = arith.constant 64 : index
        %swap3A_707 = tpu.vector_load %arg6[%swap3A_704, %swap3A_705, %swap3A_706] {strides = array<i32>} : memref<10x64x128xf32, #tpu.memory_space<vmem>>, vector<1x1x16xf32>,
        %swap3A_708 = vector.shape_cast %swap3A_707 : vector<1x1x16xf32> to vector<16xf32>
        %swap3A_709 = vector.shape_cast %mul3A_702 : vector<16xf32> to vector<1x1x16xf32>
        tpu.vector_store %arg6[%swap3A_704, %swap3A_705, %swap3A_706], %swap3A_709 {strides = array<i32>} : memref<10x64x128xf32, #tpu.memory_space<vmem>>, vector<1x1x16xf32>,
        %get3A_710 = arith.constant 4 : i32
        %get3A_711 = arith.index_cast %get3A_710 : i32 to index
        %get3A_712 = arith.index_cast %scan3A_631 : i32 to index
        %get3A_713 = arith.constant 80 : index
        %get3A_714 = tpu.vector_load %arg6[%get3A_711, %get3A_712, %get3A_713] {strides = array<i32>} : memref<10x64x128xf32, #tpu.memory_space<vmem>>, vector<1x1x16xf32>,
        %get3A_715 = vector.shape_cast %get3A_714 : vector<1x1x16xf32> to vector<16xf32>
        %mul3A_716 = arith.constant 11.3137083 : f32
        %mul3A_717 = vector.broadcast %mul3A_716 : f32 to vector<16xf32>
        %mul3A_718 = arith.mulf %get3A_715, %mul3A_717 : vector<16xf32>
        %swap3A_719 = arith.constant 4 : i32
        %swap3A_720 = arith.index_cast %swap3A_719 : i32 to index
        %swap3A_721 = arith.index_cast %scan3A_631 : i32 to index
        %swap3A_722 = arith.constant 80 : index
        %swap3A_723 = tpu.vector_load %arg6[%swap3A_720, %swap3A_721, %swap3A_722] {strides = array<i32>} : memref<10x64x128xf32, #tpu.memory_space<vmem>>, vector<1x1x16xf32>,
        %swap3A_724 = vector.shape_cast %swap3A_723 : vector<1x1x16xf32> to vector<16xf32>
        %swap3A_725 = vector.shape_cast %mul3A_718 : vector<16xf32> to vector<1x1x16xf32>
        tpu.vector_store %arg6[%swap3A_720, %swap3A_721, %swap3A_722], %swap3A_725 {strides = array<i32>} : memref<10x64x128xf32, #tpu.memory_space<vmem>>, vector<1x1x16xf32>,
        %get3A_726 = arith.constant 4 : i32
        %get3A_727 = arith.index_cast %get3A_726 : i32 to index
        %get3A_728 = arith.index_cast %scan3A_631 : i32 to index
        %get3A_729 = arith.constant 96 : index
        %get3A_730 = tpu.vector_load %arg6[%get3A_727, %get3A_728, %get3A_729] {strides = array<i32>} : memref<10x64x128xf32, #tpu.memory_space<vmem>>, vector<1x1x16xf32>,
        %get3A_731 = vector.shape_cast %get3A_730 : vector<1x1x16xf32> to vector<16xf32>
        %mul3A_732 = arith.constant 11.3137083 : f32
        %mul3A_733 = vector.broadcast %mul3A_732 : f32 to vector<16xf32>
        %mul3A_734 = arith.mulf %get3A_731, %mul3A_733 : vector<16xf32>
        %swap3A_735 = arith.constant 4 : i32
        %swap3A_736 = arith.index_cast %swap3A_735 : i32 to index
        %swap3A_737 = arith.index_cast %scan3A_631 : i32 to index
        %swap3A_738 = arith.constant 96 : index
        %swap3A_739 = tpu.vector_load %arg6[%swap3A_736, %swap3A_737, %swap3A_738] {strides = array<i32>} : memref<10x64x128xf32, #tpu.memory_space<vmem>>, vector<1x1x16xf32>,
        %swap3A_740 = vector.shape_cast %swap3A_739 : vector<1x1x16xf32> to vector<16xf32>
        %swap3A_741 = vector.shape_cast %mul3A_734 : vector<16xf32> to vector<1x1x16xf32>
        tpu.vector_store %arg6[%swap3A_736, %swap3A_737, %swap3A_738], %swap3A_741 {strides = array<i32>} : memref<10x64x128xf32, #tpu.memory_space<vmem>>, vector<1x1x16xf32>,
        %get3A_742 = arith.constant 4 : i32
        %get3A_743 = arith.index_cast %get3A_742 : i32 to index
        %get3A_744 = arith.index_cast %scan3A_631 : i32 to index
        %get3A_745 = arith.constant 112 : index
        %get3A_746 = tpu.vector_load %arg6[%get3A_743, %get3A_744, %get3A_745] {strides = array<i32>} : memref<10x64x128xf32, #tpu.memory_space<vmem>>, vector<1x1x16xf32>,
        %get3A_747 = vector.shape_cast %get3A_746 : vector<1x1x16xf32> to vector<16xf32>
        %mul3A_748 = arith.constant 11.3137083 : f32
        %mul3A_749 = vector.broadcast %mul3A_748 : f32 to vector<16xf32>
        %mul3A_750 = arith.mulf %get3A_747, %mul3A_749 : vector<16xf32>
        %swap3A_751 = arith.constant 4 : i32
        %swap3A_752 = arith.index_cast %swap3A_751 : i32 to index
        %swap3A_753 = arith.index_cast %scan3A_631 : i32 to index
        %swap3A_754 = arith.constant 112 : index
        %swap3A_755 = tpu.vector_load %arg6[%swap3A_752, %swap3A_753, %swap3A_754] {strides = array<i32>} : memref<10x64x128xf32, #tpu.memory_space<vmem>>, vector<1x1x16xf32>,
        %swap3A_756 = vector.shape_cast %swap3A_755 : vector<1x1x16xf32> to vector<16xf32>
        %swap3A_757 = vector.shape_cast %mul3A_750 : vector<16xf32> to vector<1x1x16xf32>
        tpu.vector_store %arg6[%swap3A_752, %swap3A_753, %swap3A_754], %swap3A_757 {strides = array<i32>} : memref<10x64x128xf32, #tpu.memory_space<vmem>>, vector<1x1x16xf32>,
      }
      %scan3A_356 = arith.constant 64 : i32
      %dma_start3A_357 = arith.constant 4 : i32
      %dma_start3A_358 = arith.constant 0 : i32
      %dma_start3A_359 = arith.constant 0 : i32
      %dma_start3A_360 = tpu.memref_slice %arg6[%dma_start3A_357, %dma_start3A_358, %dma_start3A_359] : memref<10x64x128xf32, #tpu.memory_space<vmem>> -> memref<1x64x128xf32, #tpu.memory_space<vmem>>
      %dma_start3A_361 = tpu.memref_squeeze %dma_start3A_360 : memref<1x64x128xf32, #tpu.memory_space<vmem>> -> memref<64x128xf32, #tpu.memory_space<vmem>>
      %dma_start3A_362 = arith.constant 0 : i32
      %dma_start3A_363 = arith.constant 0 : i32
      %dma_start3A_364 = tpu.memref_slice %arg4[%add3A, %add3A_338, %dma_start3A_362, %dma_start3A_363] : memref<32x100x64x128xf32, #tpu.memory_space<hbm>> -> memref<1x1x64x128xf32, #tpu.memory_space<hbm>>
      %dma_start3A_365 = tpu.memref_squeeze %dma_start3A_364 : memref<1x1x64x128xf32, #tpu.memory_space<hbm>> -> memref<64x128xf32, #tpu.memory_space<hbm>>
      %dma_start3A_366 = arith.constant 0 : i32
      %dma_start3A_367 = arith.constant 0 : i32
      %dma_start3A_368 = tpu.memref_slice %arg4[%add3A, %add3A_338, %dma_start3A_366, %dma_start3A_367] : memref<32x100x64x128xf32, #tpu.memory_space<hbm>> -> memref<1x1x64x128xf32, #tpu.memory_space<hbm>>
      %dma_start3A_369 = tpu.memref_squeeze %dma_start3A_368 : memref<1x1x64x128xf32, #tpu.memory_space<hbm>> -> memref<64x128xf32, #tpu.memory_space<hbm>>
      %dma_start3A_370 = arith.constant 0 : i32
      %dma_start3A_371 = arith.constant 0 : i32
      %dma_start3A_372 = tpu.memref_slice %arg6[%dma_start3A_357, %dma_start3A_370, %dma_start3A_371] : memref<10x64x128xf32, #tpu.memory_space<vmem>> -> memref<1x64x128xf32, #tpu.memory_space<vmem>>
      %dma_start3A_373 = tpu.memref_squeeze %dma_start3A_372 : memref<1x64x128xf32, #tpu.memory_space<vmem>> -> memref<64x128xf32, #tpu.memory_space<vmem>>
      tpu.enqueue_dma source(%dma_start3A_373 : memref<64x128xf32, #tpu.memory_space<vmem>>) target(%dma_start3A_369 : memref<64x128xf32, #tpu.memory_space<hbm>>) target_semaphore(%arg8 : memref<!tpu.dma_semaphore, #tpu.memory_space<semaphore_mem>>)
      %ge3A_374 = arith.constant 3 : i32
      %ge3A_375 = arith.cmpi sge, %add3A_338, %ge3A_374 : i32
      %convert_element_type3A_376 = arith.extui %ge3A_375 : i1 to i32
      %cond3A_377 = arith.constant 0 : i32
      %cond3A_378 = arith.cmpi ne, %convert_element_type3A_376, %cond3A_377 : i32
      scf.if %cond3A_378 {
        %dma_wait3A_631 = arith.constant 4 : i32
        %dma_wait3A_632 = arith.constant 0 : i32
        %dma_wait3A_633 = arith.constant 0 : i32
        %dma_wait3A_634 = tpu.memref_slice %arg6[%dma_wait3A_631, %dma_wait3A_632, %dma_wait3A_633] : memref<10x64x128xf32, #tpu.memory_space<vmem>> -> memref<1x64x128xf32, #tpu.memory_space<vmem>>
        %dma_wait3A_635 = tpu.memref_squeeze %dma_wait3A_634 : memref<1x64x128xf32, #tpu.memory_space<vmem>> -> memref<64x128xf32, #tpu.memory_space<vmem>>
        %dma_wait3A_636 = arith.constant 0 : i32
        %dma_wait3A_637 = arith.constant 0 : i32
        %dma_wait3A_638 = tpu.memref_slice %arg4[%add3A, %add3A_338, %dma_wait3A_636, %dma_wait3A_637] : memref<32x100x64x128xf32, #tpu.memory_space<hbm>> -> memref<1x1x64x128xf32, #tpu.memory_space<hbm>>
        %dma_wait3A_639 = tpu.memref_squeeze %dma_wait3A_638 : memref<1x1x64x128xf32, #tpu.memory_space<hbm>> -> memref<64x128xf32, #tpu.memory_space<hbm>>
        %dma_wait3A_640 = arith.constant 0 : i32
        %dma_wait3A_641 = arith.constant 0 : i32
        %dma_wait3A_642 = tpu.memref_slice %arg4[%add3A, %add3A_338, %dma_wait3A_640, %dma_wait3A_641] : memref<32x100x64x128xf32, #tpu.memory_space<hbm>> -> memref<1x1x64x128xf32, #tpu.memory_space<hbm>>
        %dma_wait3A_643 = tpu.memref_squeeze %dma_wait3A_642 : memref<1x1x64x128xf32, #tpu.memory_space<hbm>> -> memref<64x128xf32, #tpu.memory_space<hbm>>
        %dma_wait3A_644 = arith.constant 0 : i32
        %dma_wait3A_645 = arith.constant 0 : i32
        %dma_wait3A_646 = tpu.memref_slice %arg6[%dma_wait3A_631, %dma_wait3A_644, %dma_wait3A_645] : memref<10x64x128xf32, #tpu.memory_space<vmem>> -> memref<1x64x128xf32, #tpu.memory_space<vmem>>
        %dma_wait3A_647 = tpu.memref_squeeze %dma_wait3A_646 : memref<1x64x128xf32, #tpu.memory_space<vmem>> -> memref<64x128xf32, #tpu.memory_space<vmem>>
        tpu.wait_dma2 semaphore(%arg8 : memref<!tpu.dma_semaphore, #tpu.memory_space<semaphore_mem>>) src(%dma_wait3A_647 : memref<64x128xf32, #tpu.memory_space<vmem>>) dst(%dma_wait3A_643 : memref<64x128xf32, #tpu.memory_space<hbm>>)
      } else {
      }
      %add3A_379 = arith.constant 7 : i32
      %add3A_380 = arith.addi %add3A_338, %add3A_379 : i32
      %lt3A_381 = arith.constant 100 : i32
      %lt3A_382 = arith.cmpi slt, %add3A_380, %lt3A_381 : i32
      %convert_element_type3A_383 = arith.extui %lt3A_382 : i1 to i32
      %cond3A_384 = arith.constant 0 : i32
      %cond3A_385 = arith.cmpi ne, %convert_element_type3A_383, %cond3A_384 : i32
      scf.if %cond3A_385 {
        %add3A_631 = arith.constant 7 : i32
        %add3A_632 = arith.addi %add3A_338, %add3A_631 : i32
        %dma_start3A_633 = arith.constant 1 : i32
        %dma_start3A_634 = arith.constant 0 : i32
        %dma_start3A_635 = arith.constant 0 : i32
        %dma_start3A_636 = tpu.memref_slice %arg6[%dma_start3A_633, %dma_start3A_634, %dma_start3A_635] : memref<10x64x128xf32, #tpu.memory_space<vmem>> -> memref<1x64x128xf32, #tpu.memory_space<vmem>>
        %dma_start3A_637 = tpu.memref_squeeze %dma_start3A_636 : memref<1x64x128xf32, #tpu.memory_space<vmem>> -> memref<64x128xf32, #tpu.memory_space<vmem>>
        %dma_start3A_638 = arith.constant 0 : i32
        %dma_start3A_639 = tpu.memref_slice %arg5[%add3A_632, %dma_start3A_638] : memref<100x64xi32, #tpu.memory_space<vmem>> -> memref<1x64xi32, #tpu.memory_space<vmem>>
        %dma_start3A_640 = tpu.memref_squeeze %dma_start3A_639 : memref<1x64xi32, #tpu.memory_space<vmem>> -> memref<64xi32, #tpu.memory_space<vmem>>
        %dma_start3A_641 = arith.constant 0 : i32
        %dma_start3A_642 = arith.constant 0 : i32
        %dma_start3A_643 = tpu.memref_slice %arg3[%dma_start3A_641, %dma_start3A_642] : memref<100000x128xf32, #tpu.memory_space<hbm>> -> memref<100000x128xf32, #tpu.memory_space<hbm>>
        tpu.enqueue_indirect_dma source(%dma_start3A_643 : memref<100000x128xf32, #tpu.memory_space<hbm>>) target(%dma_start3A_637 : memref<64x128xf32, #tpu.memory_space<vmem>>) offsets(%dma_start3A_640 : memref<64xi32, #tpu.memory_space<vmem>>) semaphore(%arg7 : memref<!tpu.dma_semaphore, #tpu.memory_space<semaphore_mem>>)
      } else {
      }
      %add3A_386 = arith.constant 5 : i32
      %add3A_387 = arith.addi %mul3A_144, %add3A_386 : i32
      %dma_wait3A_388 = arith.constant 5 : i32
      %dma_wait3A_389 = arith.constant 5 : i32
      %dma_wait3A_390 = arith.constant 0 : i32
      %dma_wait3A_391 = arith.constant 0 : i32
      %dma_wait3A_392 = tpu.memref_slice %arg6[%dma_wait3A_389, %dma_wait3A_390, %dma_wait3A_391] : memref<10x64x128xf32, #tpu.memory_space<vmem>> -> memref<1x64x128xf32, #tpu.memory_space<vmem>>
      %dma_wait3A_393 = tpu.memref_squeeze %dma_wait3A_392 : memref<1x64x128xf32, #tpu.memory_space<vmem>> -> memref<64x128xf32, #tpu.memory_space<vmem>>
      %dma_wait3A_394 = arith.constant 0 : i32
      %dma_wait3A_395 = tpu.memref_slice %arg5[%dma_wait3A_388, %dma_wait3A_394] : memref<100x64xi32, #tpu.memory_space<vmem>> -> memref<1x64xi32, #tpu.memory_space<vmem>>
      %dma_wait3A_396 = tpu.memref_squeeze %dma_wait3A_395 : memref<1x64xi32, #tpu.memory_space<vmem>> -> memref<64xi32, #tpu.memory_space<vmem>>
      %dma_wait3A_397 = arith.constant 0 : i32
      %dma_wait3A_398 = arith.constant 0 : i32
      %dma_wait3A_399 = tpu.memref_slice %arg3[%dma_wait3A_397, %dma_wait3A_398] : memref<100000x128xf32, #tpu.memory_space<hbm>> -> memref<100000x128xf32, #tpu.memory_space<hbm>>
      tpu.wait_indirect_dma semaphore(%arg7 : memref<!tpu.dma_semaphore, #tpu.memory_space<semaphore_mem>>) src(%dma_wait3A_399 : memref<100000x128xf32, #tpu.memory_space<hbm>>) dst(%dma_wait3A_393 : memref<64x128xf32, #tpu.memory_space<vmem>>)
      %scan3A_400 = arith.constant 0 : i32
      %scan3A_401 = arith.constant 0 : i32
      %scan3A_402 = arith.constant 64 : i32
      %scan3A_403 = arith.addi %scan3A_401, %scan3A_402 : i32
      %scan3A_404 = arith.constant 1 : i32
      scf.for %scan3A_631 = %scan3A_401 to %scan3A_403 step %scan3A_404  : i32 {
        %get3A = arith.constant 5 : i32
        %get3A_632 = arith.index_cast %get3A : i32 to index
        %get3A_633 = arith.index_cast %scan3A_631 : i32 to index
        %get3A_634 = arith.constant 0 : index
        %get3A_635 = tpu.vector_load %arg6[%get3A_632, %get3A_633, %get3A_634] {strides = array<i32>} : memref<10x64x128xf32, #tpu.memory_space<vmem>>, vector<1x1x16xf32>,
        %get3A_636 = vector.shape_cast %get3A_635 : vector<1x1x16xf32> to vector<16xf32>
        %mul3A_637 = arith.constant 11.3137083 : f32
        %mul3A_638 = vector.broadcast %mul3A_637 : f32 to vector<16xf32>
        %mul3A_639 = arith.mulf %get3A_636, %mul3A_638 : vector<16xf32>
        %swap3A = arith.constant 5 : i32
        %swap3A_640 = arith.index_cast %swap3A : i32 to index
        %swap3A_641 = arith.index_cast %scan3A_631 : i32 to index
        %swap3A_642 = arith.constant 0 : index
        %swap3A_643 = tpu.vector_load %arg6[%swap3A_640, %swap3A_641, %swap3A_642] {strides = array<i32>} : memref<10x64x128xf32, #tpu.memory_space<vmem>>, vector<1x1x16xf32>,
        %swap3A_644 = vector.shape_cast %swap3A_643 : vector<1x1x16xf32> to vector<16xf32>
        %swap3A_645 = vector.shape_cast %mul3A_639 : vector<16xf32> to vector<1x1x16xf32>
        tpu.vector_store %arg6[%swap3A_640, %swap3A_641, %swap3A_642], %swap3A_645 {strides = array<i32>} : memref<10x64x128xf32, #tpu.memory_space<vmem>>, vector<1x1x16xf32>,
        %get3A_646 = arith.constant 5 : i32
        %get3A_647 = arith.index_cast %get3A_646 : i32 to index
        %get3A_648 = arith.index_cast %scan3A_631 : i32 to index
        %get3A_649 = arith.constant 16 : index
        %get3A_650 = tpu.vector_load %arg6[%get3A_647, %get3A_648, %get3A_649] {strides = array<i32>} : memref<10x64x128xf32, #tpu.memory_space<vmem>>, vector<1x1x16xf32>,
        %get3A_651 = vector.shape_cast %get3A_650 : vector<1x1x16xf32> to vector<16xf32>
        %mul3A_652 = arith.constant 11.3137083 : f32
        %mul3A_653 = vector.broadcast %mul3A_652 : f32 to vector<16xf32>
        %mul3A_654 = arith.mulf %get3A_651, %mul3A_653 : vector<16xf32>
        %swap3A_655 = arith.constant 5 : i32
        %swap3A_656 = arith.index_cast %swap3A_655 : i32 to index
        %swap3A_657 = arith.index_cast %scan3A_631 : i32 to index
        %swap3A_658 = arith.constant 16 : index
        %swap3A_659 = tpu.vector_load %arg6[%swap3A_656, %swap3A_657, %swap3A_658] {strides = array<i32>} : memref<10x64x128xf32, #tpu.memory_space<vmem>>, vector<1x1x16xf32>,
        %swap3A_660 = vector.shape_cast %swap3A_659 : vector<1x1x16xf32> to vector<16xf32>
        %swap3A_661 = vector.shape_cast %mul3A_654 : vector<16xf32> to vector<1x1x16xf32>
        tpu.vector_store %arg6[%swap3A_656, %swap3A_657, %swap3A_658], %swap3A_661 {strides = array<i32>} : memref<10x64x128xf32, #tpu.memory_space<vmem>>, vector<1x1x16xf32>,
        %get3A_662 = arith.constant 5 : i32
        %get3A_663 = arith.index_cast %get3A_662 : i32 to index
        %get3A_664 = arith.index_cast %scan3A_631 : i32 to index
        %get3A_665 = arith.constant 32 : index
        %get3A_666 = tpu.vector_load %arg6[%get3A_663, %get3A_664, %get3A_665] {strides = array<i32>} : memref<10x64x128xf32, #tpu.memory_space<vmem>>, vector<1x1x16xf32>,
        %get3A_667 = vector.shape_cast %get3A_666 : vector<1x1x16xf32> to vector<16xf32>
        %mul3A_668 = arith.constant 11.3137083 : f32
        %mul3A_669 = vector.broadcast %mul3A_668 : f32 to vector<16xf32>
        %mul3A_670 = arith.mulf %get3A_667, %mul3A_669 : vector<16xf32>
        %swap3A_671 = arith.constant 5 : i32
        %swap3A_672 = arith.index_cast %swap3A_671 : i32 to index
        %swap3A_673 = arith.index_cast %scan3A_631 : i32 to index
        %swap3A_674 = arith.constant 32 : index
        %swap3A_675 = tpu.vector_load %arg6[%swap3A_672, %swap3A_673, %swap3A_674] {strides = array<i32>} : memref<10x64x128xf32, #tpu.memory_space<vmem>>, vector<1x1x16xf32>,
        %swap3A_676 = vector.shape_cast %swap3A_675 : vector<1x1x16xf32> to vector<16xf32>
        %swap3A_677 = vector.shape_cast %mul3A_670 : vector<16xf32> to vector<1x1x16xf32>
        tpu.vector_store %arg6[%swap3A_672, %swap3A_673, %swap3A_674], %swap3A_677 {strides = array<i32>} : memref<10x64x128xf32, #tpu.memory_space<vmem>>, vector<1x1x16xf32>,
        %get3A_678 = arith.constant 5 : i32
        %get3A_679 = arith.index_cast %get3A_678 : i32 to index
        %get3A_680 = arith.index_cast %scan3A_631 : i32 to index
        %get3A_681 = arith.constant 48 : index
        %get3A_682 = tpu.vector_load %arg6[%get3A_679, %get3A_680, %get3A_681] {strides = array<i32>} : memref<10x64x128xf32, #tpu.memory_space<vmem>>, vector<1x1x16xf32>,
        %get3A_683 = vector.shape_cast %get3A_682 : vector<1x1x16xf32> to vector<16xf32>
        %mul3A_684 = arith.constant 11.3137083 : f32
        %mul3A_685 = vector.broadcast %mul3A_684 : f32 to vector<16xf32>
        %mul3A_686 = arith.mulf %get3A_683, %mul3A_685 : vector<16xf32>
        %swap3A_687 = arith.constant 5 : i32
        %swap3A_688 = arith.index_cast %swap3A_687 : i32 to index
        %swap3A_689 = arith.index_cast %scan3A_631 : i32 to index
        %swap3A_690 = arith.constant 48 : index
        %swap3A_691 = tpu.vector_load %arg6[%swap3A_688, %swap3A_689, %swap3A_690] {strides = array<i32>} : memref<10x64x128xf32, #tpu.memory_space<vmem>>, vector<1x1x16xf32>,
        %swap3A_692 = vector.shape_cast %swap3A_691 : vector<1x1x16xf32> to vector<16xf32>
        %swap3A_693 = vector.shape_cast %mul3A_686 : vector<16xf32> to vector<1x1x16xf32>
        tpu.vector_store %arg6[%swap3A_688, %swap3A_689, %swap3A_690], %swap3A_693 {strides = array<i32>} : memref<10x64x128xf32, #tpu.memory_space<vmem>>, vector<1x1x16xf32>,
        %get3A_694 = arith.constant 5 : i32
        %get3A_695 = arith.index_cast %get3A_694 : i32 to index
        %get3A_696 = arith.index_cast %scan3A_631 : i32 to index
        %get3A_697 = arith.constant 64 : index
        %get3A_698 = tpu.vector_load %arg6[%get3A_695, %get3A_696, %get3A_697] {strides = array<i32>} : memref<10x64x128xf32, #tpu.memory_space<vmem>>, vector<1x1x16xf32>,
        %get3A_699 = vector.shape_cast %get3A_698 : vector<1x1x16xf32> to vector<16xf32>
        %mul3A_700 = arith.constant 11.3137083 : f32
        %mul3A_701 = vector.broadcast %mul3A_700 : f32 to vector<16xf32>
        %mul3A_702 = arith.mulf %get3A_699, %mul3A_701 : vector<16xf32>
        %swap3A_703 = arith.constant 5 : i32
        %swap3A_704 = arith.index_cast %swap3A_703 : i32 to index
        %swap3A_705 = arith.index_cast %scan3A_631 : i32 to index
        %swap3A_706 = arith.constant 64 : index
        %swap3A_707 = tpu.vector_load %arg6[%swap3A_704, %swap3A_705, %swap3A_706] {strides = array<i32>} : memref<10x64x128xf32, #tpu.memory_space<vmem>>, vector<1x1x16xf32>,
        %swap3A_708 = vector.shape_cast %swap3A_707 : vector<1x1x16xf32> to vector<16xf32>
        %swap3A_709 = vector.shape_cast %mul3A_702 : vector<16xf32> to vector<1x1x16xf32>
        tpu.vector_store %arg6[%swap3A_704, %swap3A_705, %swap3A_706], %swap3A_709 {strides = array<i32>} : memref<10x64x128xf32, #tpu.memory_space<vmem>>, vector<1x1x16xf32>,
        %get3A_710 = arith.constant 5 : i32
        %get3A_711 = arith.index_cast %get3A_710 : i32 to index
        %get3A_712 = arith.index_cast %scan3A_631 : i32 to index
        %get3A_713 = arith.constant 80 : index
        %get3A_714 = tpu.vector_load %arg6[%get3A_711, %get3A_712, %get3A_713] {strides = array<i32>} : memref<10x64x128xf32, #tpu.memory_space<vmem>>, vector<1x1x16xf32>,
        %get3A_715 = vector.shape_cast %get3A_714 : vector<1x1x16xf32> to vector<16xf32>
        %mul3A_716 = arith.constant 11.3137083 : f32
        %mul3A_717 = vector.broadcast %mul3A_716 : f32 to vector<16xf32>
        %mul3A_718 = arith.mulf %get3A_715, %mul3A_717 : vector<16xf32>
        %swap3A_719 = arith.constant 5 : i32
        %swap3A_720 = arith.index_cast %swap3A_719 : i32 to index
        %swap3A_721 = arith.index_cast %scan3A_631 : i32 to index
        %swap3A_722 = arith.constant 80 : index
        %swap3A_723 = tpu.vector_load %arg6[%swap3A_720, %swap3A_721, %swap3A_722] {strides = array<i32>} : memref<10x64x128xf32, #tpu.memory_space<vmem>>, vector<1x1x16xf32>,
        %swap3A_724 = vector.shape_cast %swap3A_723 : vector<1x1x16xf32> to vector<16xf32>
        %swap3A_725 = vector.shape_cast %mul3A_718 : vector<16xf32> to vector<1x1x16xf32>
        tpu.vector_store %arg6[%swap3A_720, %swap3A_721, %swap3A_722], %swap3A_725 {strides = array<i32>} : memref<10x64x128xf32, #tpu.memory_space<vmem>>, vector<1x1x16xf32>,
        %get3A_726 = arith.constant 5 : i32
        %get3A_727 = arith.index_cast %get3A_726 : i32 to index
        %get3A_728 = arith.index_cast %scan3A_631 : i32 to index
        %get3A_729 = arith.constant 96 : index
        %get3A_730 = tpu.vector_load %arg6[%get3A_727, %get3A_728, %get3A_729] {strides = array<i32>} : memref<10x64x128xf32, #tpu.memory_space<vmem>>, vector<1x1x16xf32>,
        %get3A_731 = vector.shape_cast %get3A_730 : vector<1x1x16xf32> to vector<16xf32>
        %mul3A_732 = arith.constant 11.3137083 : f32
        %mul3A_733 = vector.broadcast %mul3A_732 : f32 to vector<16xf32>
        %mul3A_734 = arith.mulf %get3A_731, %mul3A_733 : vector<16xf32>
        %swap3A_735 = arith.constant 5 : i32
        %swap3A_736 = arith.index_cast %swap3A_735 : i32 to index
        %swap3A_737 = arith.index_cast %scan3A_631 : i32 to index
        %swap3A_738 = arith.constant 96 : index
        %swap3A_739 = tpu.vector_load %arg6[%swap3A_736, %swap3A_737, %swap3A_738] {strides = array<i32>} : memref<10x64x128xf32, #tpu.memory_space<vmem>>, vector<1x1x16xf32>,
        %swap3A_740 = vector.shape_cast %swap3A_739 : vector<1x1x16xf32> to vector<16xf32>
        %swap3A_741 = vector.shape_cast %mul3A_734 : vector<16xf32> to vector<1x1x16xf32>
        tpu.vector_store %arg6[%swap3A_736, %swap3A_737, %swap3A_738], %swap3A_741 {strides = array<i32>} : memref<10x64x128xf32, #tpu.memory_space<vmem>>, vector<1x1x16xf32>,
        %get3A_742 = arith.constant 5 : i32
        %get3A_743 = arith.index_cast %get3A_742 : i32 to index
        %get3A_744 = arith.index_cast %scan3A_631 : i32 to index
        %get3A_745 = arith.constant 112 : index
        %get3A_746 = tpu.vector_load %arg6[%get3A_743, %get3A_744, %get3A_745] {strides = array<i32>} : memref<10x64x128xf32, #tpu.memory_space<vmem>>, vector<1x1x16xf32>,
        %get3A_747 = vector.shape_cast %get3A_746 : vector<1x1x16xf32> to vector<16xf32>
        %mul3A_748 = arith.constant 11.3137083 : f32
        %mul3A_749 = vector.broadcast %mul3A_748 : f32 to vector<16xf32>
        %mul3A_750 = arith.mulf %get3A_747, %mul3A_749 : vector<16xf32>
        %swap3A_751 = arith.constant 5 : i32
        %swap3A_752 = arith.index_cast %swap3A_751 : i32 to index
        %swap3A_753 = arith.index_cast %scan3A_631 : i32 to index
        %swap3A_754 = arith.constant 112 : index
        %swap3A_755 = tpu.vector_load %arg6[%swap3A_752, %swap3A_753, %swap3A_754] {strides = array<i32>} : memref<10x64x128xf32, #tpu.memory_space<vmem>>, vector<1x1x16xf32>,
        %swap3A_756 = vector.shape_cast %swap3A_755 : vector<1x1x16xf32> to vector<16xf32>
        %swap3A_757 = vector.shape_cast %mul3A_750 : vector<16xf32> to vector<1x1x16xf32>
        tpu.vector_store %arg6[%swap3A_752, %swap3A_753, %swap3A_754], %swap3A_757 {strides = array<i32>} : memref<10x64x128xf32, #tpu.memory_space<vmem>>, vector<1x1x16xf32>,
      }
      %scan3A_405 = arith.constant 64 : i32
      %dma_start3A_406 = arith.constant 5 : i32
      %dma_start3A_407 = arith.constant 0 : i32
      %dma_start3A_408 = arith.constant 0 : i32
      %dma_start3A_409 = tpu.memref_slice %arg6[%dma_start3A_406, %dma_start3A_407, %dma_start3A_408] : memref<10x64x128xf32, #tpu.memory_space<vmem>> -> memref<1x64x128xf32, #tpu.memory_space<vmem>>
      %dma_start3A_410 = tpu.memref_squeeze %dma_start3A_409 : memref<1x64x128xf32, #tpu.memory_space<vmem>> -> memref<64x128xf32, #tpu.memory_space<vmem>>
      %dma_start3A_411 = arith.constant 0 : i32
      %dma_start3A_412 = arith.constant 0 : i32
      %dma_start3A_413 = tpu.memref_slice %arg4[%add3A, %add3A_387, %dma_start3A_411, %dma_start3A_412] : memref<32x100x64x128xf32, #tpu.memory_space<hbm>> -> memref<1x1x64x128xf32, #tpu.memory_space<hbm>>
      %dma_start3A_414 = tpu.memref_squeeze %dma_start3A_413 : memref<1x1x64x128xf32, #tpu.memory_space<hbm>> -> memref<64x128xf32, #tpu.memory_space<hbm>>
      %dma_start3A_415 = arith.constant 0 : i32
      %dma_start3A_416 = arith.constant 0 : i32
      %dma_start3A_417 = tpu.memref_slice %arg4[%add3A, %add3A_387, %dma_start3A_415, %dma_start3A_416] : memref<32x100x64x128xf32, #tpu.memory_space<hbm>> -> memref<1x1x64x128xf32, #tpu.memory_space<hbm>>
      %dma_start3A_418 = tpu.memref_squeeze %dma_start3A_417 : memref<1x1x64x128xf32, #tpu.memory_space<hbm>> -> memref<64x128xf32, #tpu.memory_space<hbm>>
      %dma_start3A_419 = arith.constant 0 : i32
      %dma_start3A_420 = arith.constant 0 : i32
      %dma_start3A_421 = tpu.memref_slice %arg6[%dma_start3A_406, %dma_start3A_419, %dma_start3A_420] : memref<10x64x128xf32, #tpu.memory_space<vmem>> -> memref<1x64x128xf32, #tpu.memory_space<vmem>>
      %dma_start3A_422 = tpu.memref_squeeze %dma_start3A_421 : memref<1x64x128xf32, #tpu.memory_space<vmem>> -> memref<64x128xf32, #tpu.memory_space<vmem>>
      tpu.enqueue_dma source(%dma_start3A_422 : memref<64x128xf32, #tpu.memory_space<vmem>>) target(%dma_start3A_418 : memref<64x128xf32, #tpu.memory_space<hbm>>) target_semaphore(%arg8 : memref<!tpu.dma_semaphore, #tpu.memory_space<semaphore_mem>>)
      %ge3A_423 = arith.constant 3 : i32
      %ge3A_424 = arith.cmpi sge, %add3A_387, %ge3A_423 : i32
      %convert_element_type3A_425 = arith.extui %ge3A_424 : i1 to i32
      %cond3A_426 = arith.constant 0 : i32
      %cond3A_427 = arith.cmpi ne, %convert_element_type3A_425, %cond3A_426 : i32
      scf.if %cond3A_427 {
        %dma_wait3A_631 = arith.constant 5 : i32
        %dma_wait3A_632 = arith.constant 0 : i32
        %dma_wait3A_633 = arith.constant 0 : i32
        %dma_wait3A_634 = tpu.memref_slice %arg6[%dma_wait3A_631, %dma_wait3A_632, %dma_wait3A_633] : memref<10x64x128xf32, #tpu.memory_space<vmem>> -> memref<1x64x128xf32, #tpu.memory_space<vmem>>
        %dma_wait3A_635 = tpu.memref_squeeze %dma_wait3A_634 : memref<1x64x128xf32, #tpu.memory_space<vmem>> -> memref<64x128xf32, #tpu.memory_space<vmem>>
        %dma_wait3A_636 = arith.constant 0 : i32
        %dma_wait3A_637 = arith.constant 0 : i32
        %dma_wait3A_638 = tpu.memref_slice %arg4[%add3A, %add3A_387, %dma_wait3A_636, %dma_wait3A_637] : memref<32x100x64x128xf32, #tpu.memory_space<hbm>> -> memref<1x1x64x128xf32, #tpu.memory_space<hbm>>
        %dma_wait3A_639 = tpu.memref_squeeze %dma_wait3A_638 : memref<1x1x64x128xf32, #tpu.memory_space<hbm>> -> memref<64x128xf32, #tpu.memory_space<hbm>>
        %dma_wait3A_640 = arith.constant 0 : i32
        %dma_wait3A_641 = arith.constant 0 : i32
        %dma_wait3A_642 = tpu.memref_slice %arg4[%add3A, %add3A_387, %dma_wait3A_640, %dma_wait3A_641] : memref<32x100x64x128xf32, #tpu.memory_space<hbm>> -> memref<1x1x64x128xf32, #tpu.memory_space<hbm>>
        %dma_wait3A_643 = tpu.memref_squeeze %dma_wait3A_642 : memref<1x1x64x128xf32, #tpu.memory_space<hbm>> -> memref<64x128xf32, #tpu.memory_space<hbm>>
        %dma_wait3A_644 = arith.constant 0 : i32
        %dma_wait3A_645 = arith.constant 0 : i32
        %dma_wait3A_646 = tpu.memref_slice %arg6[%dma_wait3A_631, %dma_wait3A_644, %dma_wait3A_645] : memref<10x64x128xf32, #tpu.memory_space<vmem>> -> memref<1x64x128xf32, #tpu.memory_space<vmem>>
        %dma_wait3A_647 = tpu.memref_squeeze %dma_wait3A_646 : memref<1x64x128xf32, #tpu.memory_space<vmem>> -> memref<64x128xf32, #tpu.memory_space<vmem>>
        tpu.wait_dma2 semaphore(%arg8 : memref<!tpu.dma_semaphore, #tpu.memory_space<semaphore_mem>>) src(%dma_wait3A_647 : memref<64x128xf32, #tpu.memory_space<vmem>>) dst(%dma_wait3A_643 : memref<64x128xf32, #tpu.memory_space<hbm>>)
      } else {
      }
      %add3A_428 = arith.constant 7 : i32
      %add3A_429 = arith.addi %add3A_387, %add3A_428 : i32
      %lt3A_430 = arith.constant 100 : i32
      %lt3A_431 = arith.cmpi slt, %add3A_429, %lt3A_430 : i32
      %convert_element_type3A_432 = arith.extui %lt3A_431 : i1 to i32
      %cond3A_433 = arith.constant 0 : i32
      %cond3A_434 = arith.cmpi ne, %convert_element_type3A_432, %cond3A_433 : i32
      scf.if %cond3A_434 {
        %add3A_631 = arith.constant 7 : i32
        %add3A_632 = arith.addi %add3A_387, %add3A_631 : i32
        %dma_start3A_633 = arith.constant 2 : i32
        %dma_start3A_634 = arith.constant 0 : i32
        %dma_start3A_635 = arith.constant 0 : i32
        %dma_start3A_636 = tpu.memref_slice %arg6[%dma_start3A_633, %dma_start3A_634, %dma_start3A_635] : memref<10x64x128xf32, #tpu.memory_space<vmem>> -> memref<1x64x128xf32, #tpu.memory_space<vmem>>
        %dma_start3A_637 = tpu.memref_squeeze %dma_start3A_636 : memref<1x64x128xf32, #tpu.memory_space<vmem>> -> memref<64x128xf32, #tpu.memory_space<vmem>>
        %dma_start3A_638 = arith.constant 0 : i32
        %dma_start3A_639 = tpu.memref_slice %arg5[%add3A_632, %dma_start3A_638] : memref<100x64xi32, #tpu.memory_space<vmem>> -> memref<1x64xi32, #tpu.memory_space<vmem>>
        %dma_start3A_640 = tpu.memref_squeeze %dma_start3A_639 : memref<1x64xi32, #tpu.memory_space<vmem>> -> memref<64xi32, #tpu.memory_space<vmem>>
        %dma_start3A_641 = arith.constant 0 : i32
        %dma_start3A_642 = arith.constant 0 : i32
        %dma_start3A_643 = tpu.memref_slice %arg3[%dma_start3A_641, %dma_start3A_642] : memref<100000x128xf32, #tpu.memory_space<hbm>> -> memref<100000x128xf32, #tpu.memory_space<hbm>>
        tpu.enqueue_indirect_dma source(%dma_start3A_643 : memref<100000x128xf32, #tpu.memory_space<hbm>>) target(%dma_start3A_637 : memref<64x128xf32, #tpu.memory_space<vmem>>) offsets(%dma_start3A_640 : memref<64xi32, #tpu.memory_space<vmem>>) semaphore(%arg7 : memref<!tpu.dma_semaphore, #tpu.memory_space<semaphore_mem>>)
      } else {
      }
      %add3A_435 = arith.constant 6 : i32
      %add3A_436 = arith.addi %mul3A_144, %add3A_435 : i32
      %dma_wait3A_437 = arith.constant 6 : i32
      %dma_wait3A_438 = arith.constant 6 : i32
      %dma_wait3A_439 = arith.constant 0 : i32
      %dma_wait3A_440 = arith.constant 0 : i32
      %dma_wait3A_441 = tpu.memref_slice %arg6[%dma_wait3A_438, %dma_wait3A_439, %dma_wait3A_440] : memref<10x64x128xf32, #tpu.memory_space<vmem>> -> memref<1x64x128xf32, #tpu.memory_space<vmem>>
      %dma_wait3A_442 = tpu.memref_squeeze %dma_wait3A_441 : memref<1x64x128xf32, #tpu.memory_space<vmem>> -> memref<64x128xf32, #tpu.memory_space<vmem>>
      %dma_wait3A_443 = arith.constant 0 : i32
      %dma_wait3A_444 = tpu.memref_slice %arg5[%dma_wait3A_437, %dma_wait3A_443] : memref<100x64xi32, #tpu.memory_space<vmem>> -> memref<1x64xi32, #tpu.memory_space<vmem>>
      %dma_wait3A_445 = tpu.memref_squeeze %dma_wait3A_444 : memref<1x64xi32, #tpu.memory_space<vmem>> -> memref<64xi32, #tpu.memory_space<vmem>>
      %dma_wait3A_446 = arith.constant 0 : i32
      %dma_wait3A_447 = arith.constant 0 : i32
      %dma_wait3A_448 = tpu.memref_slice %arg3[%dma_wait3A_446, %dma_wait3A_447] : memref<100000x128xf32, #tpu.memory_space<hbm>> -> memref<100000x128xf32, #tpu.memory_space<hbm>>
      tpu.wait_indirect_dma semaphore(%arg7 : memref<!tpu.dma_semaphore, #tpu.memory_space<semaphore_mem>>) src(%dma_wait3A_448 : memref<100000x128xf32, #tpu.memory_space<hbm>>) dst(%dma_wait3A_442 : memref<64x128xf32, #tpu.memory_space<vmem>>)
      %scan3A_449 = arith.constant 0 : i32
      %scan3A_450 = arith.constant 0 : i32
      %scan3A_451 = arith.constant 64 : i32
      %scan3A_452 = arith.addi %scan3A_450, %scan3A_451 : i32
      %scan3A_453 = arith.constant 1 : i32
      scf.for %scan3A_631 = %scan3A_450 to %scan3A_452 step %scan3A_453  : i32 {
        %get3A = arith.constant 6 : i32
        %get3A_632 = arith.index_cast %get3A : i32 to index
        %get3A_633 = arith.index_cast %scan3A_631 : i32 to index
        %get3A_634 = arith.constant 0 : index
        %get3A_635 = tpu.vector_load %arg6[%get3A_632, %get3A_633, %get3A_634] {strides = array<i32>} : memref<10x64x128xf32, #tpu.memory_space<vmem>>, vector<1x1x16xf32>,
        %get3A_636 = vector.shape_cast %get3A_635 : vector<1x1x16xf32> to vector<16xf32>
        %mul3A_637 = arith.constant 11.3137083 : f32
        %mul3A_638 = vector.broadcast %mul3A_637 : f32 to vector<16xf32>
        %mul3A_639 = arith.mulf %get3A_636, %mul3A_638 : vector<16xf32>
        %swap3A = arith.constant 6 : i32
        %swap3A_640 = arith.index_cast %swap3A : i32 to index
        %swap3A_641 = arith.index_cast %scan3A_631 : i32 to index
        %swap3A_642 = arith.constant 0 : index
        %swap3A_643 = tpu.vector_load %arg6[%swap3A_640, %swap3A_641, %swap3A_642] {strides = array<i32>} : memref<10x64x128xf32, #tpu.memory_space<vmem>>, vector<1x1x16xf32>,
        %swap3A_644 = vector.shape_cast %swap3A_643 : vector<1x1x16xf32> to vector<16xf32>
        %swap3A_645 = vector.shape_cast %mul3A_639 : vector<16xf32> to vector<1x1x16xf32>
        tpu.vector_store %arg6[%swap3A_640, %swap3A_641, %swap3A_642], %swap3A_645 {strides = array<i32>} : memref<10x64x128xf32, #tpu.memory_space<vmem>>, vector<1x1x16xf32>,
        %get3A_646 = arith.constant 6 : i32
        %get3A_647 = arith.index_cast %get3A_646 : i32 to index
        %get3A_648 = arith.index_cast %scan3A_631 : i32 to index
        %get3A_649 = arith.constant 16 : index
        %get3A_650 = tpu.vector_load %arg6[%get3A_647, %get3A_648, %get3A_649] {strides = array<i32>} : memref<10x64x128xf32, #tpu.memory_space<vmem>>, vector<1x1x16xf32>,
        %get3A_651 = vector.shape_cast %get3A_650 : vector<1x1x16xf32> to vector<16xf32>
        %mul3A_652 = arith.constant 11.3137083 : f32
        %mul3A_653 = vector.broadcast %mul3A_652 : f32 to vector<16xf32>
        %mul3A_654 = arith.mulf %get3A_651, %mul3A_653 : vector<16xf32>
        %swap3A_655 = arith.constant 6 : i32
        %swap3A_656 = arith.index_cast %swap3A_655 : i32 to index
        %swap3A_657 = arith.index_cast %scan3A_631 : i32 to index
        %swap3A_658 = arith.constant 16 : index
        %swap3A_659 = tpu.vector_load %arg6[%swap3A_656, %swap3A_657, %swap3A_658] {strides = array<i32>} : memref<10x64x128xf32, #tpu.memory_space<vmem>>, vector<1x1x16xf32>,
        %swap3A_660 = vector.shape_cast %swap3A_659 : vector<1x1x16xf32> to vector<16xf32>
        %swap3A_661 = vector.shape_cast %mul3A_654 : vector<16xf32> to vector<1x1x16xf32>
        tpu.vector_store %arg6[%swap3A_656, %swap3A_657, %swap3A_658], %swap3A_661 {strides = array<i32>} : memref<10x64x128xf32, #tpu.memory_space<vmem>>, vector<1x1x16xf32>,
        %get3A_662 = arith.constant 6 : i32
        %get3A_663 = arith.index_cast %get3A_662 : i32 to index
        %get3A_664 = arith.index_cast %scan3A_631 : i32 to index
        %get3A_665 = arith.constant 32 : index
        %get3A_666 = tpu.vector_load %arg6[%get3A_663, %get3A_664, %get3A_665] {strides = array<i32>} : memref<10x64x128xf32, #tpu.memory_space<vmem>>, vector<1x1x16xf32>,
        %get3A_667 = vector.shape_cast %get3A_666 : vector<1x1x16xf32> to vector<16xf32>
        %mul3A_668 = arith.constant 11.3137083 : f32
        %mul3A_669 = vector.broadcast %mul3A_668 : f32 to vector<16xf32>
        %mul3A_670 = arith.mulf %get3A_667, %mul3A_669 : vector<16xf32>
        %swap3A_671 = arith.constant 6 : i32
        %swap3A_672 = arith.index_cast %swap3A_671 : i32 to index
        %swap3A_673 = arith.index_cast %scan3A_631 : i32 to index
        %swap3A_674 = arith.constant 32 : index
        %swap3A_675 = tpu.vector_load %arg6[%swap3A_672, %swap3A_673, %swap3A_674] {strides = array<i32>} : memref<10x64x128xf32, #tpu.memory_space<vmem>>, vector<1x1x16xf32>,
        %swap3A_676 = vector.shape_cast %swap3A_675 : vector<1x1x16xf32> to vector<16xf32>
        %swap3A_677 = vector.shape_cast %mul3A_670 : vector<16xf32> to vector<1x1x16xf32>
        tpu.vector_store %arg6[%swap3A_672, %swap3A_673, %swap3A_674], %swap3A_677 {strides = array<i32>} : memref<10x64x128xf32, #tpu.memory_space<vmem>>, vector<1x1x16xf32>,
        %get3A_678 = arith.constant 6 : i32
        %get3A_679 = arith.index_cast %get3A_678 : i32 to index
        %get3A_680 = arith.index_cast %scan3A_631 : i32 to index
        %get3A_681 = arith.constant 48 : index
        %get3A_682 = tpu.vector_load %arg6[%get3A_679, %get3A_680, %get3A_681] {strides = array<i32>} : memref<10x64x128xf32, #tpu.memory_space<vmem>>, vector<1x1x16xf32>,
        %get3A_683 = vector.shape_cast %get3A_682 : vector<1x1x16xf32> to vector<16xf32>
        %mul3A_684 = arith.constant 11.3137083 : f32
        %mul3A_685 = vector.broadcast %mul3A_684 : f32 to vector<16xf32>
        %mul3A_686 = arith.mulf %get3A_683, %mul3A_685 : vector<16xf32>
        %swap3A_687 = arith.constant 6 : i32
        %swap3A_688 = arith.index_cast %swap3A_687 : i32 to index
        %swap3A_689 = arith.index_cast %scan3A_631 : i32 to index
        %swap3A_690 = arith.constant 48 : index
        %swap3A_691 = tpu.vector_load %arg6[%swap3A_688, %swap3A_689, %swap3A_690] {strides = array<i32>} : memref<10x64x128xf32, #tpu.memory_space<vmem>>, vector<1x1x16xf32>,
        %swap3A_692 = vector.shape_cast %swap3A_691 : vector<1x1x16xf32> to vector<16xf32>
        %swap3A_693 = vector.shape_cast %mul3A_686 : vector<16xf32> to vector<1x1x16xf32>
        tpu.vector_store %arg6[%swap3A_688, %swap3A_689, %swap3A_690], %swap3A_693 {strides = array<i32>} : memref<10x64x128xf32, #tpu.memory_space<vmem>>, vector<1x1x16xf32>,
        %get3A_694 = arith.constant 6 : i32
        %get3A_695 = arith.index_cast %get3A_694 : i32 to index
        %get3A_696 = arith.index_cast %scan3A_631 : i32 to index
        %get3A_697 = arith.constant 64 : index
        %get3A_698 = tpu.vector_load %arg6[%get3A_695, %get3A_696, %get3A_697] {strides = array<i32>} : memref<10x64x128xf32, #tpu.memory_space<vmem>>, vector<1x1x16xf32>,
        %get3A_699 = vector.shape_cast %get3A_698 : vector<1x1x16xf32> to vector<16xf32>
        %mul3A_700 = arith.constant 11.3137083 : f32
        %mul3A_701 = vector.broadcast %mul3A_700 : f32 to vector<16xf32>
        %mul3A_702 = arith.mulf %get3A_699, %mul3A_701 : vector<16xf32>
        %swap3A_703 = arith.constant 6 : i32
        %swap3A_704 = arith.index_cast %swap3A_703 : i32 to index
        %swap3A_705 = arith.index_cast %scan3A_631 : i32 to index
        %swap3A_706 = arith.constant 64 : index
        %swap3A_707 = tpu.vector_load %arg6[%swap3A_704, %swap3A_705, %swap3A_706] {strides = array<i32>} : memref<10x64x128xf32, #tpu.memory_space<vmem>>, vector<1x1x16xf32>,
        %swap3A_708 = vector.shape_cast %swap3A_707 : vector<1x1x16xf32> to vector<16xf32>
        %swap3A_709 = vector.shape_cast %mul3A_702 : vector<16xf32> to vector<1x1x16xf32>
        tpu.vector_store %arg6[%swap3A_704, %swap3A_705, %swap3A_706], %swap3A_709 {strides = array<i32>} : memref<10x64x128xf32, #tpu.memory_space<vmem>>, vector<1x1x16xf32>,
        %get3A_710 = arith.constant 6 : i32
        %get3A_711 = arith.index_cast %get3A_710 : i32 to index
        %get3A_712 = arith.index_cast %scan3A_631 : i32 to index
        %get3A_713 = arith.constant 80 : index
        %get3A_714 = tpu.vector_load %arg6[%get3A_711, %get3A_712, %get3A_713] {strides = array<i32>} : memref<10x64x128xf32, #tpu.memory_space<vmem>>, vector<1x1x16xf32>,
        %get3A_715 = vector.shape_cast %get3A_714 : vector<1x1x16xf32> to vector<16xf32>
        %mul3A_716 = arith.constant 11.3137083 : f32
        %mul3A_717 = vector.broadcast %mul3A_716 : f32 to vector<16xf32>
        %mul3A_718 = arith.mulf %get3A_715, %mul3A_717 : vector<16xf32>
        %swap3A_719 = arith.constant 6 : i32
        %swap3A_720 = arith.index_cast %swap3A_719 : i32 to index
        %swap3A_721 = arith.index_cast %scan3A_631 : i32 to index
        %swap3A_722 = arith.constant 80 : index
        %swap3A_723 = tpu.vector_load %arg6[%swap3A_720, %swap3A_721, %swap3A_722] {strides = array<i32>} : memref<10x64x128xf32, #tpu.memory_space<vmem>>, vector<1x1x16xf32>,
        %swap3A_724 = vector.shape_cast %swap3A_723 : vector<1x1x16xf32> to vector<16xf32>
        %swap3A_725 = vector.shape_cast %mul3A_718 : vector<16xf32> to vector<1x1x16xf32>
        tpu.vector_store %arg6[%swap3A_720, %swap3A_721, %swap3A_722], %swap3A_725 {strides = array<i32>} : memref<10x64x128xf32, #tpu.memory_space<vmem>>, vector<1x1x16xf32>,
        %get3A_726 = arith.constant 6 : i32
        %get3A_727 = arith.index_cast %get3A_726 : i32 to index
        %get3A_728 = arith.index_cast %scan3A_631 : i32 to index
        %get3A_729 = arith.constant 96 : index
        %get3A_730 = tpu.vector_load %arg6[%get3A_727, %get3A_728, %get3A_729] {strides = array<i32>} : memref<10x64x128xf32, #tpu.memory_space<vmem>>, vector<1x1x16xf32>,
        %get3A_731 = vector.shape_cast %get3A_730 : vector<1x1x16xf32> to vector<16xf32>
        %mul3A_732 = arith.constant 11.3137083 : f32
        %mul3A_733 = vector.broadcast %mul3A_732 : f32 to vector<16xf32>
        %mul3A_734 = arith.mulf %get3A_731, %mul3A_733 : vector<16xf32>
        %swap3A_735 = arith.constant 6 : i32
        %swap3A_736 = arith.index_cast %swap3A_735 : i32 to index
        %swap3A_737 = arith.index_cast %scan3A_631 : i32 to index
        %swap3A_738 = arith.constant 96 : index
        %swap3A_739 = tpu.vector_load %arg6[%swap3A_736, %swap3A_737, %swap3A_738] {strides = array<i32>} : memref<10x64x128xf32, #tpu.memory_space<vmem>>, vector<1x1x16xf32>,
        %swap3A_740 = vector.shape_cast %swap3A_739 : vector<1x1x16xf32> to vector<16xf32>
        %swap3A_741 = vector.shape_cast %mul3A_734 : vector<16xf32> to vector<1x1x16xf32>
        tpu.vector_store %arg6[%swap3A_736, %swap3A_737, %swap3A_738], %swap3A_741 {strides = array<i32>} : memref<10x64x128xf32, #tpu.memory_space<vmem>>, vector<1x1x16xf32>,
        %get3A_742 = arith.constant 6 : i32
        %get3A_743 = arith.index_cast %get3A_742 : i32 to index
        %get3A_744 = arith.index_cast %scan3A_631 : i32 to index
        %get3A_745 = arith.constant 112 : index
        %get3A_746 = tpu.vector_load %arg6[%get3A_743, %get3A_744, %get3A_745] {strides = array<i32>} : memref<10x64x128xf32, #tpu.memory_space<vmem>>, vector<1x1x16xf32>,
        %get3A_747 = vector.shape_cast %get3A_746 : vector<1x1x16xf32> to vector<16xf32>
        %mul3A_748 = arith.constant 11.3137083 : f32
        %mul3A_749 = vector.broadcast %mul3A_748 : f32 to vector<16xf32>
        %mul3A_750 = arith.mulf %get3A_747, %mul3A_749 : vector<16xf32>
        %swap3A_751 = arith.constant 6 : i32
        %swap3A_752 = arith.index_cast %swap3A_751 : i32 to index
        %swap3A_753 = arith.index_cast %scan3A_631 : i32 to index
        %swap3A_754 = arith.constant 112 : index
        %swap3A_755 = tpu.vector_load %arg6[%swap3A_752, %swap3A_753, %swap3A_754] {strides = array<i32>} : memref<10x64x128xf32, #tpu.memory_space<vmem>>, vector<1x1x16xf32>,
        %swap3A_756 = vector.shape_cast %swap3A_755 : vector<1x1x16xf32> to vector<16xf32>
        %swap3A_757 = vector.shape_cast %mul3A_750 : vector<16xf32> to vector<1x1x16xf32>
        tpu.vector_store %arg6[%swap3A_752, %swap3A_753, %swap3A_754], %swap3A_757 {strides = array<i32>} : memref<10x64x128xf32, #tpu.memory_space<vmem>>, vector<1x1x16xf32>,
      }
      %scan3A_454 = arith.constant 64 : i32
      %dma_start3A_455 = arith.constant 6 : i32
      %dma_start3A_456 = arith.constant 0 : i32
      %dma_start3A_457 = arith.constant 0 : i32
      %dma_start3A_458 = tpu.memref_slice %arg6[%dma_start3A_455, %dma_start3A_456, %dma_start3A_457] : memref<10x64x128xf32, #tpu.memory_space<vmem>> -> memref<1x64x128xf32, #tpu.memory_space<vmem>>
      %dma_start3A_459 = tpu.memref_squeeze %dma_start3A_458 : memref<1x64x128xf32, #tpu.memory_space<vmem>> -> memref<64x128xf32, #tpu.memory_space<vmem>>
      %dma_start3A_460 = arith.constant 0 : i32
      %dma_start3A_461 = arith.constant 0 : i32
      %dma_start3A_462 = tpu.memref_slice %arg4[%add3A, %add3A_436, %dma_start3A_460, %dma_start3A_461] : memref<32x100x64x128xf32, #tpu.memory_space<hbm>> -> memref<1x1x64x128xf32, #tpu.memory_space<hbm>>
      %dma_start3A_463 = tpu.memref_squeeze %dma_start3A_462 : memref<1x1x64x128xf32, #tpu.memory_space<hbm>> -> memref<64x128xf32, #tpu.memory_space<hbm>>
      %dma_start3A_464 = arith.constant 0 : i32
      %dma_start3A_465 = arith.constant 0 : i32
      %dma_start3A_466 = tpu.memref_slice %arg4[%add3A, %add3A_436, %dma_start3A_464, %dma_start3A_465] : memref<32x100x64x128xf32, #tpu.memory_space<hbm>> -> memref<1x1x64x128xf32, #tpu.memory_space<hbm>>
      %dma_start3A_467 = tpu.memref_squeeze %dma_start3A_466 : memref<1x1x64x128xf32, #tpu.memory_space<hbm>> -> memref<64x128xf32, #tpu.memory_space<hbm>>
      %dma_start3A_468 = arith.constant 0 : i32
      %dma_start3A_469 = arith.constant 0 : i32
      %dma_start3A_470 = tpu.memref_slice %arg6[%dma_start3A_455, %dma_start3A_468, %dma_start3A_469] : memref<10x64x128xf32, #tpu.memory_space<vmem>> -> memref<1x64x128xf32, #tpu.memory_space<vmem>>
      %dma_start3A_471 = tpu.memref_squeeze %dma_start3A_470 : memref<1x64x128xf32, #tpu.memory_space<vmem>> -> memref<64x128xf32, #tpu.memory_space<vmem>>
      tpu.enqueue_dma source(%dma_start3A_471 : memref<64x128xf32, #tpu.memory_space<vmem>>) target(%dma_start3A_467 : memref<64x128xf32, #tpu.memory_space<hbm>>) target_semaphore(%arg8 : memref<!tpu.dma_semaphore, #tpu.memory_space<semaphore_mem>>)
      %ge3A_472 = arith.constant 3 : i32
      %ge3A_473 = arith.cmpi sge, %add3A_436, %ge3A_472 : i32
      %convert_element_type3A_474 = arith.extui %ge3A_473 : i1 to i32
      %cond3A_475 = arith.constant 0 : i32
      %cond3A_476 = arith.cmpi ne, %convert_element_type3A_474, %cond3A_475 : i32
      scf.if %cond3A_476 {
        %dma_wait3A_631 = arith.constant 6 : i32
        %dma_wait3A_632 = arith.constant 0 : i32
        %dma_wait3A_633 = arith.constant 0 : i32
        %dma_wait3A_634 = tpu.memref_slice %arg6[%dma_wait3A_631, %dma_wait3A_632, %dma_wait3A_633] : memref<10x64x128xf32, #tpu.memory_space<vmem>> -> memref<1x64x128xf32, #tpu.memory_space<vmem>>
        %dma_wait3A_635 = tpu.memref_squeeze %dma_wait3A_634 : memref<1x64x128xf32, #tpu.memory_space<vmem>> -> memref<64x128xf32, #tpu.memory_space<vmem>>
        %dma_wait3A_636 = arith.constant 0 : i32
        %dma_wait3A_637 = arith.constant 0 : i32
        %dma_wait3A_638 = tpu.memref_slice %arg4[%add3A, %add3A_436, %dma_wait3A_636, %dma_wait3A_637] : memref<32x100x64x128xf32, #tpu.memory_space<hbm>> -> memref<1x1x64x128xf32, #tpu.memory_space<hbm>>
        %dma_wait3A_639 = tpu.memref_squeeze %dma_wait3A_638 : memref<1x1x64x128xf32, #tpu.memory_space<hbm>> -> memref<64x128xf32, #tpu.memory_space<hbm>>
        %dma_wait3A_640 = arith.constant 0 : i32
        %dma_wait3A_641 = arith.constant 0 : i32
        %dma_wait3A_642 = tpu.memref_slice %arg4[%add3A, %add3A_436, %dma_wait3A_640, %dma_wait3A_641] : memref<32x100x64x128xf32, #tpu.memory_space<hbm>> -> memref<1x1x64x128xf32, #tpu.memory_space<hbm>>
        %dma_wait3A_643 = tpu.memref_squeeze %dma_wait3A_642 : memref<1x1x64x128xf32, #tpu.memory_space<hbm>> -> memref<64x128xf32, #tpu.memory_space<hbm>>
        %dma_wait3A_644 = arith.constant 0 : i32
        %dma_wait3A_645 = arith.constant 0 : i32
        %dma_wait3A_646 = tpu.memref_slice %arg6[%dma_wait3A_631, %dma_wait3A_644, %dma_wait3A_645] : memref<10x64x128xf32, #tpu.memory_space<vmem>> -> memref<1x64x128xf32, #tpu.memory_space<vmem>>
        %dma_wait3A_647 = tpu.memref_squeeze %dma_wait3A_646 : memref<1x64x128xf32, #tpu.memory_space<vmem>> -> memref<64x128xf32, #tpu.memory_space<vmem>>
        tpu.wait_dma2 semaphore(%arg8 : memref<!tpu.dma_semaphore, #tpu.memory_space<semaphore_mem>>) src(%dma_wait3A_647 : memref<64x128xf32, #tpu.memory_space<vmem>>) dst(%dma_wait3A_643 : memref<64x128xf32, #tpu.memory_space<hbm>>)
      } else {
      }
      %add3A_477 = arith.constant 7 : i32
      %add3A_478 = arith.addi %add3A_436, %add3A_477 : i32
      %lt3A_479 = arith.constant 100 : i32
      %lt3A_480 = arith.cmpi slt, %add3A_478, %lt3A_479 : i32
      %convert_element_type3A_481 = arith.extui %lt3A_480 : i1 to i32
      %cond3A_482 = arith.constant 0 : i32
      %cond3A_483 = arith.cmpi ne, %convert_element_type3A_481, %cond3A_482 : i32
      scf.if %cond3A_483 {
        %add3A_631 = arith.constant 7 : i32
        %add3A_632 = arith.addi %add3A_436, %add3A_631 : i32
        %dma_start3A_633 = arith.constant 3 : i32
        %dma_start3A_634 = arith.constant 0 : i32
        %dma_start3A_635 = arith.constant 0 : i32
        %dma_start3A_636 = tpu.memref_slice %arg6[%dma_start3A_633, %dma_start3A_634, %dma_start3A_635] : memref<10x64x128xf32, #tpu.memory_space<vmem>> -> memref<1x64x128xf32, #tpu.memory_space<vmem>>
        %dma_start3A_637 = tpu.memref_squeeze %dma_start3A_636 : memref<1x64x128xf32, #tpu.memory_space<vmem>> -> memref<64x128xf32, #tpu.memory_space<vmem>>
        %dma_start3A_638 = arith.constant 0 : i32
        %dma_start3A_639 = tpu.memref_slice %arg5[%add3A_632, %dma_start3A_638] : memref<100x64xi32, #tpu.memory_space<vmem>> -> memref<1x64xi32, #tpu.memory_space<vmem>>
        %dma_start3A_640 = tpu.memref_squeeze %dma_start3A_639 : memref<1x64xi32, #tpu.memory_space<vmem>> -> memref<64xi32, #tpu.memory_space<vmem>>
        %dma_start3A_641 = arith.constant 0 : i32
        %dma_start3A_642 = arith.constant 0 : i32
        %dma_start3A_643 = tpu.memref_slice %arg3[%dma_start3A_641, %dma_start3A_642] : memref<100000x128xf32, #tpu.memory_space<hbm>> -> memref<100000x128xf32, #tpu.memory_space<hbm>>
        tpu.enqueue_indirect_dma source(%dma_start3A_643 : memref<100000x128xf32, #tpu.memory_space<hbm>>) target(%dma_start3A_637 : memref<64x128xf32, #tpu.memory_space<vmem>>) offsets(%dma_start3A_640 : memref<64xi32, #tpu.memory_space<vmem>>) semaphore(%arg7 : memref<!tpu.dma_semaphore, #tpu.memory_space<semaphore_mem>>)
      } else {
      }
      %add3A_484 = arith.constant 7 : i32
      %add3A_485 = arith.addi %mul3A_144, %add3A_484 : i32
      %dma_wait3A_486 = arith.constant 7 : i32
      %dma_wait3A_487 = arith.constant 7 : i32
      %dma_wait3A_488 = arith.constant 0 : i32
      %dma_wait3A_489 = arith.constant 0 : i32
      %dma_wait3A_490 = tpu.memref_slice %arg6[%dma_wait3A_487, %dma_wait3A_488, %dma_wait3A_489] : memref<10x64x128xf32, #tpu.memory_space<vmem>> -> memref<1x64x128xf32, #tpu.memory_space<vmem>>
      %dma_wait3A_491 = tpu.memref_squeeze %dma_wait3A_490 : memref<1x64x128xf32, #tpu.memory_space<vmem>> -> memref<64x128xf32, #tpu.memory_space<vmem>>
      %dma_wait3A_492 = arith.constant 0 : i32
      %dma_wait3A_493 = tpu.memref_slice %arg5[%dma_wait3A_486, %dma_wait3A_492] : memref<100x64xi32, #tpu.memory_space<vmem>> -> memref<1x64xi32, #tpu.memory_space<vmem>>
      %dma_wait3A_494 = tpu.memref_squeeze %dma_wait3A_493 : memref<1x64xi32, #tpu.memory_space<vmem>> -> memref<64xi32, #tpu.memory_space<vmem>>
      %dma_wait3A_495 = arith.constant 0 : i32
      %dma_wait3A_496 = arith.constant 0 : i32
      %dma_wait3A_497 = tpu.memref_slice %arg3[%dma_wait3A_495, %dma_wait3A_496] : memref<100000x128xf32, #tpu.memory_space<hbm>> -> memref<100000x128xf32, #tpu.memory_space<hbm>>
      tpu.wait_indirect_dma semaphore(%arg7 : memref<!tpu.dma_semaphore, #tpu.memory_space<semaphore_mem>>) src(%dma_wait3A_497 : memref<100000x128xf32, #tpu.memory_space<hbm>>) dst(%dma_wait3A_491 : memref<64x128xf32, #tpu.memory_space<vmem>>)
      %scan3A_498 = arith.constant 0 : i32
      %scan3A_499 = arith.constant 0 : i32
      %scan3A_500 = arith.constant 64 : i32
      %scan3A_501 = arith.addi %scan3A_499, %scan3A_500 : i32
      %scan3A_502 = arith.constant 1 : i32
      scf.for %scan3A_631 = %scan3A_499 to %scan3A_501 step %scan3A_502  : i32 {
        %get3A = arith.constant 7 : i32
        %get3A_632 = arith.index_cast %get3A : i32 to index
        %get3A_633 = arith.index_cast %scan3A_631 : i32 to index
        %get3A_634 = arith.constant 0 : index
        %get3A_635 = tpu.vector_load %arg6[%get3A_632, %get3A_633, %get3A_634] {strides = array<i32>} : memref<10x64x128xf32, #tpu.memory_space<vmem>>, vector<1x1x16xf32>,
        %get3A_636 = vector.shape_cast %get3A_635 : vector<1x1x16xf32> to vector<16xf32>
        %mul3A_637 = arith.constant 11.3137083 : f32
        %mul3A_638 = vector.broadcast %mul3A_637 : f32 to vector<16xf32>
        %mul3A_639 = arith.mulf %get3A_636, %mul3A_638 : vector<16xf32>
        %swap3A = arith.constant 7 : i32
        %swap3A_640 = arith.index_cast %swap3A : i32 to index
        %swap3A_641 = arith.index_cast %scan3A_631 : i32 to index
        %swap3A_642 = arith.constant 0 : index
        %swap3A_643 = tpu.vector_load %arg6[%swap3A_640, %swap3A_641, %swap3A_642] {strides = array<i32>} : memref<10x64x128xf32, #tpu.memory_space<vmem>>, vector<1x1x16xf32>,
        %swap3A_644 = vector.shape_cast %swap3A_643 : vector<1x1x16xf32> to vector<16xf32>
        %swap3A_645 = vector.shape_cast %mul3A_639 : vector<16xf32> to vector<1x1x16xf32>
        tpu.vector_store %arg6[%swap3A_640, %swap3A_641, %swap3A_642], %swap3A_645 {strides = array<i32>} : memref<10x64x128xf32, #tpu.memory_space<vmem>>, vector<1x1x16xf32>,
        %get3A_646 = arith.constant 7 : i32
        %get3A_647 = arith.index_cast %get3A_646 : i32 to index
        %get3A_648 = arith.index_cast %scan3A_631 : i32 to index
        %get3A_649 = arith.constant 16 : index
        %get3A_650 = tpu.vector_load %arg6[%get3A_647, %get3A_648, %get3A_649] {strides = array<i32>} : memref<10x64x128xf32, #tpu.memory_space<vmem>>, vector<1x1x16xf32>,
        %get3A_651 = vector.shape_cast %get3A_650 : vector<1x1x16xf32> to vector<16xf32>
        %mul3A_652 = arith.constant 11.3137083 : f32
        %mul3A_653 = vector.broadcast %mul3A_652 : f32 to vector<16xf32>
        %mul3A_654 = arith.mulf %get3A_651, %mul3A_653 : vector<16xf32>
        %swap3A_655 = arith.constant 7 : i32
        %swap3A_656 = arith.index_cast %swap3A_655 : i32 to index
        %swap3A_657 = arith.index_cast %scan3A_631 : i32 to index
        %swap3A_658 = arith.constant 16 : index
        %swap3A_659 = tpu.vector_load %arg6[%swap3A_656, %swap3A_657, %swap3A_658] {strides = array<i32>} : memref<10x64x128xf32, #tpu.memory_space<vmem>>, vector<1x1x16xf32>,
        %swap3A_660 = vector.shape_cast %swap3A_659 : vector<1x1x16xf32> to vector<16xf32>
        %swap3A_661 = vector.shape_cast %mul3A_654 : vector<16xf32> to vector<1x1x16xf32>
        tpu.vector_store %arg6[%swap3A_656, %swap3A_657, %swap3A_658], %swap3A_661 {strides = array<i32>} : memref<10x64x128xf32, #tpu.memory_space<vmem>>, vector<1x1x16xf32>,
        %get3A_662 = arith.constant 7 : i32
        %get3A_663 = arith.index_cast %get3A_662 : i32 to index
        %get3A_664 = arith.index_cast %scan3A_631 : i32 to index
        %get3A_665 = arith.constant 32 : index
        %get3A_666 = tpu.vector_load %arg6[%get3A_663, %get3A_664, %get3A_665] {strides = array<i32>} : memref<10x64x128xf32, #tpu.memory_space<vmem>>, vector<1x1x16xf32>,
        %get3A_667 = vector.shape_cast %get3A_666 : vector<1x1x16xf32> to vector<16xf32>
        %mul3A_668 = arith.constant 11.3137083 : f32
        %mul3A_669 = vector.broadcast %mul3A_668 : f32 to vector<16xf32>
        %mul3A_670 = arith.mulf %get3A_667, %mul3A_669 : vector<16xf32>
        %swap3A_671 = arith.constant 7 : i32
        %swap3A_672 = arith.index_cast %swap3A_671 : i32 to index
        %swap3A_673 = arith.index_cast %scan3A_631 : i32 to index
        %swap3A_674 = arith.constant 32 : index
        %swap3A_675 = tpu.vector_load %arg6[%swap3A_672, %swap3A_673, %swap3A_674] {strides = array<i32>} : memref<10x64x128xf32, #tpu.memory_space<vmem>>, vector<1x1x16xf32>,
        %swap3A_676 = vector.shape_cast %swap3A_675 : vector<1x1x16xf32> to vector<16xf32>
        %swap3A_677 = vector.shape_cast %mul3A_670 : vector<16xf32> to vector<1x1x16xf32>
        tpu.vector_store %arg6[%swap3A_672, %swap3A_673, %swap3A_674], %swap3A_677 {strides = array<i32>} : memref<10x64x128xf32, #tpu.memory_space<vmem>>, vector<1x1x16xf32>,
        %get3A_678 = arith.constant 7 : i32
        %get3A_679 = arith.index_cast %get3A_678 : i32 to index
        %get3A_680 = arith.index_cast %scan3A_631 : i32 to index
        %get3A_681 = arith.constant 48 : index
        %get3A_682 = tpu.vector_load %arg6[%get3A_679, %get3A_680, %get3A_681] {strides = array<i32>} : memref<10x64x128xf32, #tpu.memory_space<vmem>>, vector<1x1x16xf32>,
        %get3A_683 = vector.shape_cast %get3A_682 : vector<1x1x16xf32> to vector<16xf32>
        %mul3A_684 = arith.constant 11.3137083 : f32
        %mul3A_685 = vector.broadcast %mul3A_684 : f32 to vector<16xf32>
        %mul3A_686 = arith.mulf %get3A_683, %mul3A_685 : vector<16xf32>
        %swap3A_687 = arith.constant 7 : i32
        %swap3A_688 = arith.index_cast %swap3A_687 : i32 to index
        %swap3A_689 = arith.index_cast %scan3A_631 : i32 to index
        %swap3A_690 = arith.constant 48 : index
        %swap3A_691 = tpu.vector_load %arg6[%swap3A_688, %swap3A_689, %swap3A_690] {strides = array<i32>} : memref<10x64x128xf32, #tpu.memory_space<vmem>>, vector<1x1x16xf32>,
        %swap3A_692 = vector.shape_cast %swap3A_691 : vector<1x1x16xf32> to vector<16xf32>
        %swap3A_693 = vector.shape_cast %mul3A_686 : vector<16xf32> to vector<1x1x16xf32>
        tpu.vector_store %arg6[%swap3A_688, %swap3A_689, %swap3A_690], %swap3A_693 {strides = array<i32>} : memref<10x64x128xf32, #tpu.memory_space<vmem>>, vector<1x1x16xf32>,
        %get3A_694 = arith.constant 7 : i32
        %get3A_695 = arith.index_cast %get3A_694 : i32 to index
        %get3A_696 = arith.index_cast %scan3A_631 : i32 to index
        %get3A_697 = arith.constant 64 : index
        %get3A_698 = tpu.vector_load %arg6[%get3A_695, %get3A_696, %get3A_697] {strides = array<i32>} : memref<10x64x128xf32, #tpu.memory_space<vmem>>, vector<1x1x16xf32>,
        %get3A_699 = vector.shape_cast %get3A_698 : vector<1x1x16xf32> to vector<16xf32>
        %mul3A_700 = arith.constant 11.3137083 : f32
        %mul3A_701 = vector.broadcast %mul3A_700 : f32 to vector<16xf32>
        %mul3A_702 = arith.mulf %get3A_699, %mul3A_701 : vector<16xf32>
        %swap3A_703 = arith.constant 7 : i32
        %swap3A_704 = arith.index_cast %swap3A_703 : i32 to index
        %swap3A_705 = arith.index_cast %scan3A_631 : i32 to index
        %swap3A_706 = arith.constant 64 : index
        %swap3A_707 = tpu.vector_load %arg6[%swap3A_704, %swap3A_705, %swap3A_706] {strides = array<i32>} : memref<10x64x128xf32, #tpu.memory_space<vmem>>, vector<1x1x16xf32>,
        %swap3A_708 = vector.shape_cast %swap3A_707 : vector<1x1x16xf32> to vector<16xf32>
        %swap3A_709 = vector.shape_cast %mul3A_702 : vector<16xf32> to vector<1x1x16xf32>
        tpu.vector_store %arg6[%swap3A_704, %swap3A_705, %swap3A_706], %swap3A_709 {strides = array<i32>} : memref<10x64x128xf32, #tpu.memory_space<vmem>>, vector<1x1x16xf32>,
        %get3A_710 = arith.constant 7 : i32
        %get3A_711 = arith.index_cast %get3A_710 : i32 to index
        %get3A_712 = arith.index_cast %scan3A_631 : i32 to index
        %get3A_713 = arith.constant 80 : index
        %get3A_714 = tpu.vector_load %arg6[%get3A_711, %get3A_712, %get3A_713] {strides = array<i32>} : memref<10x64x128xf32, #tpu.memory_space<vmem>>, vector<1x1x16xf32>,
        %get3A_715 = vector.shape_cast %get3A_714 : vector<1x1x16xf32> to vector<16xf32>
        %mul3A_716 = arith.constant 11.3137083 : f32
        %mul3A_717 = vector.broadcast %mul3A_716 : f32 to vector<16xf32>
        %mul3A_718 = arith.mulf %get3A_715, %mul3A_717 : vector<16xf32>
        %swap3A_719 = arith.constant 7 : i32
        %swap3A_720 = arith.index_cast %swap3A_719 : i32 to index
        %swap3A_721 = arith.index_cast %scan3A_631 : i32 to index
        %swap3A_722 = arith.constant 80 : index
        %swap3A_723 = tpu.vector_load %arg6[%swap3A_720, %swap3A_721, %swap3A_722] {strides = array<i32>} : memref<10x64x128xf32, #tpu.memory_space<vmem>>, vector<1x1x16xf32>,
        %swap3A_724 = vector.shape_cast %swap3A_723 : vector<1x1x16xf32> to vector<16xf32>
        %swap3A_725 = vector.shape_cast %mul3A_718 : vector<16xf32> to vector<1x1x16xf32>
        tpu.vector_store %arg6[%swap3A_720, %swap3A_721, %swap3A_722], %swap3A_725 {strides = array<i32>} : memref<10x64x128xf32, #tpu.memory_space<vmem>>, vector<1x1x16xf32>,
        %get3A_726 = arith.constant 7 : i32
        %get3A_727 = arith.index_cast %get3A_726 : i32 to index
        %get3A_728 = arith.index_cast %scan3A_631 : i32 to index
        %get3A_729 = arith.constant 96 : index
        %get3A_730 = tpu.vector_load %arg6[%get3A_727, %get3A_728, %get3A_729] {strides = array<i32>} : memref<10x64x128xf32, #tpu.memory_space<vmem>>, vector<1x1x16xf32>,
        %get3A_731 = vector.shape_cast %get3A_730 : vector<1x1x16xf32> to vector<16xf32>
        %mul3A_732 = arith.constant 11.3137083 : f32
        %mul3A_733 = vector.broadcast %mul3A_732 : f32 to vector<16xf32>
        %mul3A_734 = arith.mulf %get3A_731, %mul3A_733 : vector<16xf32>
        %swap3A_735 = arith.constant 7 : i32
        %swap3A_736 = arith.index_cast %swap3A_735 : i32 to index
        %swap3A_737 = arith.index_cast %scan3A_631 : i32 to index
        %swap3A_738 = arith.constant 96 : index
        %swap3A_739 = tpu.vector_load %arg6[%swap3A_736, %swap3A_737, %swap3A_738] {strides = array<i32>} : memref<10x64x128xf32, #tpu.memory_space<vmem>>, vector<1x1x16xf32>,
        %swap3A_740 = vector.shape_cast %swap3A_739 : vector<1x1x16xf32> to vector<16xf32>
        %swap3A_741 = vector.shape_cast %mul3A_734 : vector<16xf32> to vector<1x1x16xf32>
        tpu.vector_store %arg6[%swap3A_736, %swap3A_737, %swap3A_738], %swap3A_741 {strides = array<i32>} : memref<10x64x128xf32, #tpu.memory_space<vmem>>, vector<1x1x16xf32>,
        %get3A_742 = arith.constant 7 : i32
        %get3A_743 = arith.index_cast %get3A_742 : i32 to index
        %get3A_744 = arith.index_cast %scan3A_631 : i32 to index
        %get3A_745 = arith.constant 112 : index
        %get3A_746 = tpu.vector_load %arg6[%get3A_743, %get3A_744, %get3A_745] {strides = array<i32>} : memref<10x64x128xf32, #tpu.memory_space<vmem>>, vector<1x1x16xf32>,
        %get3A_747 = vector.shape_cast %get3A_746 : vector<1x1x16xf32> to vector<16xf32>
        %mul3A_748 = arith.constant 11.3137083 : f32
        %mul3A_749 = vector.broadcast %mul3A_748 : f32 to vector<16xf32>
        %mul3A_750 = arith.mulf %get3A_747, %mul3A_749 : vector<16xf32>
        %swap3A_751 = arith.constant 7 : i32
        %swap3A_752 = arith.index_cast %swap3A_751 : i32 to index
        %swap3A_753 = arith.index_cast %scan3A_631 : i32 to index
        %swap3A_754 = arith.constant 112 : index
        %swap3A_755 = tpu.vector_load %arg6[%swap3A_752, %swap3A_753, %swap3A_754] {strides = array<i32>} : memref<10x64x128xf32, #tpu.memory_space<vmem>>, vector<1x1x16xf32>,
        %swap3A_756 = vector.shape_cast %swap3A_755 : vector<1x1x16xf32> to vector<16xf32>
        %swap3A_757 = vector.shape_cast %mul3A_750 : vector<16xf32> to vector<1x1x16xf32>
        tpu.vector_store %arg6[%swap3A_752, %swap3A_753, %swap3A_754], %swap3A_757 {strides = array<i32>} : memref<10x64x128xf32, #tpu.memory_space<vmem>>, vector<1x1x16xf32>,
      }
      %scan3A_503 = arith.constant 64 : i32
      %dma_start3A_504 = arith.constant 7 : i32
      %dma_start3A_505 = arith.constant 0 : i32
      %dma_start3A_506 = arith.constant 0 : i32
      %dma_start3A_507 = tpu.memref_slice %arg6[%dma_start3A_504, %dma_start3A_505, %dma_start3A_506] : memref<10x64x128xf32, #tpu.memory_space<vmem>> -> memref<1x64x128xf32, #tpu.memory_space<vmem>>
      %dma_start3A_508 = tpu.memref_squeeze %dma_start3A_507 : memref<1x64x128xf32, #tpu.memory_space<vmem>> -> memref<64x128xf32, #tpu.memory_space<vmem>>
      %dma_start3A_509 = arith.constant 0 : i32
      %dma_start3A_510 = arith.constant 0 : i32
      %dma_start3A_511 = tpu.memref_slice %arg4[%add3A, %add3A_485, %dma_start3A_509, %dma_start3A_510] : memref<32x100x64x128xf32, #tpu.memory_space<hbm>> -> memref<1x1x64x128xf32, #tpu.memory_space<hbm>>
      %dma_start3A_512 = tpu.memref_squeeze %dma_start3A_511 : memref<1x1x64x128xf32, #tpu.memory_space<hbm>> -> memref<64x128xf32, #tpu.memory_space<hbm>>
      %dma_start3A_513 = arith.constant 0 : i32
      %dma_start3A_514 = arith.constant 0 : i32
      %dma_start3A_515 = tpu.memref_slice %arg4[%add3A, %add3A_485, %dma_start3A_513, %dma_start3A_514] : memref<32x100x64x128xf32, #tpu.memory_space<hbm>> -> memref<1x1x64x128xf32, #tpu.memory_space<hbm>>
      %dma_start3A_516 = tpu.memref_squeeze %dma_start3A_515 : memref<1x1x64x128xf32, #tpu.memory_space<hbm>> -> memref<64x128xf32, #tpu.memory_space<hbm>>
      %dma_start3A_517 = arith.constant 0 : i32
      %dma_start3A_518 = arith.constant 0 : i32
      %dma_start3A_519 = tpu.memref_slice %arg6[%dma_start3A_504, %dma_start3A_517, %dma_start3A_518] : memref<10x64x128xf32, #tpu.memory_space<vmem>> -> memref<1x64x128xf32, #tpu.memory_space<vmem>>
      %dma_start3A_520 = tpu.memref_squeeze %dma_start3A_519 : memref<1x64x128xf32, #tpu.memory_space<vmem>> -> memref<64x128xf32, #tpu.memory_space<vmem>>
      tpu.enqueue_dma source(%dma_start3A_520 : memref<64x128xf32, #tpu.memory_space<vmem>>) target(%dma_start3A_516 : memref<64x128xf32, #tpu.memory_space<hbm>>) target_semaphore(%arg8 : memref<!tpu.dma_semaphore, #tpu.memory_space<semaphore_mem>>)
      %ge3A_521 = arith.constant 3 : i32
      %ge3A_522 = arith.cmpi sge, %add3A_485, %ge3A_521 : i32
      %convert_element_type3A_523 = arith.extui %ge3A_522 : i1 to i32
      %cond3A_524 = arith.constant 0 : i32
      %cond3A_525 = arith.cmpi ne, %convert_element_type3A_523, %cond3A_524 : i32
      scf.if %cond3A_525 {
        %dma_wait3A_631 = arith.constant 7 : i32
        %dma_wait3A_632 = arith.constant 0 : i32
        %dma_wait3A_633 = arith.constant 0 : i32
        %dma_wait3A_634 = tpu.memref_slice %arg6[%dma_wait3A_631, %dma_wait3A_632, %dma_wait3A_633] : memref<10x64x128xf32, #tpu.memory_space<vmem>> -> memref<1x64x128xf32, #tpu.memory_space<vmem>>
        %dma_wait3A_635 = tpu.memref_squeeze %dma_wait3A_634 : memref<1x64x128xf32, #tpu.memory_space<vmem>> -> memref<64x128xf32, #tpu.memory_space<vmem>>
        %dma_wait3A_636 = arith.constant 0 : i32
        %dma_wait3A_637 = arith.constant 0 : i32
        %dma_wait3A_638 = tpu.memref_slice %arg4[%add3A, %add3A_485, %dma_wait3A_636, %dma_wait3A_637] : memref<32x100x64x128xf32, #tpu.memory_space<hbm>> -> memref<1x1x64x128xf32, #tpu.memory_space<hbm>>
        %dma_wait3A_639 = tpu.memref_squeeze %dma_wait3A_638 : memref<1x1x64x128xf32, #tpu.memory_space<hbm>> -> memref<64x128xf32, #tpu.memory_space<hbm>>
        %dma_wait3A_640 = arith.constant 0 : i32
        %dma_wait3A_641 = arith.constant 0 : i32
        %dma_wait3A_642 = tpu.memref_slice %arg4[%add3A, %add3A_485, %dma_wait3A_640, %dma_wait3A_641] : memref<32x100x64x128xf32, #tpu.memory_space<hbm>> -> memref<1x1x64x128xf32, #tpu.memory_space<hbm>>
        %dma_wait3A_643 = tpu.memref_squeeze %dma_wait3A_642 : memref<1x1x64x128xf32, #tpu.memory_space<hbm>> -> memref<64x128xf32, #tpu.memory_space<hbm>>
        %dma_wait3A_644 = arith.constant 0 : i32
        %dma_wait3A_645 = arith.constant 0 : i32
        %dma_wait3A_646 = tpu.memref_slice %arg6[%dma_wait3A_631, %dma_wait3A_644, %dma_wait3A_645] : memref<10x64x128xf32, #tpu.memory_space<vmem>> -> memref<1x64x128xf32, #tpu.memory_space<vmem>>
        %dma_wait3A_647 = tpu.memref_squeeze %dma_wait3A_646 : memref<1x64x128xf32, #tpu.memory_space<vmem>> -> memref<64x128xf32, #tpu.memory_space<vmem>>
        tpu.wait_dma2 semaphore(%arg8 : memref<!tpu.dma_semaphore, #tpu.memory_space<semaphore_mem>>) src(%dma_wait3A_647 : memref<64x128xf32, #tpu.memory_space<vmem>>) dst(%dma_wait3A_643 : memref<64x128xf32, #tpu.memory_space<hbm>>)
      } else {
      }
      %add3A_526 = arith.constant 7 : i32
      %add3A_527 = arith.addi %add3A_485, %add3A_526 : i32
      %lt3A_528 = arith.constant 100 : i32
      %lt3A_529 = arith.cmpi slt, %add3A_527, %lt3A_528 : i32
      %convert_element_type3A_530 = arith.extui %lt3A_529 : i1 to i32
      %cond3A_531 = arith.constant 0 : i32
      %cond3A_532 = arith.cmpi ne, %convert_element_type3A_530, %cond3A_531 : i32
      scf.if %cond3A_532 {
        %add3A_631 = arith.constant 7 : i32
        %add3A_632 = arith.addi %add3A_485, %add3A_631 : i32
        %dma_start3A_633 = arith.constant 4 : i32
        %dma_start3A_634 = arith.constant 0 : i32
        %dma_start3A_635 = arith.constant 0 : i32
        %dma_start3A_636 = tpu.memref_slice %arg6[%dma_start3A_633, %dma_start3A_634, %dma_start3A_635] : memref<10x64x128xf32, #tpu.memory_space<vmem>> -> memref<1x64x128xf32, #tpu.memory_space<vmem>>
        %dma_start3A_637 = tpu.memref_squeeze %dma_start3A_636 : memref<1x64x128xf32, #tpu.memory_space<vmem>> -> memref<64x128xf32, #tpu.memory_space<vmem>>
        %dma_start3A_638 = arith.constant 0 : i32
        %dma_start3A_639 = tpu.memref_slice %arg5[%add3A_632, %dma_start3A_638] : memref<100x64xi32, #tpu.memory_space<vmem>> -> memref<1x64xi32, #tpu.memory_space<vmem>>
        %dma_start3A_640 = tpu.memref_squeeze %dma_start3A_639 : memref<1x64xi32, #tpu.memory_space<vmem>> -> memref<64xi32, #tpu.memory_space<vmem>>
        %dma_start3A_641 = arith.constant 0 : i32
        %dma_start3A_642 = arith.constant 0 : i32
        %dma_start3A_643 = tpu.memref_slice %arg3[%dma_start3A_641, %dma_start3A_642] : memref<100000x128xf32, #tpu.memory_space<hbm>> -> memref<100000x128xf32, #tpu.memory_space<hbm>>
        tpu.enqueue_indirect_dma source(%dma_start3A_643 : memref<100000x128xf32, #tpu.memory_space<hbm>>) target(%dma_start3A_637 : memref<64x128xf32, #tpu.memory_space<vmem>>) offsets(%dma_start3A_640 : memref<64xi32, #tpu.memory_space<vmem>>) semaphore(%arg7 : memref<!tpu.dma_semaphore, #tpu.memory_space<semaphore_mem>>)
      } else {
      }
      %add3A_533 = arith.constant 8 : i32
      %add3A_534 = arith.addi %mul3A_144, %add3A_533 : i32
      %dma_wait3A_535 = arith.constant 8 : i32
      %dma_wait3A_536 = arith.constant 8 : i32
      %dma_wait3A_537 = arith.constant 0 : i32
      %dma_wait3A_538 = arith.constant 0 : i32
      %dma_wait3A_539 = tpu.memref_slice %arg6[%dma_wait3A_536, %dma_wait3A_537, %dma_wait3A_538] : memref<10x64x128xf32, #tpu.memory_space<vmem>> -> memref<1x64x128xf32, #tpu.memory_space<vmem>>
      %dma_wait3A_540 = tpu.memref_squeeze %dma_wait3A_539 : memref<1x64x128xf32, #tpu.memory_space<vmem>> -> memref<64x128xf32, #tpu.memory_space<vmem>>
      %dma_wait3A_541 = arith.constant 0 : i32
      %dma_wait3A_542 = tpu.memref_slice %arg5[%dma_wait3A_535, %dma_wait3A_541] : memref<100x64xi32, #tpu.memory_space<vmem>> -> memref<1x64xi32, #tpu.memory_space<vmem>>
      %dma_wait3A_543 = tpu.memref_squeeze %dma_wait3A_542 : memref<1x64xi32, #tpu.memory_space<vmem>> -> memref<64xi32, #tpu.memory_space<vmem>>
      %dma_wait3A_544 = arith.constant 0 : i32
      %dma_wait3A_545 = arith.constant 0 : i32
      %dma_wait3A_546 = tpu.memref_slice %arg3[%dma_wait3A_544, %dma_wait3A_545] : memref<100000x128xf32, #tpu.memory_space<hbm>> -> memref<100000x128xf32, #tpu.memory_space<hbm>>
      tpu.wait_indirect_dma semaphore(%arg7 : memref<!tpu.dma_semaphore, #tpu.memory_space<semaphore_mem>>) src(%dma_wait3A_546 : memref<100000x128xf32, #tpu.memory_space<hbm>>) dst(%dma_wait3A_540 : memref<64x128xf32, #tpu.memory_space<vmem>>)
      %scan3A_547 = arith.constant 0 : i32
      %scan3A_548 = arith.constant 0 : i32
      %scan3A_549 = arith.constant 64 : i32
      %scan3A_550 = arith.addi %scan3A_548, %scan3A_549 : i32
      %scan3A_551 = arith.constant 1 : i32
      scf.for %scan3A_631 = %scan3A_548 to %scan3A_550 step %scan3A_551  : i32 {
        %get3A = arith.constant 8 : i32
        %get3A_632 = arith.index_cast %get3A : i32 to index
        %get3A_633 = arith.index_cast %scan3A_631 : i32 to index
        %get3A_634 = arith.constant 0 : index
        %get3A_635 = tpu.vector_load %arg6[%get3A_632, %get3A_633, %get3A_634] {strides = array<i32>} : memref<10x64x128xf32, #tpu.memory_space<vmem>>, vector<1x1x16xf32>,
        %get3A_636 = vector.shape_cast %get3A_635 : vector<1x1x16xf32> to vector<16xf32>
        %mul3A_637 = arith.constant 11.3137083 : f32
        %mul3A_638 = vector.broadcast %mul3A_637 : f32 to vector<16xf32>
        %mul3A_639 = arith.mulf %get3A_636, %mul3A_638 : vector<16xf32>
        %swap3A = arith.constant 8 : i32
        %swap3A_640 = arith.index_cast %swap3A : i32 to index
        %swap3A_641 = arith.index_cast %scan3A_631 : i32 to index
        %swap3A_642 = arith.constant 0 : index
        %swap3A_643 = tpu.vector_load %arg6[%swap3A_640, %swap3A_641, %swap3A_642] {strides = array<i32>} : memref<10x64x128xf32, #tpu.memory_space<vmem>>, vector<1x1x16xf32>,
        %swap3A_644 = vector.shape_cast %swap3A_643 : vector<1x1x16xf32> to vector<16xf32>
        %swap3A_645 = vector.shape_cast %mul3A_639 : vector<16xf32> to vector<1x1x16xf32>
        tpu.vector_store %arg6[%swap3A_640, %swap3A_641, %swap3A_642], %swap3A_645 {strides = array<i32>} : memref<10x64x128xf32, #tpu.memory_space<vmem>>, vector<1x1x16xf32>,
        %get3A_646 = arith.constant 8 : i32
        %get3A_647 = arith.index_cast %get3A_646 : i32 to index
        %get3A_648 = arith.index_cast %scan3A_631 : i32 to index
        %get3A_649 = arith.constant 16 : index
        %get3A_650 = tpu.vector_load %arg6[%get3A_647, %get3A_648, %get3A_649] {strides = array<i32>} : memref<10x64x128xf32, #tpu.memory_space<vmem>>, vector<1x1x16xf32>,
        %get3A_651 = vector.shape_cast %get3A_650 : vector<1x1x16xf32> to vector<16xf32>
        %mul3A_652 = arith.constant 11.3137083 : f32
        %mul3A_653 = vector.broadcast %mul3A_652 : f32 to vector<16xf32>
        %mul3A_654 = arith.mulf %get3A_651, %mul3A_653 : vector<16xf32>
        %swap3A_655 = arith.constant 8 : i32
        %swap3A_656 = arith.index_cast %swap3A_655 : i32 to index
        %swap3A_657 = arith.index_cast %scan3A_631 : i32 to index
        %swap3A_658 = arith.constant 16 : index
        %swap3A_659 = tpu.vector_load %arg6[%swap3A_656, %swap3A_657, %swap3A_658] {strides = array<i32>} : memref<10x64x128xf32, #tpu.memory_space<vmem>>, vector<1x1x16xf32>,
        %swap3A_660 = vector.shape_cast %swap3A_659 : vector<1x1x16xf32> to vector<16xf32>
        %swap3A_661 = vector.shape_cast %mul3A_654 : vector<16xf32> to vector<1x1x16xf32>
        tpu.vector_store %arg6[%swap3A_656, %swap3A_657, %swap3A_658], %swap3A_661 {strides = array<i32>} : memref<10x64x128xf32, #tpu.memory_space<vmem>>, vector<1x1x16xf32>,
        %get3A_662 = arith.constant 8 : i32
        %get3A_663 = arith.index_cast %get3A_662 : i32 to index
        %get3A_664 = arith.index_cast %scan3A_631 : i32 to index
        %get3A_665 = arith.constant 32 : index
        %get3A_666 = tpu.vector_load %arg6[%get3A_663, %get3A_664, %get3A_665] {strides = array<i32>} : memref<10x64x128xf32, #tpu.memory_space<vmem>>, vector<1x1x16xf32>,
        %get3A_667 = vector.shape_cast %get3A_666 : vector<1x1x16xf32> to vector<16xf32>
        %mul3A_668 = arith.constant 11.3137083 : f32
        %mul3A_669 = vector.broadcast %mul3A_668 : f32 to vector<16xf32>
        %mul3A_670 = arith.mulf %get3A_667, %mul3A_669 : vector<16xf32>
        %swap3A_671 = arith.constant 8 : i32
        %swap3A_672 = arith.index_cast %swap3A_671 : i32 to index
        %swap3A_673 = arith.index_cast %scan3A_631 : i32 to index
        %swap3A_674 = arith.constant 32 : index
        %swap3A_675 = tpu.vector_load %arg6[%swap3A_672, %swap3A_673, %swap3A_674] {strides = array<i32>} : memref<10x64x128xf32, #tpu.memory_space<vmem>>, vector<1x1x16xf32>,
        %swap3A_676 = vector.shape_cast %swap3A_675 : vector<1x1x16xf32> to vector<16xf32>
        %swap3A_677 = vector.shape_cast %mul3A_670 : vector<16xf32> to vector<1x1x16xf32>
        tpu.vector_store %arg6[%swap3A_672, %swap3A_673, %swap3A_674], %swap3A_677 {strides = array<i32>} : memref<10x64x128xf32, #tpu.memory_space<vmem>>, vector<1x1x16xf32>,
        %get3A_678 = arith.constant 8 : i32
        %get3A_679 = arith.index_cast %get3A_678 : i32 to index
        %get3A_680 = arith.index_cast %scan3A_631 : i32 to index
        %get3A_681 = arith.constant 48 : index
        %get3A_682 = tpu.vector_load %arg6[%get3A_679, %get3A_680, %get3A_681] {strides = array<i32>} : memref<10x64x128xf32, #tpu.memory_space<vmem>>, vector<1x1x16xf32>,
        %get3A_683 = vector.shape_cast %get3A_682 : vector<1x1x16xf32> to vector<16xf32>
        %mul3A_684 = arith.constant 11.3137083 : f32
        %mul3A_685 = vector.broadcast %mul3A_684 : f32 to vector<16xf32>
        %mul3A_686 = arith.mulf %get3A_683, %mul3A_685 : vector<16xf32>
        %swap3A_687 = arith.constant 8 : i32
        %swap3A_688 = arith.index_cast %swap3A_687 : i32 to index
        %swap3A_689 = arith.index_cast %scan3A_631 : i32 to index
        %swap3A_690 = arith.constant 48 : index
        %swap3A_691 = tpu.vector_load %arg6[%swap3A_688, %swap3A_689, %swap3A_690] {strides = array<i32>} : memref<10x64x128xf32, #tpu.memory_space<vmem>>, vector<1x1x16xf32>,
        %swap3A_692 = vector.shape_cast %swap3A_691 : vector<1x1x16xf32> to vector<16xf32>
        %swap3A_693 = vector.shape_cast %mul3A_686 : vector<16xf32> to vector<1x1x16xf32>
        tpu.vector_store %arg6[%swap3A_688, %swap3A_689, %swap3A_690], %swap3A_693 {strides = array<i32>} : memref<10x64x128xf32, #tpu.memory_space<vmem>>, vector<1x1x16xf32>,
        %get3A_694 = arith.constant 8 : i32
        %get3A_695 = arith.index_cast %get3A_694 : i32 to index
        %get3A_696 = arith.index_cast %scan3A_631 : i32 to index
        %get3A_697 = arith.constant 64 : index
        %get3A_698 = tpu.vector_load %arg6[%get3A_695, %get3A_696, %get3A_697] {strides = array<i32>} : memref<10x64x128xf32, #tpu.memory_space<vmem>>, vector<1x1x16xf32>,
        %get3A_699 = vector.shape_cast %get3A_698 : vector<1x1x16xf32> to vector<16xf32>
        %mul3A_700 = arith.constant 11.3137083 : f32
        %mul3A_701 = vector.broadcast %mul3A_700 : f32 to vector<16xf32>
        %mul3A_702 = arith.mulf %get3A_699, %mul3A_701 : vector<16xf32>
        %swap3A_703 = arith.constant 8 : i32
        %swap3A_704 = arith.index_cast %swap3A_703 : i32 to index
        %swap3A_705 = arith.index_cast %scan3A_631 : i32 to index
        %swap3A_706 = arith.constant 64 : index
        %swap3A_707 = tpu.vector_load %arg6[%swap3A_704, %swap3A_705, %swap3A_706] {strides = array<i32>} : memref<10x64x128xf32, #tpu.memory_space<vmem>>, vector<1x1x16xf32>,
        %swap3A_708 = vector.shape_cast %swap3A_707 : vector<1x1x16xf32> to vector<16xf32>
        %swap3A_709 = vector.shape_cast %mul3A_702 : vector<16xf32> to vector<1x1x16xf32>
        tpu.vector_store %arg6[%swap3A_704, %swap3A_705, %swap3A_706], %swap3A_709 {strides = array<i32>} : memref<10x64x128xf32, #tpu.memory_space<vmem>>, vector<1x1x16xf32>,
        %get3A_710 = arith.constant 8 : i32
        %get3A_711 = arith.index_cast %get3A_710 : i32 to index
        %get3A_712 = arith.index_cast %scan3A_631 : i32 to index
        %get3A_713 = arith.constant 80 : index
        %get3A_714 = tpu.vector_load %arg6[%get3A_711, %get3A_712, %get3A_713] {strides = array<i32>} : memref<10x64x128xf32, #tpu.memory_space<vmem>>, vector<1x1x16xf32>,
        %get3A_715 = vector.shape_cast %get3A_714 : vector<1x1x16xf32> to vector<16xf32>
        %mul3A_716 = arith.constant 11.3137083 : f32
        %mul3A_717 = vector.broadcast %mul3A_716 : f32 to vector<16xf32>
        %mul3A_718 = arith.mulf %get3A_715, %mul3A_717 : vector<16xf32>
        %swap3A_719 = arith.constant 8 : i32
        %swap3A_720 = arith.index_cast %swap3A_719 : i32 to index
        %swap3A_721 = arith.index_cast %scan3A_631 : i32 to index
        %swap3A_722 = arith.constant 80 : index
        %swap3A_723 = tpu.vector_load %arg6[%swap3A_720, %swap3A_721, %swap3A_722] {strides = array<i32>} : memref<10x64x128xf32, #tpu.memory_space<vmem>>, vector<1x1x16xf32>,
        %swap3A_724 = vector.shape_cast %swap3A_723 : vector<1x1x16xf32> to vector<16xf32>
        %swap3A_725 = vector.shape_cast %mul3A_718 : vector<16xf32> to vector<1x1x16xf32>
        tpu.vector_store %arg6[%swap3A_720, %swap3A_721, %swap3A_722], %swap3A_725 {strides = array<i32>} : memref<10x64x128xf32, #tpu.memory_space<vmem>>, vector<1x1x16xf32>,
        %get3A_726 = arith.constant 8 : i32
        %get3A_727 = arith.index_cast %get3A_726 : i32 to index
        %get3A_728 = arith.index_cast %scan3A_631 : i32 to index
        %get3A_729 = arith.constant 96 : index
        %get3A_730 = tpu.vector_load %arg6[%get3A_727, %get3A_728, %get3A_729] {strides = array<i32>} : memref<10x64x128xf32, #tpu.memory_space<vmem>>, vector<1x1x16xf32>,
        %get3A_731 = vector.shape_cast %get3A_730 : vector<1x1x16xf32> to vector<16xf32>
        %mul3A_732 = arith.constant 11.3137083 : f32
        %mul3A_733 = vector.broadcast %mul3A_732 : f32 to vector<16xf32>
        %mul3A_734 = arith.mulf %get3A_731, %mul3A_733 : vector<16xf32>
        %swap3A_735 = arith.constant 8 : i32
        %swap3A_736 = arith.index_cast %swap3A_735 : i32 to index
        %swap3A_737 = arith.index_cast %scan3A_631 : i32 to index
        %swap3A_738 = arith.constant 96 : index
        %swap3A_739 = tpu.vector_load %arg6[%swap3A_736, %swap3A_737, %swap3A_738] {strides = array<i32>} : memref<10x64x128xf32, #tpu.memory_space<vmem>>, vector<1x1x16xf32>,
        %swap3A_740 = vector.shape_cast %swap3A_739 : vector<1x1x16xf32> to vector<16xf32>
        %swap3A_741 = vector.shape_cast %mul3A_734 : vector<16xf32> to vector<1x1x16xf32>
        tpu.vector_store %arg6[%swap3A_736, %swap3A_737, %swap3A_738], %swap3A_741 {strides = array<i32>} : memref<10x64x128xf32, #tpu.memory_space<vmem>>, vector<1x1x16xf32>,
        %get3A_742 = arith.constant 8 : i32
        %get3A_743 = arith.index_cast %get3A_742 : i32 to index
        %get3A_744 = arith.index_cast %scan3A_631 : i32 to index
        %get3A_745 = arith.constant 112 : index
        %get3A_746 = tpu.vector_load %arg6[%get3A_743, %get3A_744, %get3A_745] {strides = array<i32>} : memref<10x64x128xf32, #tpu.memory_space<vmem>>, vector<1x1x16xf32>,
        %get3A_747 = vector.shape_cast %get3A_746 : vector<1x1x16xf32> to vector<16xf32>
        %mul3A_748 = arith.constant 11.3137083 : f32
        %mul3A_749 = vector.broadcast %mul3A_748 : f32 to vector<16xf32>
        %mul3A_750 = arith.mulf %get3A_747, %mul3A_749 : vector<16xf32>
        %swap3A_751 = arith.constant 8 : i32
        %swap3A_752 = arith.index_cast %swap3A_751 : i32 to index
        %swap3A_753 = arith.index_cast %scan3A_631 : i32 to index
        %swap3A_754 = arith.constant 112 : index
        %swap3A_755 = tpu.vector_load %arg6[%swap3A_752, %swap3A_753, %swap3A_754] {strides = array<i32>} : memref<10x64x128xf32, #tpu.memory_space<vmem>>, vector<1x1x16xf32>,
        %swap3A_756 = vector.shape_cast %swap3A_755 : vector<1x1x16xf32> to vector<16xf32>
        %swap3A_757 = vector.shape_cast %mul3A_750 : vector<16xf32> to vector<1x1x16xf32>
        tpu.vector_store %arg6[%swap3A_752, %swap3A_753, %swap3A_754], %swap3A_757 {strides = array<i32>} : memref<10x64x128xf32, #tpu.memory_space<vmem>>, vector<1x1x16xf32>,
      }
      %scan3A_552 = arith.constant 64 : i32
      %dma_start3A_553 = arith.constant 8 : i32
      %dma_start3A_554 = arith.constant 0 : i32
      %dma_start3A_555 = arith.constant 0 : i32
      %dma_start3A_556 = tpu.memref_slice %arg6[%dma_start3A_553, %dma_start3A_554, %dma_start3A_555] : memref<10x64x128xf32, #tpu.memory_space<vmem>> -> memref<1x64x128xf32, #tpu.memory_space<vmem>>
      %dma_start3A_557 = tpu.memref_squeeze %dma_start3A_556 : memref<1x64x128xf32, #tpu.memory_space<vmem>> -> memref<64x128xf32, #tpu.memory_space<vmem>>
      %dma_start3A_558 = arith.constant 0 : i32
      %dma_start3A_559 = arith.constant 0 : i32
      %dma_start3A_560 = tpu.memref_slice %arg4[%add3A, %add3A_534, %dma_start3A_558, %dma_start3A_559] : memref<32x100x64x128xf32, #tpu.memory_space<hbm>> -> memref<1x1x64x128xf32, #tpu.memory_space<hbm>>
      %dma_start3A_561 = tpu.memref_squeeze %dma_start3A_560 : memref<1x1x64x128xf32, #tpu.memory_space<hbm>> -> memref<64x128xf32, #tpu.memory_space<hbm>>
      %dma_start3A_562 = arith.constant 0 : i32
      %dma_start3A_563 = arith.constant 0 : i32
      %dma_start3A_564 = tpu.memref_slice %arg4[%add3A, %add3A_534, %dma_start3A_562, %dma_start3A_563] : memref<32x100x64x128xf32, #tpu.memory_space<hbm>> -> memref<1x1x64x128xf32, #tpu.memory_space<hbm>>
      %dma_start3A_565 = tpu.memref_squeeze %dma_start3A_564 : memref<1x1x64x128xf32, #tpu.memory_space<hbm>> -> memref<64x128xf32, #tpu.memory_space<hbm>>
      %dma_start3A_566 = arith.constant 0 : i32
      %dma_start3A_567 = arith.constant 0 : i32
      %dma_start3A_568 = tpu.memref_slice %arg6[%dma_start3A_553, %dma_start3A_566, %dma_start3A_567] : memref<10x64x128xf32, #tpu.memory_space<vmem>> -> memref<1x64x128xf32, #tpu.memory_space<vmem>>
      %dma_start3A_569 = tpu.memref_squeeze %dma_start3A_568 : memref<1x64x128xf32, #tpu.memory_space<vmem>> -> memref<64x128xf32, #tpu.memory_space<vmem>>
      tpu.enqueue_dma source(%dma_start3A_569 : memref<64x128xf32, #tpu.memory_space<vmem>>) target(%dma_start3A_565 : memref<64x128xf32, #tpu.memory_space<hbm>>) target_semaphore(%arg8 : memref<!tpu.dma_semaphore, #tpu.memory_space<semaphore_mem>>)
      %ge3A_570 = arith.constant 3 : i32
      %ge3A_571 = arith.cmpi sge, %add3A_534, %ge3A_570 : i32
      %convert_element_type3A_572 = arith.extui %ge3A_571 : i1 to i32
      %cond3A_573 = arith.constant 0 : i32
      %cond3A_574 = arith.cmpi ne, %convert_element_type3A_572, %cond3A_573 : i32
      scf.if %cond3A_574 {
        %dma_wait3A_631 = arith.constant 8 : i32
        %dma_wait3A_632 = arith.constant 0 : i32
        %dma_wait3A_633 = arith.constant 0 : i32
        %dma_wait3A_634 = tpu.memref_slice %arg6[%dma_wait3A_631, %dma_wait3A_632, %dma_wait3A_633] : memref<10x64x128xf32, #tpu.memory_space<vmem>> -> memref<1x64x128xf32, #tpu.memory_space<vmem>>
        %dma_wait3A_635 = tpu.memref_squeeze %dma_wait3A_634 : memref<1x64x128xf32, #tpu.memory_space<vmem>> -> memref<64x128xf32, #tpu.memory_space<vmem>>
        %dma_wait3A_636 = arith.constant 0 : i32
        %dma_wait3A_637 = arith.constant 0 : i32
        %dma_wait3A_638 = tpu.memref_slice %arg4[%add3A, %add3A_534, %dma_wait3A_636, %dma_wait3A_637] : memref<32x100x64x128xf32, #tpu.memory_space<hbm>> -> memref<1x1x64x128xf32, #tpu.memory_space<hbm>>
        %dma_wait3A_639 = tpu.memref_squeeze %dma_wait3A_638 : memref<1x1x64x128xf32, #tpu.memory_space<hbm>> -> memref<64x128xf32, #tpu.memory_space<hbm>>
        %dma_wait3A_640 = arith.constant 0 : i32
        %dma_wait3A_641 = arith.constant 0 : i32
        %dma_wait3A_642 = tpu.memref_slice %arg4[%add3A, %add3A_534, %dma_wait3A_640, %dma_wait3A_641] : memref<32x100x64x128xf32, #tpu.memory_space<hbm>> -> memref<1x1x64x128xf32, #tpu.memory_space<hbm>>
        %dma_wait3A_643 = tpu.memref_squeeze %dma_wait3A_642 : memref<1x1x64x128xf32, #tpu.memory_space<hbm>> -> memref<64x128xf32, #tpu.memory_space<hbm>>
        %dma_wait3A_644 = arith.constant 0 : i32
        %dma_wait3A_645 = arith.constant 0 : i32
        %dma_wait3A_646 = tpu.memref_slice %arg6[%dma_wait3A_631, %dma_wait3A_644, %dma_wait3A_645] : memref<10x64x128xf32, #tpu.memory_space<vmem>> -> memref<1x64x128xf32, #tpu.memory_space<vmem>>
        %dma_wait3A_647 = tpu.memref_squeeze %dma_wait3A_646 : memref<1x64x128xf32, #tpu.memory_space<vmem>> -> memref<64x128xf32, #tpu.memory_space<vmem>>
        tpu.wait_dma2 semaphore(%arg8 : memref<!tpu.dma_semaphore, #tpu.memory_space<semaphore_mem>>) src(%dma_wait3A_647 : memref<64x128xf32, #tpu.memory_space<vmem>>) dst(%dma_wait3A_643 : memref<64x128xf32, #tpu.memory_space<hbm>>)
      } else {
      }
      %add3A_575 = arith.constant 7 : i32
      %add3A_576 = arith.addi %add3A_534, %add3A_575 : i32
      %lt3A_577 = arith.constant 100 : i32
      %lt3A_578 = arith.cmpi slt, %add3A_576, %lt3A_577 : i32
      %convert_element_type3A_579 = arith.extui %lt3A_578 : i1 to i32
      %cond3A_580 = arith.constant 0 : i32
      %cond3A_581 = arith.cmpi ne, %convert_element_type3A_579, %cond3A_580 : i32
      scf.if %cond3A_581 {
        %add3A_631 = arith.constant 7 : i32
        %add3A_632 = arith.addi %add3A_534, %add3A_631 : i32
        %dma_start3A_633 = arith.constant 5 : i32
        %dma_start3A_634 = arith.constant 0 : i32
        %dma_start3A_635 = arith.constant 0 : i32
        %dma_start3A_636 = tpu.memref_slice %arg6[%dma_start3A_633, %dma_start3A_634, %dma_start3A_635] : memref<10x64x128xf32, #tpu.memory_space<vmem>> -> memref<1x64x128xf32, #tpu.memory_space<vmem>>
        %dma_start3A_637 = tpu.memref_squeeze %dma_start3A_636 : memref<1x64x128xf32, #tpu.memory_space<vmem>> -> memref<64x128xf32, #tpu.memory_space<vmem>>
        %dma_start3A_638 = arith.constant 0 : i32
        %dma_start3A_639 = tpu.memref_slice %arg5[%add3A_632, %dma_start3A_638] : memref<100x64xi32, #tpu.memory_space<vmem>> -> memref<1x64xi32, #tpu.memory_space<vmem>>
        %dma_start3A_640 = tpu.memref_squeeze %dma_start3A_639 : memref<1x64xi32, #tpu.memory_space<vmem>> -> memref<64xi32, #tpu.memory_space<vmem>>
        %dma_start3A_641 = arith.constant 0 : i32
        %dma_start3A_642 = arith.constant 0 : i32
        %dma_start3A_643 = tpu.memref_slice %arg3[%dma_start3A_641, %dma_start3A_642] : memref<100000x128xf32, #tpu.memory_space<hbm>> -> memref<100000x128xf32, #tpu.memory_space<hbm>>
        tpu.enqueue_indirect_dma source(%dma_start3A_643 : memref<100000x128xf32, #tpu.memory_space<hbm>>) target(%dma_start3A_637 : memref<64x128xf32, #tpu.memory_space<vmem>>) offsets(%dma_start3A_640 : memref<64xi32, #tpu.memory_space<vmem>>) semaphore(%arg7 : memref<!tpu.dma_semaphore, #tpu.memory_space<semaphore_mem>>)
      } else {
      }
      %add3A_582 = arith.constant 9 : i32
      %add3A_583 = arith.addi %mul3A_144, %add3A_582 : i32
      %dma_wait3A_584 = arith.constant 9 : i32
      %dma_wait3A_585 = arith.constant 9 : i32
      %dma_wait3A_586 = arith.constant 0 : i32
      %dma_wait3A_587 = arith.constant 0 : i32
      %dma_wait3A_588 = tpu.memref_slice %arg6[%dma_wait3A_585, %dma_wait3A_586, %dma_wait3A_587] : memref<10x64x128xf32, #tpu.memory_space<vmem>> -> memref<1x64x128xf32, #tpu.memory_space<vmem>>
      %dma_wait3A_589 = tpu.memref_squeeze %dma_wait3A_588 : memref<1x64x128xf32, #tpu.memory_space<vmem>> -> memref<64x128xf32, #tpu.memory_space<vmem>>
      %dma_wait3A_590 = arith.constant 0 : i32
      %dma_wait3A_591 = tpu.memref_slice %arg5[%dma_wait3A_584, %dma_wait3A_590] : memref<100x64xi32, #tpu.memory_space<vmem>> -> memref<1x64xi32, #tpu.memory_space<vmem>>
      %dma_wait3A_592 = tpu.memref_squeeze %dma_wait3A_591 : memref<1x64xi32, #tpu.memory_space<vmem>> -> memref<64xi32, #tpu.memory_space<vmem>>
      %dma_wait3A_593 = arith.constant 0 : i32
      %dma_wait3A_594 = arith.constant 0 : i32
      %dma_wait3A_595 = tpu.memref_slice %arg3[%dma_wait3A_593, %dma_wait3A_594] : memref<100000x128xf32, #tpu.memory_space<hbm>> -> memref<100000x128xf32, #tpu.memory_space<hbm>>
      tpu.wait_indirect_dma semaphore(%arg7 : memref<!tpu.dma_semaphore, #tpu.memory_space<semaphore_mem>>) src(%dma_wait3A_595 : memref<100000x128xf32, #tpu.memory_space<hbm>>) dst(%dma_wait3A_589 : memref<64x128xf32, #tpu.memory_space<vmem>>)
      %scan3A_596 = arith.constant 0 : i32
      %scan3A_597 = arith.constant 0 : i32
      %scan3A_598 = arith.constant 64 : i32
      %scan3A_599 = arith.addi %scan3A_597, %scan3A_598 : i32
      %scan3A_600 = arith.constant 1 : i32
      scf.for %scan3A_631 = %scan3A_597 to %scan3A_599 step %scan3A_600  : i32 {
        %get3A = arith.constant 9 : i32
        %get3A_632 = arith.index_cast %get3A : i32 to index
        %get3A_633 = arith.index_cast %scan3A_631 : i32 to index
        %get3A_634 = arith.constant 0 : index
        %get3A_635 = tpu.vector_load %arg6[%get3A_632, %get3A_633, %get3A_634] {strides = array<i32>} : memref<10x64x128xf32, #tpu.memory_space<vmem>>, vector<1x1x16xf32>,
        %get3A_636 = vector.shape_cast %get3A_635 : vector<1x1x16xf32> to vector<16xf32>
        %mul3A_637 = arith.constant 11.3137083 : f32
        %mul3A_638 = vector.broadcast %mul3A_637 : f32 to vector<16xf32>
        %mul3A_639 = arith.mulf %get3A_636, %mul3A_638 : vector<16xf32>
        %swap3A = arith.constant 9 : i32
        %swap3A_640 = arith.index_cast %swap3A : i32 to index
        %swap3A_641 = arith.index_cast %scan3A_631 : i32 to index
        %swap3A_642 = arith.constant 0 : index
        %swap3A_643 = tpu.vector_load %arg6[%swap3A_640, %swap3A_641, %swap3A_642] {strides = array<i32>} : memref<10x64x128xf32, #tpu.memory_space<vmem>>, vector<1x1x16xf32>,
        %swap3A_644 = vector.shape_cast %swap3A_643 : vector<1x1x16xf32> to vector<16xf32>
        %swap3A_645 = vector.shape_cast %mul3A_639 : vector<16xf32> to vector<1x1x16xf32>
        tpu.vector_store %arg6[%swap3A_640, %swap3A_641, %swap3A_642], %swap3A_645 {strides = array<i32>} : memref<10x64x128xf32, #tpu.memory_space<vmem>>, vector<1x1x16xf32>,
        %get3A_646 = arith.constant 9 : i32
        %get3A_647 = arith.index_cast %get3A_646 : i32 to index
        %get3A_648 = arith.index_cast %scan3A_631 : i32 to index
        %get3A_649 = arith.constant 16 : index
        %get3A_650 = tpu.vector_load %arg6[%get3A_647, %get3A_648, %get3A_649] {strides = array<i32>} : memref<10x64x128xf32, #tpu.memory_space<vmem>>, vector<1x1x16xf32>,
        %get3A_651 = vector.shape_cast %get3A_650 : vector<1x1x16xf32> to vector<16xf32>
        %mul3A_652 = arith.constant 11.3137083 : f32
        %mul3A_653 = vector.broadcast %mul3A_652 : f32 to vector<16xf32>
        %mul3A_654 = arith.mulf %get3A_651, %mul3A_653 : vector<16xf32>
        %swap3A_655 = arith.constant 9 : i32
        %swap3A_656 = arith.index_cast %swap3A_655 : i32 to index
        %swap3A_657 = arith.index_cast %scan3A_631 : i32 to index
        %swap3A_658 = arith.constant 16 : index
        %swap3A_659 = tpu.vector_load %arg6[%swap3A_656, %swap3A_657, %swap3A_658] {strides = array<i32>} : memref<10x64x128xf32, #tpu.memory_space<vmem>>, vector<1x1x16xf32>,
        %swap3A_660 = vector.shape_cast %swap3A_659 : vector<1x1x16xf32> to vector<16xf32>
        %swap3A_661 = vector.shape_cast %mul3A_654 : vector<16xf32> to vector<1x1x16xf32>
        tpu.vector_store %arg6[%swap3A_656, %swap3A_657, %swap3A_658], %swap3A_661 {strides = array<i32>} : memref<10x64x128xf32, #tpu.memory_space<vmem>>, vector<1x1x16xf32>,
        %get3A_662 = arith.constant 9 : i32
        %get3A_663 = arith.index_cast %get3A_662 : i32 to index
        %get3A_664 = arith.index_cast %scan3A_631 : i32 to index
        %get3A_665 = arith.constant 32 : index
        %get3A_666 = tpu.vector_load %arg6[%get3A_663, %get3A_664, %get3A_665] {strides = array<i32>} : memref<10x64x128xf32, #tpu.memory_space<vmem>>, vector<1x1x16xf32>,
        %get3A_667 = vector.shape_cast %get3A_666 : vector<1x1x16xf32> to vector<16xf32>
        %mul3A_668 = arith.constant 11.3137083 : f32
        %mul3A_669 = vector.broadcast %mul3A_668 : f32 to vector<16xf32>
        %mul3A_670 = arith.mulf %get3A_667, %mul3A_669 : vector<16xf32>
        %swap3A_671 = arith.constant 9 : i32
        %swap3A_672 = arith.index_cast %swap3A_671 : i32 to index
        %swap3A_673 = arith.index_cast %scan3A_631 : i32 to index
        %swap3A_674 = arith.constant 32 : index
        %swap3A_675 = tpu.vector_load %arg6[%swap3A_672, %swap3A_673, %swap3A_674] {strides = array<i32>} : memref<10x64x128xf32, #tpu.memory_space<vmem>>, vector<1x1x16xf32>,
        %swap3A_676 = vector.shape_cast %swap3A_675 : vector<1x1x16xf32> to vector<16xf32>
        %swap3A_677 = vector.shape_cast %mul3A_670 : vector<16xf32> to vector<1x1x16xf32>
        tpu.vector_store %arg6[%swap3A_672, %swap3A_673, %swap3A_674], %swap3A_677 {strides = array<i32>} : memref<10x64x128xf32, #tpu.memory_space<vmem>>, vector<1x1x16xf32>,
        %get3A_678 = arith.constant 9 : i32
        %get3A_679 = arith.index_cast %get3A_678 : i32 to index
        %get3A_680 = arith.index_cast %scan3A_631 : i32 to index
        %get3A_681 = arith.constant 48 : index
        %get3A_682 = tpu.vector_load %arg6[%get3A_679, %get3A_680, %get3A_681] {strides = array<i32>} : memref<10x64x128xf32, #tpu.memory_space<vmem>>, vector<1x1x16xf32>,
        %get3A_683 = vector.shape_cast %get3A_682 : vector<1x1x16xf32> to vector<16xf32>
        %mul3A_684 = arith.constant 11.3137083 : f32
        %mul3A_685 = vector.broadcast %mul3A_684 : f32 to vector<16xf32>
        %mul3A_686 = arith.mulf %get3A_683, %mul3A_685 : vector<16xf32>
        %swap3A_687 = arith.constant 9 : i32
        %swap3A_688 = arith.index_cast %swap3A_687 : i32 to index
        %swap3A_689 = arith.index_cast %scan3A_631 : i32 to index
        %swap3A_690 = arith.constant 48 : index
        %swap3A_691 = tpu.vector_load %arg6[%swap3A_688, %swap3A_689, %swap3A_690] {strides = array<i32>} : memref<10x64x128xf32, #tpu.memory_space<vmem>>, vector<1x1x16xf32>,
        %swap3A_692 = vector.shape_cast %swap3A_691 : vector<1x1x16xf32> to vector<16xf32>
        %swap3A_693 = vector.shape_cast %mul3A_686 : vector<16xf32> to vector<1x1x16xf32>
        tpu.vector_store %arg6[%swap3A_688, %swap3A_689, %swap3A_690], %swap3A_693 {strides = array<i32>} : memref<10x64x128xf32, #tpu.memory_space<vmem>>, vector<1x1x16xf32>,
        %get3A_694 = arith.constant 9 : i32
        %get3A_695 = arith.index_cast %get3A_694 : i32 to index
        %get3A_696 = arith.index_cast %scan3A_631 : i32 to index
        %get3A_697 = arith.constant 64 : index
        %get3A_698 = tpu.vector_load %arg6[%get3A_695, %get3A_696, %get3A_697] {strides = array<i32>} : memref<10x64x128xf32, #tpu.memory_space<vmem>>, vector<1x1x16xf32>,
        %get3A_699 = vector.shape_cast %get3A_698 : vector<1x1x16xf32> to vector<16xf32>
        %mul3A_700 = arith.constant 11.3137083 : f32
        %mul3A_701 = vector.broadcast %mul3A_700 : f32 to vector<16xf32>
        %mul3A_702 = arith.mulf %get3A_699, %mul3A_701 : vector<16xf32>
        %swap3A_703 = arith.constant 9 : i32
        %swap3A_704 = arith.index_cast %swap3A_703 : i32 to index
        %swap3A_705 = arith.index_cast %scan3A_631 : i32 to index
        %swap3A_706 = arith.constant 64 : index
        %swap3A_707 = tpu.vector_load %arg6[%swap3A_704, %swap3A_705, %swap3A_706] {strides = array<i32>} : memref<10x64x128xf32, #tpu.memory_space<vmem>>, vector<1x1x16xf32>,
        %swap3A_708 = vector.shape_cast %swap3A_707 : vector<1x1x16xf32> to vector<16xf32>
        %swap3A_709 = vector.shape_cast %mul3A_702 : vector<16xf32> to vector<1x1x16xf32>
        tpu.vector_store %arg6[%swap3A_704, %swap3A_705, %swap3A_706], %swap3A_709 {strides = array<i32>} : memref<10x64x128xf32, #tpu.memory_space<vmem>>, vector<1x1x16xf32>,
        %get3A_710 = arith.constant 9 : i32
        %get3A_711 = arith.index_cast %get3A_710 : i32 to index
        %get3A_712 = arith.index_cast %scan3A_631 : i32 to index
        %get3A_713 = arith.constant 80 : index
        %get3A_714 = tpu.vector_load %arg6[%get3A_711, %get3A_712, %get3A_713] {strides = array<i32>} : memref<10x64x128xf32, #tpu.memory_space<vmem>>, vector<1x1x16xf32>,
        %get3A_715 = vector.shape_cast %get3A_714 : vector<1x1x16xf32> to vector<16xf32>
        %mul3A_716 = arith.constant 11.3137083 : f32
        %mul3A_717 = vector.broadcast %mul3A_716 : f32 to vector<16xf32>
        %mul3A_718 = arith.mulf %get3A_715, %mul3A_717 : vector<16xf32>
        %swap3A_719 = arith.constant 9 : i32
        %swap3A_720 = arith.index_cast %swap3A_719 : i32 to index
        %swap3A_721 = arith.index_cast %scan3A_631 : i32 to index
        %swap3A_722 = arith.constant 80 : index
        %swap3A_723 = tpu.vector_load %arg6[%swap3A_720, %swap3A_721, %swap3A_722] {strides = array<i32>} : memref<10x64x128xf32, #tpu.memory_space<vmem>>, vector<1x1x16xf32>,
        %swap3A_724 = vector.shape_cast %swap3A_723 : vector<1x1x16xf32> to vector<16xf32>
        %swap3A_725 = vector.shape_cast %mul3A_718 : vector<16xf32> to vector<1x1x16xf32>
        tpu.vector_store %arg6[%swap3A_720, %swap3A_721, %swap3A_722], %swap3A_725 {strides = array<i32>} : memref<10x64x128xf32, #tpu.memory_space<vmem>>, vector<1x1x16xf32>,
        %get3A_726 = arith.constant 9 : i32
        %get3A_727 = arith.index_cast %get3A_726 : i32 to index
        %get3A_728 = arith.index_cast %scan3A_631 : i32 to index
        %get3A_729 = arith.constant 96 : index
        %get3A_730 = tpu.vector_load %arg6[%get3A_727, %get3A_728, %get3A_729] {strides = array<i32>} : memref<10x64x128xf32, #tpu.memory_space<vmem>>, vector<1x1x16xf32>,
        %get3A_731 = vector.shape_cast %get3A_730 : vector<1x1x16xf32> to vector<16xf32>
        %mul3A_732 = arith.constant 11.3137083 : f32
        %mul3A_733 = vector.broadcast %mul3A_732 : f32 to vector<16xf32>
        %mul3A_734 = arith.mulf %get3A_731, %mul3A_733 : vector<16xf32>
        %swap3A_735 = arith.constant 9 : i32
        %swap3A_736 = arith.index_cast %swap3A_735 : i32 to index
        %swap3A_737 = arith.index_cast %scan3A_631 : i32 to index
        %swap3A_738 = arith.constant 96 : index
        %swap3A_739 = tpu.vector_load %arg6[%swap3A_736, %swap3A_737, %swap3A_738] {strides = array<i32>} : memref<10x64x128xf32, #tpu.memory_space<vmem>>, vector<1x1x16xf32>,
        %swap3A_740 = vector.shape_cast %swap3A_739 : vector<1x1x16xf32> to vector<16xf32>
        %swap3A_741 = vector.shape_cast %mul3A_734 : vector<16xf32> to vector<1x1x16xf32>
        tpu.vector_store %arg6[%swap3A_736, %swap3A_737, %swap3A_738], %swap3A_741 {strides = array<i32>} : memref<10x64x128xf32, #tpu.memory_space<vmem>>, vector<1x1x16xf32>,
        %get3A_742 = arith.constant 9 : i32
        %get3A_743 = arith.index_cast %get3A_742 : i32 to index
        %get3A_744 = arith.index_cast %scan3A_631 : i32 to index
        %get3A_745 = arith.constant 112 : index
        %get3A_746 = tpu.vector_load %arg6[%get3A_743, %get3A_744, %get3A_745] {strides = array<i32>} : memref<10x64x128xf32, #tpu.memory_space<vmem>>, vector<1x1x16xf32>,
        %get3A_747 = vector.shape_cast %get3A_746 : vector<1x1x16xf32> to vector<16xf32>
        %mul3A_748 = arith.constant 11.3137083 : f32
        %mul3A_749 = vector.broadcast %mul3A_748 : f32 to vector<16xf32>
        %mul3A_750 = arith.mulf %get3A_747, %mul3A_749 : vector<16xf32>
        %swap3A_751 = arith.constant 9 : i32
        %swap3A_752 = arith.index_cast %swap3A_751 : i32 to index
        %swap3A_753 = arith.index_cast %scan3A_631 : i32 to index
        %swap3A_754 = arith.constant 112 : index
        %swap3A_755 = tpu.vector_load %arg6[%swap3A_752, %swap3A_753, %swap3A_754] {strides = array<i32>} : memref<10x64x128xf32, #tpu.memory_space<vmem>>, vector<1x1x16xf32>,
        %swap3A_756 = vector.shape_cast %swap3A_755 : vector<1x1x16xf32> to vector<16xf32>
        %swap3A_757 = vector.shape_cast %mul3A_750 : vector<16xf32> to vector<1x1x16xf32>
        tpu.vector_store %arg6[%swap3A_752, %swap3A_753, %swap3A_754], %swap3A_757 {strides = array<i32>} : memref<10x64x128xf32, #tpu.memory_space<vmem>>, vector<1x1x16xf32>,
      }
      %scan3A_601 = arith.constant 64 : i32
      %dma_start3A_602 = arith.constant 9 : i32
      %dma_start3A_603 = arith.constant 0 : i32
      %dma_start3A_604 = arith.constant 0 : i32
      %dma_start3A_605 = tpu.memref_slice %arg6[%dma_start3A_602, %dma_start3A_603, %dma_start3A_604] : memref<10x64x128xf32, #tpu.memory_space<vmem>> -> memref<1x64x128xf32, #tpu.memory_space<vmem>>
      %dma_start3A_606 = tpu.memref_squeeze %dma_start3A_605 : memref<1x64x128xf32, #tpu.memory_space<vmem>> -> memref<64x128xf32, #tpu.memory_space<vmem>>
      %dma_start3A_607 = arith.constant 0 : i32
      %dma_start3A_608 = arith.constant 0 : i32
      %dma_start3A_609 = tpu.memref_slice %arg4[%add3A, %add3A_583, %dma_start3A_607, %dma_start3A_608] : memref<32x100x64x128xf32, #tpu.memory_space<hbm>> -> memref<1x1x64x128xf32, #tpu.memory_space<hbm>>
      %dma_start3A_610 = tpu.memref_squeeze %dma_start3A_609 : memref<1x1x64x128xf32, #tpu.memory_space<hbm>> -> memref<64x128xf32, #tpu.memory_space<hbm>>
      %dma_start3A_611 = arith.constant 0 : i32
      %dma_start3A_612 = arith.constant 0 : i32
      %dma_start3A_613 = tpu.memref_slice %arg4[%add3A, %add3A_583, %dma_start3A_611, %dma_start3A_612] : memref<32x100x64x128xf32, #tpu.memory_space<hbm>> -> memref<1x1x64x128xf32, #tpu.memory_space<hbm>>
      %dma_start3A_614 = tpu.memref_squeeze %dma_start3A_613 : memref<1x1x64x128xf32, #tpu.memory_space<hbm>> -> memref<64x128xf32, #tpu.memory_space<hbm>>
      %dma_start3A_615 = arith.constant 0 : i32
      %dma_start3A_616 = arith.constant 0 : i32
      %dma_start3A_617 = tpu.memref_slice %arg6[%dma_start3A_602, %dma_start3A_615, %dma_start3A_616] : memref<10x64x128xf32, #tpu.memory_space<vmem>> -> memref<1x64x128xf32, #tpu.memory_space<vmem>>
      %dma_start3A_618 = tpu.memref_squeeze %dma_start3A_617 : memref<1x64x128xf32, #tpu.memory_space<vmem>> -> memref<64x128xf32, #tpu.memory_space<vmem>>
      tpu.enqueue_dma source(%dma_start3A_618 : memref<64x128xf32, #tpu.memory_space<vmem>>) target(%dma_start3A_614 : memref<64x128xf32, #tpu.memory_space<hbm>>) target_semaphore(%arg8 : memref<!tpu.dma_semaphore, #tpu.memory_space<semaphore_mem>>)
      %ge3A_619 = arith.constant 3 : i32
      %ge3A_620 = arith.cmpi sge, %add3A_583, %ge3A_619 : i32
      %convert_element_type3A_621 = arith.extui %ge3A_620 : i1 to i32
      %cond3A_622 = arith.constant 0 : i32
      %cond3A_623 = arith.cmpi ne, %convert_element_type3A_621, %cond3A_622 : i32
      scf.if %cond3A_623 {
        %dma_wait3A_631 = arith.constant 9 : i32
        %dma_wait3A_632 = arith.constant 0 : i32
        %dma_wait3A_633 = arith.constant 0 : i32
        %dma_wait3A_634 = tpu.memref_slice %arg6[%dma_wait3A_631, %dma_wait3A_632, %dma_wait3A_633] : memref<10x64x128xf32, #tpu.memory_space<vmem>> -> memref<1x64x128xf32, #tpu.memory_space<vmem>>
        %dma_wait3A_635 = tpu.memref_squeeze %dma_wait3A_634 : memref<1x64x128xf32, #tpu.memory_space<vmem>> -> memref<64x128xf32, #tpu.memory_space<vmem>>
        %dma_wait3A_636 = arith.constant 0 : i32
        %dma_wait3A_637 = arith.constant 0 : i32
        %dma_wait3A_638 = tpu.memref_slice %arg4[%add3A, %add3A_583, %dma_wait3A_636, %dma_wait3A_637] : memref<32x100x64x128xf32, #tpu.memory_space<hbm>> -> memref<1x1x64x128xf32, #tpu.memory_space<hbm>>
        %dma_wait3A_639 = tpu.memref_squeeze %dma_wait3A_638 : memref<1x1x64x128xf32, #tpu.memory_space<hbm>> -> memref<64x128xf32, #tpu.memory_space<hbm>>
        %dma_wait3A_640 = arith.constant 0 : i32
        %dma_wait3A_641 = arith.constant 0 : i32
        %dma_wait3A_642 = tpu.memref_slice %arg4[%add3A, %add3A_583, %dma_wait3A_640, %dma_wait3A_641] : memref<32x100x64x128xf32, #tpu.memory_space<hbm>> -> memref<1x1x64x128xf32, #tpu.memory_space<hbm>>
        %dma_wait3A_643 = tpu.memref_squeeze %dma_wait3A_642 : memref<1x1x64x128xf32, #tpu.memory_space<hbm>> -> memref<64x128xf32, #tpu.memory_space<hbm>>
        %dma_wait3A_644 = arith.constant 0 : i32
        %dma_wait3A_645 = arith.constant 0 : i32
        %dma_wait3A_646 = tpu.memref_slice %arg6[%dma_wait3A_631, %dma_wait3A_644, %dma_wait3A_645] : memref<10x64x128xf32, #tpu.memory_space<vmem>> -> memref<1x64x128xf32, #tpu.memory_space<vmem>>
        %dma_wait3A_647 = tpu.memref_squeeze %dma_wait3A_646 : memref<1x64x128xf32, #tpu.memory_space<vmem>> -> memref<64x128xf32, #tpu.memory_space<vmem>>
        tpu.wait_dma2 semaphore(%arg8 : memref<!tpu.dma_semaphore, #tpu.memory_space<semaphore_mem>>) src(%dma_wait3A_647 : memref<64x128xf32, #tpu.memory_space<vmem>>) dst(%dma_wait3A_643 : memref<64x128xf32, #tpu.memory_space<hbm>>)
      } else {
      }
      %add3A_624 = arith.constant 7 : i32
      %add3A_625 = arith.addi %add3A_583, %add3A_624 : i32
      %lt3A_626 = arith.constant 100 : i32
      %lt3A_627 = arith.cmpi slt, %add3A_625, %lt3A_626 : i32
      %convert_element_type3A_628 = arith.extui %lt3A_627 : i1 to i32
      %cond3A_629 = arith.constant 0 : i32
      %cond3A_630 = arith.cmpi ne, %convert_element_type3A_628, %cond3A_629 : i32
      scf.if %cond3A_630 {
        %add3A_631 = arith.constant 7 : i32
        %add3A_632 = arith.addi %add3A_583, %add3A_631 : i32
        %dma_start3A_633 = arith.constant 6 : i32
        %dma_start3A_634 = arith.constant 0 : i32
        %dma_start3A_635 = arith.constant 0 : i32
        %dma_start3A_636 = tpu.memref_slice %arg6[%dma_start3A_633, %dma_start3A_634, %dma_start3A_635] : memref<10x64x128xf32, #tpu.memory_space<vmem>> -> memref<1x64x128xf32, #tpu.memory_space<vmem>>
        %dma_start3A_637 = tpu.memref_squeeze %dma_start3A_636 : memref<1x64x128xf32, #tpu.memory_space<vmem>> -> memref<64x128xf32, #tpu.memory_space<vmem>>
        %dma_start3A_638 = arith.constant 0 : i32
        %dma_start3A_639 = tpu.memref_slice %arg5[%add3A_632, %dma_start3A_638] : memref<100x64xi32, #tpu.memory_space<vmem>> -> memref<1x64xi32, #tpu.memory_space<vmem>>
        %dma_start3A_640 = tpu.memref_squeeze %dma_start3A_639 : memref<1x64xi32, #tpu.memory_space<vmem>> -> memref<64xi32, #tpu.memory_space<vmem>>
        %dma_start3A_641 = arith.constant 0 : i32
        %dma_start3A_642 = arith.constant 0 : i32
        %dma_start3A_643 = tpu.memref_slice %arg3[%dma_start3A_641, %dma_start3A_642] : memref<100000x128xf32, #tpu.memory_space<hbm>> -> memref<100000x128xf32, #tpu.memory_space<hbm>>
        tpu.enqueue_indirect_dma source(%dma_start3A_643 : memref<100000x128xf32, #tpu.memory_space<hbm>>) target(%dma_start3A_637 : memref<64x128xf32, #tpu.memory_space<vmem>>) offsets(%dma_start3A_640 : memref<64xi32, #tpu.memory_space<vmem>>) semaphore(%arg7 : memref<!tpu.dma_semaphore, #tpu.memory_space<semaphore_mem>>)
      } else {
      }
    }
    %scan3A_88 = arith.constant 10 : i32
    %dma_wait3A = arith.constant 0 : i32
    %dma_wait3A_89 = arith.constant 0 : i32
    %dma_wait3A_90 = arith.constant 0 : i32
    %dma_wait3A_91 = arith.constant 0 : i32
    %dma_wait3A_92 = tpu.memref_slice %arg6[%dma_wait3A, %dma_wait3A_90, %dma_wait3A_91] : memref<10x64x128xf32, #tpu.memory_space<vmem>> -> memref<1x64x128xf32, #tpu.memory_space<vmem>>
    %dma_wait3A_93 = tpu.memref_squeeze %dma_wait3A_92 : memref<1x64x128xf32, #tpu.memory_space<vmem>> -> memref<64x128xf32, #tpu.memory_space<vmem>>
    %dma_wait3A_94 = arith.constant 0 : i32
    %dma_wait3A_95 = arith.constant 0 : i32
    %dma_wait3A_96 = tpu.memref_slice %arg4[%add3A, %dma_wait3A_89, %dma_wait3A_94, %dma_wait3A_95] : memref<32x100x64x128xf32, #tpu.memory_space<hbm>> -> memref<1x1x64x128xf32, #tpu.memory_space<hbm>>
    %dma_wait3A_97 = tpu.memref_squeeze %dma_wait3A_96 : memref<1x1x64x128xf32, #tpu.memory_space<hbm>> -> memref<64x128xf32, #tpu.memory_space<hbm>>
    %dma_wait3A_98 = arith.constant 0 : i32
    %dma_wait3A_99 = arith.constant 0 : i32
    %dma_wait3A_100 = tpu.memref_slice %arg4[%add3A, %dma_wait3A_89, %dma_wait3A_98, %dma_wait3A_99] : memref<32x100x64x128xf32, #tpu.memory_space<hbm>> -> memref<1x1x64x128xf32, #tpu.memory_space<hbm>>
    %dma_wait3A_101 = tpu.memref_squeeze %dma_wait3A_100 : memref<1x1x64x128xf32, #tpu.memory_space<hbm>> -> memref<64x128xf32, #tpu.memory_space<hbm>>
    %dma_wait3A_102 = arith.constant 0 : i32
    %dma_wait3A_103 = arith.constant 0 : i32
    %dma_wait3A_104 = tpu.memref_slice %arg6[%dma_wait3A, %dma_wait3A_102, %dma_wait3A_103] : memref<10x64x128xf32, #tpu.memory_space<vmem>> -> memref<1x64x128xf32, #tpu.memory_space<vmem>>
    %dma_wait3A_105 = tpu.memref_squeeze %dma_wait3A_104 : memref<1x64x128xf32, #tpu.memory_space<vmem>> -> memref<64x128xf32, #tpu.memory_space<vmem>>
    tpu.wait_dma2 semaphore(%arg8 : memref<!tpu.dma_semaphore, #tpu.memory_space<semaphore_mem>>) src(%dma_wait3A_105 : memref<64x128xf32, #tpu.memory_space<vmem>>) dst(%dma_wait3A_101 : memref<64x128xf32, #tpu.memory_space<hbm>>)
    %dma_wait3A_106 = arith.constant 0 : i32
    %dma_wait3A_107 = arith.constant 0 : i32
    %dma_wait3A_108 = arith.constant 0 : i32
    %dma_wait3A_109 = arith.constant 0 : i32
    %dma_wait3A_110 = tpu.memref_slice %arg6[%dma_wait3A_106, %dma_wait3A_108, %dma_wait3A_109] : memref<10x64x128xf32, #tpu.memory_space<vmem>> -> memref<1x64x128xf32, #tpu.memory_space<vmem>>
    %dma_wait3A_111 = tpu.memref_squeeze %dma_wait3A_110 : memref<1x64x128xf32, #tpu.memory_space<vmem>> -> memref<64x128xf32, #tpu.memory_space<vmem>>
    %dma_wait3A_112 = arith.constant 0 : i32
    %dma_wait3A_113 = arith.constant 0 : i32
    %dma_wait3A_114 = tpu.memref_slice %arg4[%add3A, %dma_wait3A_107, %dma_wait3A_112, %dma_wait3A_113] : memref<32x100x64x128xf32, #tpu.memory_space<hbm>> -> memref<1x1x64x128xf32, #tpu.memory_space<hbm>>
    %dma_wait3A_115 = tpu.memref_squeeze %dma_wait3A_114 : memref<1x1x64x128xf32, #tpu.memory_space<hbm>> -> memref<64x128xf32, #tpu.memory_space<hbm>>
    %dma_wait3A_116 = arith.constant 0 : i32
    %dma_wait3A_117 = arith.constant 0 : i32
    %dma_wait3A_118 = tpu.memref_slice %arg4[%add3A, %dma_wait3A_107, %dma_wait3A_116, %dma_wait3A_117] : memref<32x100x64x128xf32, #tpu.memory_space<hbm>> -> memref<1x1x64x128xf32, #tpu.memory_space<hbm>>
    %dma_wait3A_119 = tpu.memref_squeeze %dma_wait3A_118 : memref<1x1x64x128xf32, #tpu.memory_space<hbm>> -> memref<64x128xf32, #tpu.memory_space<hbm>>
    %dma_wait3A_120 = arith.constant 0 : i32
    %dma_wait3A_121 = arith.constant 0 : i32
    %dma_wait3A_122 = tpu.memref_slice %arg6[%dma_wait3A_106, %dma_wait3A_120, %dma_wait3A_121] : memref<10x64x128xf32, #tpu.memory_space<vmem>> -> memref<1x64x128xf32, #tpu.memory_space<vmem>>
    %dma_wait3A_123 = tpu.memref_squeeze %dma_wait3A_122 : memref<1x64x128xf32, #tpu.memory_space<vmem>> -> memref<64x128xf32, #tpu.memory_space<vmem>>
    tpu.wait_dma2 semaphore(%arg8 : memref<!tpu.dma_semaphore, #tpu.memory_space<semaphore_mem>>) src(%dma_wait3A_123 : memref<64x128xf32, #tpu.memory_space<vmem>>) dst(%dma_wait3A_119 : memref<64x128xf32, #tpu.memory_space<hbm>>)
    %dma_wait3A_124 = arith.constant 0 : i32
    %dma_wait3A_125 = arith.constant 0 : i32
    %dma_wait3A_126 = arith.constant 0 : i32
    %dma_wait3A_127 = arith.constant 0 : i32
    %dma_wait3A_128 = tpu.memref_slice %arg6[%dma_wait3A_124, %dma_wait3A_126, %dma_wait3A_127] : memref<10x64x128xf32, #tpu.memory_space<vmem>> -> memref<1x64x128xf32, #tpu.memory_space<vmem>>
    %dma_wait3A_129 = tpu.memref_squeeze %dma_wait3A_128 : memref<1x64x128xf32, #tpu.memory_space<vmem>> -> memref<64x128xf32, #tpu.memory_space<vmem>>
    %dma_wait3A_130 = arith.constant 0 : i32
    %dma_wait3A_131 = arith.constant 0 : i32
    %dma_wait3A_132 = tpu.memref_slice %arg4[%add3A, %dma_wait3A_125, %dma_wait3A_130, %dma_wait3A_131] : memref<32x100x64x128xf32, #tpu.memory_space<hbm>> -> memref<1x1x64x128xf32, #tpu.memory_space<hbm>>
    %dma_wait3A_133 = tpu.memref_squeeze %dma_wait3A_132 : memref<1x1x64x128xf32, #tpu.memory_space<hbm>> -> memref<64x128xf32, #tpu.memory_space<hbm>>
    %dma_wait3A_134 = arith.constant 0 : i32
    %dma_wait3A_135 = arith.constant 0 : i32
    %dma_wait3A_136 = tpu.memref_slice %arg4[%add3A, %dma_wait3A_125, %dma_wait3A_134, %dma_wait3A_135] : memref<32x100x64x128xf32, #tpu.memory_space<hbm>> -> memref<1x1x64x128xf32, #tpu.memory_space<hbm>>
    %dma_wait3A_137 = tpu.memref_squeeze %dma_wait3A_136 : memref<1x1x64x128xf32, #tpu.memory_space<hbm>> -> memref<64x128xf32, #tpu.memory_space<hbm>>
    %dma_wait3A_138 = arith.constant 0 : i32
    %dma_wait3A_139 = arith.constant 0 : i32
    %dma_wait3A_140 = tpu.memref_slice %arg6[%dma_wait3A_124, %dma_wait3A_138, %dma_wait3A_139] : memref<10x64x128xf32, #tpu.memory_space<vmem>> -> memref<1x64x128xf32, #tpu.memory_space<vmem>>
    %dma_wait3A_141 = tpu.memref_squeeze %dma_wait3A_140 : memref<1x64x128xf32, #tpu.memory_space<vmem>> -> memref<64x128xf32, #tpu.memory_space<vmem>>
    tpu.wait_dma2 semaphore(%arg8 : memref<!tpu.dma_semaphore, #tpu.memory_space<semaphore_mem>>) src(%dma_wait3A_141 : memref<64x128xf32, #tpu.memory_space<vmem>>) dst(%dma_wait3A_137 : memref<64x128xf32, #tpu.memory_space<hbm>>)
    return
  }
}

</mosaic_0001>

<sc_bundles>
// kernel: kernel.3.cloned.1.call-start
scs
__scs_entry_jumppad:
0x0: {  	(pc) =	sbr.rel $0x88, $3  }
0x1: {  	(tag) =	ssettag $0x0;
	lr =	simm.s32 $0x1  }
0x2: {  	[smem:$0x3F9F] =	sst lr;
	_ =	strace $0xD0000000  }
0x3: {  	_ = 	snop  }
0x4: {  	_ = 	snop  }
0x5: {  	_ = 	snop  }
0x6: {  	_ = 	snop  }
0x7: {  	_ = 	snop  }
__scs_overlays_trampoline_lowered:
0x8: {  	[smem:$0x3FAE] =	sst s0  }
0x9: {  	[smem:$0x3FAF] =	sst s1  }
0xa: {  	[smem:$0x3FB0] =	sst s2  }
0xb: {  	[smem:$0x3FB1] =	sst s3  }
0xc: {  	[smem:$0x3FB2] =	sst s4  }
0xd: {  	[smem:$0x3FB3] =	sst s5  }
0xe: {  	[smem:$0x3FB4] =	sst s6  }
0xf: {  	[smem:$0x3FB5] =	sst s7  }
0x10: {  	[smem:$0x3FB6] =	sst s8  }
0x11: {  	[smem:$0x3FB7] =	sst s9;
	s0 =	simm.s32 @!p0 $0x0  }
0x12: {  	s1 =	sld [smem:$0x3F9D];
	s0 =	simm.s32 @p0 $0x1  }
0x13: {  	[smem:$0x3FB8] =	sst s0;
	s0 =	simm.s32 @!p1 $0x0  }
0x14: {  	s2 =	sld [smem:$0x3F9C];
	s0 =	simm.s32 @p1 $0x1  }
0x15: {  	[smem:$0x3FB9] =	sst s0;
	s0 =	simm.s32 @!p2 $0x0  }
0x16: {  	s3 =	sld [smem:$0x3FDB];
	s0 =	simm.s32 @p2 $0x1  }
0x17: {  	s4 =	simm.s32 $0x1BF5;
	[smem:$0x3FBB] =	sst s0  }
0x18: {  	s0 =	sld [smem:$0x3F9E];
	_ =	swait.ge [sflag:s4], $0x0  }
0x19: {  	s7 =	sld [smem:$0x3F9F]  }
0x1a: {  	s8 =	sadd.s32 $0xFFFFE003, lr  }
0x1b: {  	s9 =	sadd.s32 $0xFFFFFEF7, lr;
	s5 =	simm.s32 $0xFFFFFFFF;
	p2 =	slt.u32 s8, $0xFFFFF086  }
0x1c: {  	p1 =	slt.u32 s9, $0xF7A;
	s5 =	simm.s32 @!p2 $0x0  }
0x1d: {  	s5 =	simm.s32 @p1 $0x1;
	p0 =	seq.s32 s7, s2  }
0x1e: {  	s7 =	smul.u32 @!p0 $0xF7A, s2;
	p2 =	seq.s32 @!p0 s5, $0x0  }
0x1f: {  	s9 =	smul.u32 $0xF7A, s1;
	s8 =	simm.s32 @!p0 $0x1BF5;
	p2 =	por !p2, p0  }
0x20: {  	[sflag:s8] =	ssyncset.s32 @!p0 $0xFFFFF086;
	s6 =	sadd.s32 @!p0 s3, s7;
	s7 =	simm.s32 @!p0 $0x108  }
0x21: {  	s3 =	sadd.s32 s3, s9;
	s6 =	sadd.s32 @!p0 $0x88, s6;
	s7 =	simm.s32 @p2 $0x1082  }
0x22: {  	[simem:s7], [sflag:s8] =	dma.local @!p0 [hbm:s6], $0xF7A  }
0x23: {  	s9 =	sor.u32 $0xD0000000, s2;
	s6 =	simm.s32 $0x108;
	_ =	swait.ge @!p0 [sflag:s8], $0x0  }
0x24: {  	s3 =	sadd.s32 $0x88, s3;
	s6 =	simm.s32 @!p1 $0x1082;
	[sflag:s4] =	ssyncset.s32 $0xFFFFF086  }
0x25: {  	[simem:s6], [sflag:s4] =	dma.local [hbm:s3], $0xF7A  }
0x26: {  	[smem:$0x3F9F] =	sst s1;
	(tag) =	ssettag s2;
	_ =	strace s9  }
0x27: {  	s1 =	sld [smem:$0x3FAF]  }
0x28: {  	s2 =	sld [smem:$0x3FB0]  }
0x29: {  	s4 =	sld [smem:$0x3FB2]  }
0x2a: {  	p0 =	seq.s32 s5, $0x0;
	s5 =	sld [smem:$0x3FB3]  }
0x2b: {  	s6 =	sld [smem:$0x3FB4]  }
0x2c: {  	s7 =	sld [smem:$0x3FB5]  }
0x2d: {  	s3 =	simm.s32 $0x108;
	s8 =	sld [smem:$0x3FB6]  }
0x2e: {  	s3 =	simm.s32 @!p0 $0x1082;
	s9 =	sld [smem:$0x3FB7]  }
0x2f: {  	lr =	sadd.s32 s0, s3;
	s0 =	sld [smem:$0x3FAE]  }
0x30: {  	s3 =	sld [smem:$0x3FB1]  }
0x31: {  	[smem:$0x3FBA] =	sst s10  }
0x32: {  	s10 =	sld [smem:$0x3FB8];
	_ =	sdelay $0x3  }
0x33: {  	p0 =	seq.s32 s10, $0x1;
	s10 =	sld [smem:$0x3FBA];
	_ =	sdelay $0x3  }
0x34: {  	[smem:$0x3FBA] =	sst s10  }
0x35: {  	s10 =	sld [smem:$0x3FB9];
	_ =	sdelay $0x3  }
0x36: {  	p1 =	seq.s32 s10, $0x1;
	s10 =	sld [smem:$0x3FBA];
	_ =	sdelay $0x3  }
0x37: {  	[smem:$0x3FBA] =	sst s10  }
0x38: {  	s10 =	sld [smem:$0x3FBB]  }
0x39: {  	_ = 	snop;
	(pc) =	sbr.ind lr, $3  }
0x3a: {  	_ = 	snop  }
0x3b: {  	_ = 	snop  }
0x3c: {  	p2 =	seq.s32 s10, $0x1;
	s10 =	sld [smem:$0x3FBA]  }
0x3d: {  	_ =	shalt  }
0x3e: {  	_ =	shalt  }
0x3f: {  	_ =	shalt  }
0x40: {  	_ =	shalt  }
0x41: {  	_ =	shalt  }
0x42: {  	_ =	shalt  }
0x43: {  	_ =	shalt  }
0x44: {  	_ =	shalt  }
0x45: {  	_ =	shalt  }
0x46: {  	_ =	shalt  }
0x47: {  	_ =	shalt  }
0x48: {  	_ =	shalt  }
0x49: {  	_ =	shalt  }
0x4a: {  	_ =	shalt  }
0x4b: {  	_ =	shalt  }
0x4c: {  	_ =	shalt  }
0x4d: {  	_ =	shalt  }
0x4e: {  	_ =	shalt  }
0x4f: {  	_ =	shalt  }
0x50: {  	_ =	shalt  }
0x51: {  	_ =	shalt  }
0x52: {  	_ =	shalt  }
0x53: {  	_ =	shalt  }
0x54: {  	_ =	shalt  }
0x55: {  	_ =	shalt  }
0x56: {  	_ =	shalt  }
0x57: {  	_ =	shalt  }
0x58: {  	_ =	shalt  }
0x59: {  	_ =	shalt  }
0x5a: {  	_ =	shalt  }
0x5b: {  	_ =	shalt  }
0x5c: {  	_ =	shalt  }
0x5d: {  	_ =	shalt  }
0x5e: {  	_ =	shalt  }
0x5f: {  	_ =	shalt  }
0x60: {  	_ =	shalt  }
0x61: {  	_ =	shalt  }
0x62: {  	_ =	shalt  }
0x63: {  	_ =	shalt  }
0x64: {  	_ =	shalt  }
0x65: {  	_ =	shalt  }
0x66: {  	_ =	shalt  }
0x67: {  	_ =	shalt  }
0x68: {  	_ =	shalt  }
0x69: {  	_ =	shalt  }
0x6a: {  	_ =	shalt  }
0x6b: {  	_ =	shalt  }
0x6c: {  	_ =	shalt  }
0x6d: {  	_ =	shalt  }
0x6e: {  	_ =	shalt  }
0x6f: {  	_ =	shalt  }
0x70: {  	_ =	shalt  }
0x71: {  	_ =	shalt  }
0x72: {  	_ =	shalt  }
0x73: {  	_ =	shalt  }
0x74: {  	_ =	shalt  }
0x75: {  	_ =	shalt  }
0x76: {  	_ =	shalt  }
0x77: {  	_ =	shalt  }
0x78: {  	_ =	shalt  }
0x79: {  	_ =	shalt  }
0x7a: {  	_ =	shalt  }
0x7b: {  	_ =	shalt  }
0x7c: {  	_ =	shalt  }
0x7d: {  	_ =	shalt  }
0x7e: {  	_ =	shalt  }
0x7f: {  	_ =	shalt  }
0x80: {  	_ =	shalt  }
0x81: {  	_ =	shalt  }
0x82: {  	_ =	shalt  }
0x83: {  	_ =	shalt  }
0x84: {  	_ =	shalt  }
0x85: {  	_ =	shalt  }
0x86: {  	_ =	shalt  }
0x87: {  	_ =	shalt  }
.Lfunc_end0:
.L_simem_size_0:
called_computation_lowered:
.L_overlay_start_0:
0x88: {  	s2 =	sld [smem:$0x3FD9]  }
0x89: {  	s3 =	sld [smem:$0x3FFE];
	_ =	sdelay $0x1  }
0x8a: {  	s1 =	srdreg.scid  }
0x8b: {  	s0 =	sand.u32 $0x1, s1  }
0x8c: {  	s17 =	sshll.u32 s0, $0xA;
	s2 =	sadd.s32 s3, s2  }
0x8d: {  	s2 =	sadd.s32 s2, s17  }
0x8e: {  	[smem:$0x3FC6] =	sst s2  }
0x8f: {  	_ = 	snop  }
0x90: {  	s2 =	sld [smem:$0x3FC8]  }
0x91: {  	s18 =	sld [smem:$0x3FD0];
	(tm) =	ssettm $0x1  }
0x92: {  	s4 =	sld [smem:$0x3FFB];
	_ =	sdelay $0x3  }
0x93: {  	_ =	strace s4  }
0x94: {  	s4 =	sld [smem:$0x3FFC];
	_ =	sdelay $0x3  }
0x95: {  	_ =	strace s4  }
0x96: {  	s4 =	sld [smem:$0x3FFD];
	_ =	sdelay $0x3  }
0x97: {  	_ =	strace s4  }
0x98: {  	_ =	strace $0x8FFFFFFF  }
0x99: {  	s19 =	sld [smem:$0x3FDB];
	_ =	sdelay $0x1  }
0x9a: {  	s5 =	simm.s32 $_scs_section_size  }
0x9b: {  	s6 =	simm.s32 $_size__tile_overlayer_lowered;
	s7 =	simm.s32 $_tile_overlayer_lowered  }
0x9c: {  	s22 =	simm.s32 $0x1BFF;
	s21 =	sshll.u32 s7, $0x1;
	s4 =	sadd.s32 s5, s19  }
0x9d: {  	s8 =	simm.s32 $0x0;
	s20 =	sshll.u32 s6, $0x1;
	s6 =	sadd.s32 s21, s4  }
0x9e: {  	[timem:s8], [sflag:s22] =	dma.local [hbm:s6], s20  }
0x9f: {  	_ =	swait.ge [sflag:s22], s20  }
0xa0: {  	s5 =	ssub.s32 $0x0, s20;
	[sflag:s22] =	ssyncset.done $0x0  }
0xa1: {  	[sflag:s22] =	ssyncadd.s32 s5;
	_ =	sdelay $0x1  }
0xa2: {  	s23 =	simm.s32 $0x1B8B  }
0xa3: {  	_ =	swait.ge [sflag:s23], $0x1  }
0xa4: {  	[sflag:s23] =	ssyncset.done $0x0  }
0xa5: {  	s25 =	simm.s32 $0x1B8E;
	s24 =	sld [smem:$0x3FFE];
	[sflag:s23] =	ssyncadd.s32 $0xFFFFFFFF  }
0xa6: {  	s26 =	simm.s32 $execute0_lowered;
	[smem:$0x3FD2] =	sst s25  }
0xa7: {  	s6 =	sshll.u32 s26, $0x1;
	_ =	strace $0x80000046;
	[dreg:$0x1] =	wrdreg $0xFFFFFFFF  }
0xa8: {  	s28 =	simm.s32 $_size_execute0_lowered;
	s4 =	sadd.s32 s4, s6;
	[dreg:$0x0] =	wrdreg $0x0  }
0xa9: {  	s6 =	sshll.u32 s28, $0x1;
	[dreg:$0x2] =	wrdreg s4  }
0xaa: {  	[dreg:$0x3] =	wrdreg s6  }
0xab: {  	[dreg:$0x4] =	wrdreg $0xC0  }
0xac: {  	_ =	task [dreg:s8], $0x5FFFF  }
0xad: {  	[dreg:$0x1] =	wrdreg $0xFFFFFFFF  }
0xae: {  	[dreg:$0x0] =	wrdreg $0x60  }
0xaf: {  	[dreg:$0x2] =	wrdreg s24  }
0xb0: {  	[dreg:$0x3] =	wrdreg s2  }
0xb1: {  	[dreg:$0x4] =	wrdreg s18  }
0xb2: {  	[dreg:$0x5] =	wrdreg $0x9  }
0xb3: {  	_ =	task.clear_ibuf [dreg:s8], $0x6FFFF;
	_ =	strace $0x90000046  }
0xb4: {  	s29 =	simm.s32 $0x9;
	_ =	strace $0x80000048  }
0xb5: {  	_ =	swait.ge [sflag:s29], $0x1  }
0xb6: {  	[sflag:s29] =	ssyncadd.s32 $0xFFFFFFFF  }
0xb7: {  	_ =	strace $0x90000048  }
0xb8: {  	_ =	sfence  }
0xb9: {  	s30 =	sld [smem:$0x0];
	_ =	sdelay $0x2  }
0xba: {  	s31 =	sshll.u32 s1, $0xD;
	s1 =	sshrl.u32 s1, $0x2  }
0xbb: {  	s3 =	sand.u32 $0x4000, s31;
	s1 =	sadd.s32 s1, s30  }
0xbc: {  	s0 =	sor.u32 s3, s0;
	s1 =	sshll.u32 s1, $0x11  }
0xbd: {  	s0 =	sor.u32 s1, s0  }
0xbe: {  	s0 =	sadd.s32 $0x8F2B, s0  }
0xbf: {  	[sflag:s0] =	ssyncadd.remote.s32 $0x1  }
0xc0: {  	_ =	sfence.sel $0xFFFF  }
0xc1: {  	[dreg:$0x0] =	wrdreg $0xFFFFFFFF;
	(pc) =	sbr.abs _section_cstart, $3  }
0xc2: {  	[dreg:$0x1] =	wrdreg $0xFFFFFFFF  }
0xc3: {  	_ =	task.clear_ibuf [dreg:s8], $0x2FFFF;
	_ =	strace $0x9FFFFFFF  }
0xc4: {  	(tm) =	ssettm $0x7FFFFFFF  }
0xc5: {  	_ =	shalt  }
tec
execute0_lowered:
.L_overlay_start_1:
0x0: {  	(tag) =	ssettag $0x1  }
0x1: {  	s0 =	rddreg [dreg:$0x0];
	s1 =	srdreg.scid  }
0x2: {  	s3 =	stileid.u32;
	s2 =	rddreg [dreg:$0x1];
	s15 =	simm.s32 $0x40  }
0x3: {  	s18 =	simm.s32 $0x5400;
	s20 =	simm.s32 $0x7400;
	s22 =	simm.s32 $0x9400  }
0x4: {  	s24 =	simm.s32 $0xB400;
	s29 =	simm.s32 $0xF400;
	s30 =	simm.s32 $0x1  }
0x5: {  	s31 =	simm.s32 $0x11400;
	s17 =	simm.s32 $0x2;
	s13 =	simm.s32 $0x0  }
0x6: {  	s1 =	sand.u32 $0x1, s1;
	s4 =	sshll.u32 s3, $0x1;
	s3 =	rddreg [dreg:$0x2]  }
0x7: {  	s5 =	sor.u32 s1, s4;
	s4 =	simm.s32 $0x0;
	s1 =	ssub.s32 $0x2, s1  }
0x8: {  	s6 =	smul.u32 $0x680, s5;
	[smem:$0x7FF] =	sst s4;
	s26 =	sshrl.u32 s1, $0x1  }
0x9: {  	s5 =	smul.u32 $0xC8000, s5;
	_ =	strace $0x80000047;
	s1 =	ssub.s32 s1, s26  }
.Ltmp0:
0xa: {  	s26 =	simm.s32 $0xD400;
	s0 =	sadd.s32 s6, s0;
	(pc) =	sbr.rel .LBB2_1-.Ltmp0, $4  }
0xb: {  	s7 =	sor.u32 $0x2000, s5;
	s8 =	sor.u32 $0x4000, s5;
	s9 =	sor.u32 $0x6000, s5  }
0xc: {  	s10 =	sadd.s32 $0x8000, s5;
	s11 =	sadd.s32 $0xA000, s5;
	s28 =	smax.u32 s1, $0x1  }
0xd: {  	s12 =	sadd.s32 $0xC000, s5;
	s0 =	sadd.s32 $0x400, s0;
	[dreg:$0x5] =	wrdreg s28  }
0xe: {  	s1 =	simm.s32 $0x13400;
	[dreg:$0x4] =	wrdreg s0;
	s0 =	simm.s32 $0x15400  }
.LBB2_24:
0xf: {  	_ =	swait.ge [sflag:s17], $0x2000  }
0x10: {  	[sflag:s17] =	ssyncset.done $0x0  }
0x11: {  	[sflag:s17] =	ssyncadd.s32 $0xFFFFE000  }
0x12: {  	_ =	swait.ge [sflag:s17], $0x2000  }
0x13: {  	[sflag:s17] =	ssyncset.done $0x0  }
0x14: {  	[sflag:s17] =	ssyncadd.s32 $0xFFFFE000  }
0x15: {  	_ =	swait.ge [sflag:s17], $0x2000  }
0x16: {  	s13 =	rddreg [dreg:$0x6]  }
0x17: {  	s6 =	rddreg [dreg:$0x5];
	s13 =	sadd.s32 $0x1, s13  }
0x18: {  	p0 =	sne.s32 s13, s6  }
.Ltmp1:
0x19: {  	_ = 	snop;
	(pc) =	sbr.rel @!p0 .LBB2_25-.Ltmp1, $3  }
0x1a: {  	_ =	sdelay $0x1  }
0x1b: {  	[sflag:s17] =	ssyncset.done $0x0  }
0x1c: {  	[sflag:s17] =	ssyncadd.s32 $0xFFFFE000  }
.LBB2_1:
0x1d: {  	[dreg:$0x6] =	wrdreg s13  }
0x1e: {  	s6 =	rddreg [dreg:$0x4];
	s13 =	simm.s32 $0x3  }
0x1f: {  	[tilespmem:s4], [sflag:$0x3] =	stream.linear.gather [hbm4b:s6+s4], $0x3200, $0x38;
	[tilespmem:$0x17400] =	vst v63  }
0x20: {  	_ =	swait.ge [sflag:s13], $0x3200  }
0x21: {  	[sflag:s13] =	ssyncset.done $0x0  }
0x22: {  	s14 =	simm.s32 $0x3400;
	[sflag:s13] =	ssyncadd.s32 $0xFFFFCE00  }
0x23: {  	[tilespmem:s14], [sflag:$0x1] =	stream.indirect.gather [hbm4b:s2+s15], $0x80, s4, s15, $0xb8;
	[tilespmem:$0x17400] =	vst v63  }
0x24: {  	s16 =	simm.s32 $0x80  }
0x25: {  	[tilespmem:s18], [sflag:$0x1] =	stream.indirect.gather [hbm4b:s2+s15], $0x80, s16, s15, $0xb8;
	[tilespmem:$0x17400] =	vst v63  }
0x26: {  	s19 =	simm.s32 $0x100  }
0x27: {  	[tilespmem:s20], [sflag:$0x1] =	stream.indirect.gather [hbm4b:s2+s15], $0x80, s19, s15, $0xb8;
	[tilespmem:$0x17400] =	vst v63  }
0x28: {  	s21 =	simm.s32 $0x180  }
0x29: {  	[tilespmem:s22], [sflag:$0x1] =	stream.indirect.gather [hbm4b:s2+s15], $0x80, s21, s15, $0xb8;
	[tilespmem:$0x17400] =	vst v63  }
0x2a: {  	s23 =	simm.s32 $0x200  }
0x2b: {  	[tilespmem:s24], [sflag:$0x1] =	stream.indirect.gather [hbm4b:s2+s15], $0x80, s23, s15, $0xb8;
	[tilespmem:$0x17400] =	vst v63  }
0x2c: {  	s25 =	simm.s32 $0x280  }
0x2d: {  	[tilespmem:s26], [sflag:$0x1] =	stream.indirect.gather [hbm4b:s2+s15], $0x80, s25, s15, $0xb8;
	[tilespmem:$0x17400] =	vst v63  }
0x2e: {  	s28 =	simm.s32 $0x300;
	s21 =	simm.s32 $0x0  }
0x2f: {  	[tilespmem:s29], [sflag:$0x1] =	stream.indirect.gather [hbm4b:s2+s15], $0x80, s28, s15, $0xb8;
	[tilespmem:$0x17400] =	vst v63  }
.LBB2_2:
0x30: {  	_ =	swait.ge [sflag:s30], $0x2000  }
0x31: {  	[sflag:s30] =	ssyncset.done $0x0  }
0x32: {  	s13 =	simm.s32 $0x0;
	[sflag:s30] =	ssyncadd.s32 $0xFFFFE000  }
0x33: {  	v2 =	vld [tilespmem:s13+$0x3400]  }
0x34: {  	v5 =	vld [tilespmem:s13+$0x3410]  }
0x35: {  	v4 =	vld [tilespmem:s13+$0x3420]  }
0x36: {  	v3 =	vld [tilespmem:s13+$0x3430]  }
0x37: {  	v0 =	vld [tilespmem:s13+$0x3440]  }
0x38: {  	v1 =	vld [tilespmem:s13+$0x3450];
	v6 =	vmul.f32 $1.131370830e+01, v2  }
0x39: {  	s6 =	simm.s32 $0x200;
	v5 =	vmul.f32 $1.131370830e+01, v5;
	v2 =	vld [tilespmem:s13+$0x3460]  }
.LBB2_3:
0x3a: {  	s14 =	sshra.s32 s6, $0x2;
	p0 =	sne.s32 s6, $0x7E00;
	[tilespmem:s13+$0x3400] =	vst v6;
	v4 =	vmul.f32 $1.131370830e+01, v4;
	v6 =	vld [tilespmem:s13+$0x3470]  }
0x3b: {  	v7 =	vld [tilespmem:s14+$0x3400];
	[tilespmem:s13+$0x3410] =	vst v5;
	v3 =	vmul.f32 $1.131370830e+01, v3  }
0x3c: {  	v5 =	vld [tilespmem:s14+$0x3410];
	[tilespmem:s13+$0x3420] =	vst v4;
	v0 =	vmul.f32 $1.131370830e+01, v0  }
.Ltmp2:
0x3d: {  	v4 =	vld [tilespmem:s14+$0x3420];
	[tilespmem:s13+$0x3430] =	vst v3;
	v1 =	vmul.f32 $1.131370830e+01, v1;
	(pc) =	sbr.rel @p0 .LBB2_3-.Ltmp2, $4  }
0x3e: {  	v3 =	vld [tilespmem:s14+$0x3430];
	[tilespmem:s13+$0x3440] =	vst v0;
	v2 =	vmul.f32 $1.131370830e+01, v2  }
0x3f: {  	v0 =	vld [tilespmem:s14+$0x3440];
	[tilespmem:s13+$0x3450] =	vst v1;
	v8 =	vmul.f32 $1.131370830e+01, v6  }
0x40: {  	v6 =	vmul.f32 $1.131370830e+01, v7;
	v1 =	vld [tilespmem:s14+$0x3450];
	[tilespmem:s13+$0x3460] =	vst v2  }
0x41: {  	s6 =	sadd.s32 $0x200, s6;
	v5 =	vmul.f32 $1.131370830e+01, v5;
	v2 =	vld [tilespmem:s14+$0x3460];
	[tilespmem:s13+$0x3470] =	vst v8;
	s13 =	smov.u32 s14  }
0x42: {  	[tilespmem:s13+$0x3400] =	vst v6;
	v4 =	vmul.f32 $1.131370830e+01, v4;
	v6 =	vld [tilespmem:s13+$0x3470]  }
0x43: {  	[tilespmem:s13+$0x3410] =	vst v5;
	v3 =	vmul.f32 $1.131370830e+01, v3  }
0x44: {  	[tilespmem:s13+$0x3420] =	vst v4;
	v0 =	vmul.f32 $1.131370830e+01, v0  }
0x45: {  	s6 =	smul.u32 $0x14000, s21;
	[tilespmem:s13+$0x3430] =	vst v3;
	v1 =	vmul.f32 $1.131370830e+01, v1  }
0x46: {  	[tilespmem:s13+$0x3440] =	vst v0;
	v0 =	vmul.f32 $1.131370830e+01, v2  }
0x47: {  	s14 =	sadd.s32 s5, s6;
	[tilespmem:s13+$0x3450] =	vst v1;
	v1 =	vmul.f32 $1.131370830e+01, v6  }
0x48: {  	s25 =	simm.s32 $0x3400;
	p0 =	seq.s32 s21, $0x0;
	s14 =	sshrl.u32 s14, $0x3;
	[tilespmem:s13+$0x3460] =	vst v0  }
0x49: {  	s23 =	sadd.s32 s3, s14;
	s14 =	simm.s32 @!p0 $0x2;
	[tilespmem:s13+$0x3470] =	vst v1;
	s13 =	smul.u32 $0xA, s21  }
0x4a: {  	[hbm4b:s23+s4] =	stream.linear.scatter [tilespmem:s25], [sflag:$0x2], $0x2000, $0x38;
	[tilespmem:$0x17400] =	vst v63  }
0x4b: {  	_ =	swait.ge @!p0 [sflag:s14], $0x2000;
	s23 =	sadd.s32 $0x7, s13  }
0x4c: {  	[sflag:s14] =	ssyncset.done @!p0 $0x0;
	s19 =	sshll.u32 s23, $0x7  }
0x4d: {  	[sflag:s14] =	ssyncadd.s32 @!p0 $0xFFFFE000;
	s28 =	sand.u32 $0x3FFFFF80, s19  }
0x4e: {  	[tilespmem:s31], [sflag:$0x1] =	stream.indirect.gather [hbm4b:s2+s15], $0x80, s28, s15, $0xb8;
	[tilespmem:$0x17400] =	vst v63  }
0x4f: {  	_ =	swait.ge [sflag:s30], $0x2000  }
0x50: {  	[sflag:s30] =	ssyncset.done $0x0  }
0x51: {  	s25 =	simm.s32 $0x0;
	[sflag:s30] =	ssyncadd.s32 $0xFFFFE000  }
0x52: {  	v3 =	vld [tilespmem:s25+$0x5400]  }
0x53: {  	v5 =	vld [tilespmem:s25+$0x5410]  }
0x54: {  	v4 =	vld [tilespmem:s25+$0x5420]  }
0x55: {  	v2 =	vld [tilespmem:s25+$0x5430]  }
0x56: {  	v0 =	vld [tilespmem:s25+$0x5440]  }
0x57: {  	v1 =	vld [tilespmem:s25+$0x5450];
	v6 =	vmul.f32 $1.131370830e+01, v3  }
0x58: {  	s14 =	simm.s32 $0x200;
	v5 =	vmul.f32 $1.131370830e+01, v5;
	v3 =	vld [tilespmem:s25+$0x5460]  }
.LBB2_5:
0x59: {  	s19 =	sshra.s32 s14, $0x2;
	p1 =	sne.s32 s14, $0x7E00;
	[tilespmem:s25+$0x5400] =	vst v6;
	v4 =	vmul.f32 $1.131370830e+01, v4;
	v6 =	vld [tilespmem:s25+$0x5470]  }
0x5a: {  	v7 =	vld [tilespmem:s19+$0x5400];
	[tilespmem:s25+$0x5410] =	vst v5;
	v2 =	vmul.f32 $1.131370830e+01, v2  }
0x5b: {  	v5 =	vld [tilespmem:s19+$0x5410];
	[tilespmem:s25+$0x5420] =	vst v4;
	v0 =	vmul.f32 $1.131370830e+01, v0  }
.Ltmp3:
0x5c: {  	v4 =	vld [tilespmem:s19+$0x5420];
	[tilespmem:s25+$0x5430] =	vst v2;
	v1 =	vmul.f32 $1.131370830e+01, v1;
	(pc) =	sbr.rel @p1 .LBB2_5-.Ltmp3, $4  }
0x5d: {  	v2 =	vld [tilespmem:s19+$0x5430];
	[tilespmem:s25+$0x5440] =	vst v0;
	v3 =	vmul.f32 $1.131370830e+01, v3  }
0x5e: {  	v0 =	vld [tilespmem:s19+$0x5440];
	[tilespmem:s25+$0x5450] =	vst v1;
	v8 =	vmul.f32 $1.131370830e+01, v6  }
0x5f: {  	v6 =	vmul.f32 $1.131370830e+01, v7;
	v1 =	vld [tilespmem:s19+$0x5450];
	[tilespmem:s25+$0x5460] =	vst v3  }
0x60: {  	s14 =	sadd.s32 $0x200, s14;
	v5 =	vmul.f32 $1.131370830e+01, v5;
	v3 =	vld [tilespmem:s19+$0x5460];
	[tilespmem:s25+$0x5470] =	vst v8;
	s25 =	smov.u32 s19  }
0x61: {  	[tilespmem:s25+$0x5400] =	vst v6;
	v4 =	vmul.f32 $1.131370830e+01, v4;
	v6 =	vld [tilespmem:s25+$0x5470]  }
0x62: {  	[tilespmem:s25+$0x5410] =	vst v5;
	v2 =	vmul.f32 $1.131370830e+01, v2  }
0x63: {  	[tilespmem:s25+$0x5420] =	vst v4;
	v0 =	vmul.f32 $1.131370830e+01, v0  }
0x64: {  	[tilespmem:s25+$0x5430] =	vst v2;
	v1 =	vmul.f32 $1.131370830e+01, v1  }
0x65: {  	[tilespmem:s25+$0x5440] =	vst v0;
	v0 =	vmul.f32 $1.131370830e+01, v3  }
0x66: {  	s14 =	sadd.s32 s7, s6;
	[tilespmem:s25+$0x5450] =	vst v1;
	v1 =	vmul.f32 $1.131370830e+01, v6  }
0x67: {  	s14 =	sshrl.u32 s14, $0x3;
	[tilespmem:s25+$0x5460] =	vst v0  }
0x68: {  	s14 =	sadd.s32 s3, s14;
	[tilespmem:s25+$0x5470] =	vst v1  }
0x69: {  	[hbm4b:s14+s4] =	stream.linear.scatter [tilespmem:s18], [sflag:$0x2], $0x2000, $0x38;
	[tilespmem:$0x17400] =	vst v63  }
0x6a: {  	s14 =	simm.s32 @!p0 $0x2  }
0x6b: {  	s25 =	sadd.s32 $0x8, s13;
	_ =	swait.ge @!p0 [sflag:s14], $0x2000  }
0x6c: {  	s19 =	sshll.u32 s25, $0x7;
	[sflag:s14] =	ssyncset.done @!p0 $0x0  }
0x6d: {  	s19 =	sand.u32 $0x3FFFFF80, s19;
	[sflag:s14] =	ssyncadd.s32 @!p0 $0xFFFFE000  }
0x6e: {  	[tilespmem:s1], [sflag:$0x1] =	stream.indirect.gather [hbm4b:s2+s15], $0x80, s19, s15, $0xb8;
	[tilespmem:$0x17400] =	vst v63  }
0x6f: {  	_ =	swait.ge [sflag:s30], $0x2000  }
0x70: {  	[sflag:s30] =	ssyncset.done $0x0  }
0x71: {  	s28 =	simm.s32 $0x0;
	[sflag:s30] =	ssyncadd.s32 $0xFFFFE000  }
0x72: {  	v3 =	vld [tilespmem:s28+$0x7400]  }
0x73: {  	v5 =	vld [tilespmem:s28+$0x7410]  }
0x74: {  	v4 =	vld [tilespmem:s28+$0x7420]  }
0x75: {  	v2 =	vld [tilespmem:s28+$0x7430]  }
0x76: {  	v0 =	vld [tilespmem:s28+$0x7440]  }
0x77: {  	v1 =	vld [tilespmem:s28+$0x7450];
	v6 =	vmul.f32 $1.131370830e+01, v3  }
0x78: {  	s14 =	simm.s32 $0x200;
	v5 =	vmul.f32 $1.131370830e+01, v5;
	v3 =	vld [tilespmem:s28+$0x7460]  }
.LBB2_7:
0x79: {  	s19 =	sshra.s32 s14, $0x2;
	p1 =	sne.s32 s14, $0x7E00;
	[tilespmem:s28+$0x7400] =	vst v6;
	v4 =	vmul.f32 $1.131370830e+01, v4;
	v6 =	vld [tilespmem:s28+$0x7470]  }
0x7a: {  	v7 =	vld [tilespmem:s19+$0x7400];
	[tilespmem:s28+$0x7410] =	vst v5;
	v2 =	vmul.f32 $1.131370830e+01, v2  }
0x7b: {  	v5 =	vld [tilespmem:s19+$0x7410];
	[tilespmem:s28+$0x7420] =	vst v4;
	v0 =	vmul.f32 $1.131370830e+01, v0  }
.Ltmp4:
0x7c: {  	v4 =	vld [tilespmem:s19+$0x7420];
	[tilespmem:s28+$0x7430] =	vst v2;
	v1 =	vmul.f32 $1.131370830e+01, v1;
	(pc) =	sbr.rel @p1 .LBB2_7-.Ltmp4, $4  }
0x7d: {  	v2 =	vld [tilespmem:s19+$0x7430];
	[tilespmem:s28+$0x7440] =	vst v0;
	v3 =	vmul.f32 $1.131370830e+01, v3  }
0x7e: {  	v0 =	vld [tilespmem:s19+$0x7440];
	[tilespmem:s28+$0x7450] =	vst v1;
	v8 =	vmul.f32 $1.131370830e+01, v6  }
0x7f: {  	v6 =	vmul.f32 $1.131370830e+01, v7;
	v1 =	vld [tilespmem:s19+$0x7450];
	[tilespmem:s28+$0x7460] =	vst v3  }
0x80: {  	s14 =	sadd.s32 $0x200, s14;
	v5 =	vmul.f32 $1.131370830e+01, v5;
	v3 =	vld [tilespmem:s19+$0x7460];
	[tilespmem:s28+$0x7470] =	vst v8;
	s28 =	smov.u32 s19  }
0x81: {  	[tilespmem:s28+$0x7400] =	vst v6;
	v4 =	vmul.f32 $1.131370830e+01, v4;
	v6 =	vld [tilespmem:s28+$0x7470]  }
0x82: {  	[tilespmem:s28+$0x7410] =	vst v5;
	v2 =	vmul.f32 $1.131370830e+01, v2  }
0x83: {  	[tilespmem:s28+$0x7420] =	vst v4;
	v0 =	vmul.f32 $1.131370830e+01, v0  }
0x84: {  	[tilespmem:s28+$0x7430] =	vst v2;
	v1 =	vmul.f32 $1.131370830e+01, v1  }
0x85: {  	[tilespmem:s28+$0x7440] =	vst v0;
	v0 =	vmul.f32 $1.131370830e+01, v3  }
0x86: {  	s14 =	sadd.s32 s8, s6;
	[tilespmem:s28+$0x7450] =	vst v1;
	v1 =	vmul.f32 $1.131370830e+01, v6  }
0x87: {  	s14 =	sshrl.u32 s14, $0x3;
	[tilespmem:s28+$0x7460] =	vst v0  }
0x88: {  	s14 =	sadd.s32 s3, s14;
	[tilespmem:s28+$0x7470] =	vst v1  }
0x89: {  	[hbm4b:s14+s4] =	stream.linear.scatter [tilespmem:s20], [sflag:$0x2], $0x2000, $0x38;
	[tilespmem:$0x17400] =	vst v63  }
0x8a: {  	s14 =	simm.s32 @!p0 $0x2  }
0x8b: {  	s28 =	sadd.s32 $0x9, s13;
	_ =	swait.ge @!p0 [sflag:s14], $0x2000  }
0x8c: {  	s13 =	sshll.u32 s28, $0x7;
	[sflag:s14] =	ssyncset.done @!p0 $0x0  }
0x8d: {  	s13 =	sand.u32 $0x3FFFFF80, s13;
	[sflag:s14] =	ssyncadd.s32 @!p0 $0xFFFFE000  }
0x8e: {  	[tilespmem:s0], [sflag:$0x1] =	stream.indirect.gather [hbm4b:s2+s15], $0x80, s13, s15, $0xb8;
	[tilespmem:$0x17400] =	vst v63  }
0x8f: {  	_ =	swait.ge [sflag:s30], $0x2000  }
0x90: {  	[sflag:s30] =	ssyncset.done $0x0  }
0x91: {  	s13 =	simm.s32 $0x0;
	[sflag:s30] =	ssyncadd.s32 $0xFFFFE000  }
0x92: {  	v3 =	vld [tilespmem:s13+$0x9400]  }
0x93: {  	v5 =	vld [tilespmem:s13+$0x9410]  }
0x94: {  	v4 =	vld [tilespmem:s13+$0x9420]  }
0x95: {  	v2 =	vld [tilespmem:s13+$0x9430]  }
0x96: {  	v0 =	vld [tilespmem:s13+$0x9440]  }
0x97: {  	v1 =	vld [tilespmem:s13+$0x9450];
	v6 =	vmul.f32 $1.131370830e+01, v3  }
0x98: {  	s14 =	simm.s32 $0x200;
	v5 =	vmul.f32 $1.131370830e+01, v5;
	v3 =	vld [tilespmem:s13+$0x9460]  }
.LBB2_9:
0x99: {  	s19 =	sshra.s32 s14, $0x2;
	p0 =	sne.s32 s14, $0x7E00;
	[tilespmem:s13+$0x9400] =	vst v6;
	v4 =	vmul.f32 $1.131370830e+01, v4;
	v6 =	vld [tilespmem:s13+$0x9470]  }
0x9a: {  	v7 =	vld [tilespmem:s19+$0x9400];
	[tilespmem:s13+$0x9410] =	vst v5;
	v2 =	vmul.f32 $1.131370830e+01, v2  }
0x9b: {  	v5 =	vld [tilespmem:s19+$0x9410];
	[tilespmem:s13+$0x9420] =	vst v4;
	v0 =	vmul.f32 $1.131370830e+01, v0  }
.Ltmp5:
0x9c: {  	v4 =	vld [tilespmem:s19+$0x9420];
	[tilespmem:s13+$0x9430] =	vst v2;
	v1 =	vmul.f32 $1.131370830e+01, v1;
	(pc) =	sbr.rel @p0 .LBB2_9-.Ltmp5, $4  }
0x9d: {  	v2 =	vld [tilespmem:s19+$0x9430];
	[tilespmem:s13+$0x9440] =	vst v0;
	v3 =	vmul.f32 $1.131370830e+01, v3  }
0x9e: {  	v0 =	vld [tilespmem:s19+$0x9440];
	[tilespmem:s13+$0x9450] =	vst v1;
	v8 =	vmul.f32 $1.131370830e+01, v6  }
0x9f: {  	v6 =	vmul.f32 $1.131370830e+01, v7;
	v1 =	vld [tilespmem:s19+$0x9450];
	[tilespmem:s13+$0x9460] =	vst v3  }
0xa0: {  	s14 =	sadd.s32 $0x200, s14;
	v5 =	vmul.f32 $1.131370830e+01, v5;
	v3 =	vld [tilespmem:s19+$0x9460];
	[tilespmem:s13+$0x9470] =	vst v8;
	s13 =	smov.u32 s19  }
0xa1: {  	[tilespmem:s13+$0x9400] =	vst v6;
	v4 =	vmul.f32 $1.131370830e+01, v4;
	v6 =	vld [tilespmem:s13+$0x9470]  }
0xa2: {  	[tilespmem:s13+$0x9410] =	vst v5;
	v2 =	vmul.f32 $1.131370830e+01, v2  }
0xa3: {  	[tilespmem:s13+$0x9420] =	vst v4;
	v0 =	vmul.f32 $1.131370830e+01, v0  }
0xa4: {  	[tilespmem:s13+$0x9430] =	vst v2;
	v1 =	vmul.f32 $1.131370830e+01, v1  }
0xa5: {  	[tilespmem:s13+$0x9440] =	vst v0;
	v0 =	vmul.f32 $1.131370830e+01, v3  }
0xa6: {  	s14 =	sadd.s32 s9, s6;
	[tilespmem:s13+$0x9450] =	vst v1;
	v1 =	vmul.f32 $1.131370830e+01, v6  }
0xa7: {  	p0 =	seq.s32 s21, $0x9;
	s14 =	sshrl.u32 s14, $0x3;
	[tilespmem:s13+$0x9460] =	vst v0  }
0xa8: {  	s19 =	sadd.s32 s3, s14;
	[tilespmem:s13+$0x9470] =	vst v1;
	s13 =	smul.u32 @!p0 $0x1400, s21  }
0xa9: {  	[hbm4b:s19+s4] =	stream.linear.scatter [tilespmem:s22], [sflag:$0x2], $0x2000, $0x38;
	[tilespmem:$0x17400] =	vst v63  }
0xaa: {  	_ =	swait.ge [sflag:s17], $0x2000  }
0xab: {  	s16 =	simm.s32 @!p0 $0x3400;
	s13 =	sshra.s32 @!p0 s13, $0x2;
	[sflag:s17] =	ssyncset.done $0x0  }
0xac: {  	s19 =	simm.s32 @!p0 $0x40;
	s14 =	sadd.s32 @!p0 $0x500, s13;
	[sflag:s17] =	ssyncadd.s32 $0xFFFFE000  }
0xad: {  	[tilespmem:s16], [sflag:$0x1] =	stream.indirect.gather @!p0 [hbm4b:s2+s19], $0x80, s14, s19, $0xb8;
	[tilespmem:$0x17400] =	vst v63  }
0xae: {  	_ =	swait.ge [sflag:s30], $0x2000  }
0xaf: {  	[sflag:s30] =	ssyncset.done $0x0  }
0xb0: {  	s14 =	simm.s32 $0x0;
	[sflag:s30] =	ssyncadd.s32 $0xFFFFE000  }
0xb1: {  	v3 =	vld [tilespmem:s14+$0xB400]  }
0xb2: {  	v5 =	vld [tilespmem:s14+$0xB410]  }
0xb3: {  	v4 =	vld [tilespmem:s14+$0xB420]  }
0xb4: {  	v2 =	vld [tilespmem:s14+$0xB430]  }
0xb5: {  	v0 =	vld [tilespmem:s14+$0xB440]  }
0xb6: {  	v1 =	vld [tilespmem:s14+$0xB450];
	v6 =	vmul.f32 $1.131370830e+01, v3  }
0xb7: {  	s19 =	simm.s32 $0x200;
	v5 =	vmul.f32 $1.131370830e+01, v5;
	v3 =	vld [tilespmem:s14+$0xB460]  }
.LBB2_11:
0xb8: {  	s16 =	sshra.s32 s19, $0x2;
	p1 =	sne.s32 s19, $0x7E00;
	[tilespmem:s14+$0xB400] =	vst v6;
	v4 =	vmul.f32 $1.131370830e+01, v4;
	v6 =	vld [tilespmem:s14+$0xB470]  }
0xb9: {  	v7 =	vld [tilespmem:s16+$0xB400];
	[tilespmem:s14+$0xB410] =	vst v5;
	v2 =	vmul.f32 $1.131370830e+01, v2  }
0xba: {  	v5 =	vld [tilespmem:s16+$0xB410];
	[tilespmem:s14+$0xB420] =	vst v4;
	v0 =	vmul.f32 $1.131370830e+01, v0  }
.Ltmp6:
0xbb: {  	v4 =	vld [tilespmem:s16+$0xB420];
	[tilespmem:s14+$0xB430] =	vst v2;
	v1 =	vmul.f32 $1.131370830e+01, v1;
	(pc) =	sbr.rel @p1 .LBB2_11-.Ltmp6, $4  }
0xbc: {  	v2 =	vld [tilespmem:s16+$0xB430];
	[tilespmem:s14+$0xB440] =	vst v0;
	v3 =	vmul.f32 $1.131370830e+01, v3  }
0xbd: {  	v0 =	vld [tilespmem:s16+$0xB440];
	[tilespmem:s14+$0xB450] =	vst v1;
	v8 =	vmul.f32 $1.131370830e+01, v6  }
0xbe: {  	v6 =	vmul.f32 $1.131370830e+01, v7;
	v1 =	vld [tilespmem:s16+$0xB450];
	[tilespmem:s14+$0xB460] =	vst v3  }
0xbf: {  	s19 =	sadd.s32 $0x200, s19;
	v5 =	vmul.f32 $1.131370830e+01, v5;
	v3 =	vld [tilespmem:s16+$0xB460];
	[tilespmem:s14+$0xB470] =	vst v8;
	s14 =	smov.u32 s16  }
0xc0: {  	[tilespmem:s14+$0xB400] =	vst v6;
	v4 =	vmul.f32 $1.131370830e+01, v4;
	v6 =	vld [tilespmem:s14+$0xB470]  }
0xc1: {  	[tilespmem:s14+$0xB410] =	vst v5;
	v2 =	vmul.f32 $1.131370830e+01, v2  }
0xc2: {  	[tilespmem:s14+$0xB420] =	vst v4;
	v0 =	vmul.f32 $1.131370830e+01, v0  }
0xc3: {  	[tilespmem:s14+$0xB430] =	vst v2;
	v1 =	vmul.f32 $1.131370830e+01, v1  }
0xc4: {  	[tilespmem:s14+$0xB440] =	vst v0;
	v0 =	vmul.f32 $1.131370830e+01, v3  }
0xc5: {  	s16 =	sadd.s32 s10, s6;
	[tilespmem:s14+$0xB450] =	vst v1;
	v1 =	vmul.f32 $1.131370830e+01, v6  }
0xc6: {  	s16 =	sshrl.u32 s16, $0x3;
	[tilespmem:s14+$0xB460] =	vst v0  }
0xc7: {  	s19 =	sadd.s32 s3, s16;
	[tilespmem:s14+$0xB470] =	vst v1  }
0xc8: {  	[hbm4b:s19+s4] =	stream.linear.scatter [tilespmem:s24], [sflag:$0x2], $0x2000, $0x38;
	[tilespmem:$0x17400] =	vst v63  }
0xc9: {  	_ =	swait.ge [sflag:s17], $0x2000  }
0xca: {  	s16 =	simm.s32 @!p0 $0x40;
	[sflag:s17] =	ssyncset.done $0x0  }
0xcb: {  	s14 =	sadd.s32 @!p0 $0x580, s13;
	s19 =	simm.s32 @!p0 $0x5400;
	[sflag:s17] =	ssyncadd.s32 $0xFFFFE000  }
0xcc: {  	[tilespmem:s19], [sflag:$0x1] =	stream.indirect.gather @!p0 [hbm4b:s2+s16], $0x80, s14, s16, $0xb8;
	[tilespmem:$0x17400] =	vst v63  }
0xcd: {  	_ =	swait.ge [sflag:s30], $0x2000  }
0xce: {  	[sflag:s30] =	ssyncset.done $0x0  }
0xcf: {  	s14 =	simm.s32 $0x0;
	[sflag:s30] =	ssyncadd.s32 $0xFFFFE000  }
0xd0: {  	v3 =	vld [tilespmem:s14+$0xD400]  }
0xd1: {  	v5 =	vld [tilespmem:s14+$0xD410]  }
0xd2: {  	v4 =	vld [tilespmem:s14+$0xD420]  }
0xd3: {  	v2 =	vld [tilespmem:s14+$0xD430]  }
0xd4: {  	v0 =	vld [tilespmem:s14+$0xD440]  }
0xd5: {  	v1 =	vld [tilespmem:s14+$0xD450];
	v6 =	vmul.f32 $1.131370830e+01, v3  }
0xd6: {  	s19 =	simm.s32 $0x200;
	v5 =	vmul.f32 $1.131370830e+01, v5;
	v3 =	vld [tilespmem:s14+$0xD460]  }
.LBB2_13:
0xd7: {  	s16 =	sshra.s32 s19, $0x2;
	p1 =	sne.s32 s19, $0x7E00;
	[tilespmem:s14+$0xD400] =	vst v6;
	v4 =	vmul.f32 $1.131370830e+01, v4;
	v6 =	vld [tilespmem:s14+$0xD470]  }
0xd8: {  	v7 =	vld [tilespmem:s16+$0xD400];
	[tilespmem:s14+$0xD410] =	vst v5;
	v2 =	vmul.f32 $1.131370830e+01, v2  }
0xd9: {  	v5 =	vld [tilespmem:s16+$0xD410];
	[tilespmem:s14+$0xD420] =	vst v4;
	v0 =	vmul.f32 $1.131370830e+01, v0  }
.Ltmp7:
0xda: {  	v4 =	vld [tilespmem:s16+$0xD420];
	[tilespmem:s14+$0xD430] =	vst v2;
	v1 =	vmul.f32 $1.131370830e+01, v1;
	(pc) =	sbr.rel @p1 .LBB2_13-.Ltmp7, $4  }
0xdb: {  	v2 =	vld [tilespmem:s16+$0xD430];
	[tilespmem:s14+$0xD440] =	vst v0;
	v3 =	vmul.f32 $1.131370830e+01, v3  }
0xdc: {  	v0 =	vld [tilespmem:s16+$0xD440];
	[tilespmem:s14+$0xD450] =	vst v1;
	v8 =	vmul.f32 $1.131370830e+01, v6  }
0xdd: {  	v6 =	vmul.f32 $1.131370830e+01, v7;
	v1 =	vld [tilespmem:s16+$0xD450];
	[tilespmem:s14+$0xD460] =	vst v3  }
0xde: {  	s19 =	sadd.s32 $0x200, s19;
	v5 =	vmul.f32 $1.131370830e+01, v5;
	v3 =	vld [tilespmem:s16+$0xD460];
	[tilespmem:s14+$0xD470] =	vst v8;
	s14 =	smov.u32 s16  }
0xdf: {  	[tilespmem:s14+$0xD400] =	vst v6;
	v4 =	vmul.f32 $1.131370830e+01, v4;
	v6 =	vld [tilespmem:s14+$0xD470]  }
0xe0: {  	[tilespmem:s14+$0xD410] =	vst v5;
	v2 =	vmul.f32 $1.131370830e+01, v2  }
0xe1: {  	[tilespmem:s14+$0xD420] =	vst v4;
	v0 =	vmul.f32 $1.131370830e+01, v0  }
0xe2: {  	[tilespmem:s14+$0xD430] =	vst v2;
	v1 =	vmul.f32 $1.131370830e+01, v1  }
0xe3: {  	[tilespmem:s14+$0xD440] =	vst v0;
	v0 =	vmul.f32 $1.131370830e+01, v3  }
0xe4: {  	s16 =	sadd.s32 s11, s6;
	[tilespmem:s14+$0xD450] =	vst v1;
	v1 =	vmul.f32 $1.131370830e+01, v6  }
0xe5: {  	s16 =	sshrl.u32 s16, $0x3;
	[tilespmem:s14+$0xD460] =	vst v0  }
0xe6: {  	s19 =	sadd.s32 s3, s16;
	[tilespmem:s14+$0xD470] =	vst v1  }
0xe7: {  	[hbm4b:s19+s4] =	stream.linear.scatter [tilespmem:s26], [sflag:$0x2], $0x2000, $0x38;
	[tilespmem:$0x17400] =	vst v63  }
0xe8: {  	_ =	swait.ge [sflag:s17], $0x2000  }
0xe9: {  	s16 =	simm.s32 @!p0 $0x40;
	[sflag:s17] =	ssyncset.done $0x0  }
0xea: {  	s14 =	sadd.s32 @!p0 $0x600, s13;
	s19 =	simm.s32 @!p0 $0x7400;
	[sflag:s17] =	ssyncadd.s32 $0xFFFFE000  }
0xeb: {  	[tilespmem:s19], [sflag:$0x1] =	stream.indirect.gather @!p0 [hbm4b:s2+s16], $0x80, s14, s16, $0xb8;
	[tilespmem:$0x17400] =	vst v63  }
0xec: {  	_ =	swait.ge [sflag:s30], $0x2000  }
0xed: {  	[sflag:s30] =	ssyncset.done $0x0  }
0xee: {  	s14 =	simm.s32 $0x0;
	[sflag:s30] =	ssyncadd.s32 $0xFFFFE000  }
0xef: {  	v3 =	vld [tilespmem:s14+$0xF400]  }
0xf0: {  	v5 =	vld [tilespmem:s14+$0xF410]  }
0xf1: {  	v4 =	vld [tilespmem:s14+$0xF420]  }
0xf2: {  	v2 =	vld [tilespmem:s14+$0xF430]  }
0xf3: {  	v0 =	vld [tilespmem:s14+$0xF440]  }
0xf4: {  	v1 =	vld [tilespmem:s14+$0xF450];
	v6 =	vmul.f32 $1.131370830e+01, v3  }
0xf5: {  	s19 =	simm.s32 $0x200;
	v5 =	vmul.f32 $1.131370830e+01, v5;
	v3 =	vld [tilespmem:s14+$0xF460]  }
.LBB2_15:
0xf6: {  	s16 =	sshra.s32 s19, $0x2;
	p1 =	sne.s32 s19, $0x7E00;
	[tilespmem:s14+$0xF400] =	vst v6;
	v4 =	vmul.f32 $1.131370830e+01, v4;
	v6 =	vld [tilespmem:s14+$0xF470]  }
0xf7: {  	v7 =	vld [tilespmem:s16+$0xF400];
	[tilespmem:s14+$0xF410] =	vst v5;
	v2 =	vmul.f32 $1.131370830e+01, v2  }
0xf8: {  	v5 =	vld [tilespmem:s16+$0xF410];
	[tilespmem:s14+$0xF420] =	vst v4;
	v0 =	vmul.f32 $1.131370830e+01, v0  }
.Ltmp8:
0xf9: {  	v4 =	vld [tilespmem:s16+$0xF420];
	[tilespmem:s14+$0xF430] =	vst v2;
	v1 =	vmul.f32 $1.131370830e+01, v1;
	(pc) =	sbr.rel @p1 .LBB2_15-.Ltmp8, $4  }
0xfa: {  	v2 =	vld [tilespmem:s16+$0xF430];
	[tilespmem:s14+$0xF440] =	vst v0;
	v3 =	vmul.f32 $1.131370830e+01, v3  }
0xfb: {  	v0 =	vld [tilespmem:s16+$0xF440];
	[tilespmem:s14+$0xF450] =	vst v1;
	v8 =	vmul.f32 $1.131370830e+01, v6  }
0xfc: {  	v6 =	vmul.f32 $1.131370830e+01, v7;
	v1 =	vld [tilespmem:s16+$0xF450];
	[tilespmem:s14+$0xF460] =	vst v3  }
0xfd: {  	s19 =	sadd.s32 $0x200, s19;
	v5 =	vmul.f32 $1.131370830e+01, v5;
	v3 =	vld [tilespmem:s16+$0xF460];
	[tilespmem:s14+$0xF470] =	vst v8;
	s14 =	smov.u32 s16  }
0xfe: {  	[tilespmem:s14+$0xF400] =	vst v6;
	v4 =	vmul.f32 $1.131370830e+01, v4;
	v6 =	vld [tilespmem:s14+$0xF470]  }
0xff: {  	[tilespmem:s14+$0xF410] =	vst v5;
	v2 =	vmul.f32 $1.131370830e+01, v2  }
0x100: {  	[tilespmem:s14+$0xF420] =	vst v4;
	v0 =	vmul.f32 $1.131370830e+01, v0  }
0x101: {  	[tilespmem:s14+$0xF430] =	vst v2;
	v1 =	vmul.f32 $1.131370830e+01, v1  }
0x102: {  	[tilespmem:s14+$0xF440] =	vst v0;
	v0 =	vmul.f32 $1.131370830e+01, v3  }
0x103: {  	s6 =	sadd.s32 s12, s6;
	[tilespmem:s14+$0xF450] =	vst v1;
	v1 =	vmul.f32 $1.131370830e+01, v6  }
0x104: {  	s6 =	sshrl.u32 s6, $0x3;
	[tilespmem:s14+$0xF460] =	vst v0  }
0x105: {  	s6 =	sadd.s32 s3, s6;
	[tilespmem:s14+$0xF470] =	vst v1  }
0x106: {  	[hbm4b:s6+s4] =	stream.linear.scatter [tilespmem:s29], [sflag:$0x2], $0x2000, $0x38;
	[tilespmem:$0x17400] =	vst v63  }
0x107: {  	_ =	swait.ge [sflag:s17], $0x2000  }
0x108: {  	s16 =	simm.s32 @!p0 $0x9400;
	[sflag:s17] =	ssyncset.done $0x0  }
0x109: {  	s14 =	simm.s32 @!p0 $0x40;
	s6 =	sadd.s32 @!p0 $0x680, s13;
	[sflag:s17] =	ssyncadd.s32 $0xFFFFE000  }
0x10a: {  	[tilespmem:s16], [sflag:$0x1] =	stream.indirect.gather @!p0 [hbm4b:s2+s14], $0x80, s6, s14, $0xb8;
	[tilespmem:$0x17400] =	vst v63  }
0x10b: {  	_ =	swait.ge [sflag:s30], $0x2000  }
0x10c: {  	[sflag:s30] =	ssyncset.done $0x0  }
0x10d: {  	s6 =	simm.s32 $0x0;
	[sflag:s30] =	ssyncadd.s32 $0xFFFFE000  }
0x10e: {  	v3 =	vld [tilespmem:s6+$0x11400]  }
0x10f: {  	v5 =	vld [tilespmem:s6+$0x11410]  }
0x110: {  	v4 =	vld [tilespmem:s6+$0x11420]  }
0x111: {  	v2 =	vld [tilespmem:s6+$0x11430]  }
0x112: {  	v0 =	vld [tilespmem:s6+$0x11440]  }
0x113: {  	v1 =	vld [tilespmem:s6+$0x11450];
	v6 =	vmul.f32 $1.131370830e+01, v3  }
0x114: {  	s14 =	simm.s32 $0x200;
	v5 =	vmul.f32 $1.131370830e+01, v5;
	v3 =	vld [tilespmem:s6+$0x11460]  }
.LBB2_17:
0x115: {  	s16 =	sshra.s32 s14, $0x2;
	p1 =	sne.s32 s14, $0x7E00;
	[tilespmem:s6+$0x11400] =	vst v6;
	v4 =	vmul.f32 $1.131370830e+01, v4;
	v6 =	vld [tilespmem:s6+$0x11470]  }
0x116: {  	v7 =	vld [tilespmem:s16+$0x11400];
	[tilespmem:s6+$0x11410] =	vst v5;
	v2 =	vmul.f32 $1.131370830e+01, v2  }
0x117: {  	v5 =	vld [tilespmem:s16+$0x11410];
	[tilespmem:s6+$0x11420] =	vst v4;
	v0 =	vmul.f32 $1.131370830e+01, v0  }
.Ltmp9:
0x118: {  	v4 =	vld [tilespmem:s16+$0x11420];
	[tilespmem:s6+$0x11430] =	vst v2;
	v1 =	vmul.f32 $1.131370830e+01, v1;
	(pc) =	sbr.rel @p1 .LBB2_17-.Ltmp9, $4  }
0x119: {  	v2 =	vld [tilespmem:s16+$0x11430];
	[tilespmem:s6+$0x11440] =	vst v0;
	v3 =	vmul.f32 $1.131370830e+01, v3  }
0x11a: {  	v0 =	vld [tilespmem:s16+$0x11440];
	[tilespmem:s6+$0x11450] =	vst v1;
	v8 =	vmul.f32 $1.131370830e+01, v6  }
0x11b: {  	v6 =	vmul.f32 $1.131370830e+01, v7;
	v1 =	vld [tilespmem:s16+$0x11450];
	[tilespmem:s6+$0x11460] =	vst v3  }
0x11c: {  	s14 =	sadd.s32 $0x200, s14;
	v5 =	vmul.f32 $1.131370830e+01, v5;
	v3 =	vld [tilespmem:s16+$0x11460];
	[tilespmem:s6+$0x11470] =	vst v8;
	s6 =	smov.u32 s16  }
0x11d: {  	[tilespmem:s6+$0x11400] =	vst v6;
	v4 =	vmul.f32 $1.131370830e+01, v4;
	v6 =	vld [tilespmem:s6+$0x11470]  }
0x11e: {  	[tilespmem:s6+$0x11410] =	vst v5;
	v2 =	vmul.f32 $1.131370830e+01, v2  }
0x11f: {  	[tilespmem:s6+$0x11420] =	vst v4;
	v0 =	vmul.f32 $1.131370830e+01, v0  }
0x120: {  	[tilespmem:s6+$0x11430] =	vst v2;
	v1 =	vmul.f32 $1.131370830e+01, v1  }
0x121: {  	s14 =	sshll.u32 s23, $0xD;
	[tilespmem:s6+$0x11440] =	vst v0;
	v0 =	vmul.f32 $1.131370830e+01, v3  }
0x122: {  	s14 =	sadd.s32 s5, s14;
	[tilespmem:s6+$0x11450] =	vst v1;
	v1 =	vmul.f32 $1.131370830e+01, v6  }
0x123: {  	s14 =	sshrl.u32 s14, $0x3;
	[tilespmem:s6+$0x11460] =	vst v0  }
0x124: {  	s23 =	sadd.s32 s3, s14;
	[tilespmem:s6+$0x11470] =	vst v1  }
0x125: {  	[hbm4b:s23+s4] =	stream.linear.scatter [tilespmem:s31], [sflag:$0x2], $0x2000, $0x38;
	[tilespmem:$0x17400] =	vst v63  }
0x126: {  	_ =	swait.ge [sflag:s17], $0x2000  }
0x127: {  	s16 =	simm.s32 @!p0 $0xB400;
	[sflag:s17] =	ssyncset.done $0x0  }
0x128: {  	s14 =	simm.s32 @!p0 $0x40;
	s6 =	sadd.s32 @!p0 $0x700, s13;
	[sflag:s17] =	ssyncadd.s32 $0xFFFFE000  }
0x129: {  	[tilespmem:s16], [sflag:$0x1] =	stream.indirect.gather @!p0 [hbm4b:s2+s14], $0x80, s6, s14, $0xb8;
	[tilespmem:$0x17400] =	vst v63  }
0x12a: {  	_ =	swait.ge [sflag:s30], $0x2000  }
0x12b: {  	[sflag:s30] =	ssyncset.done $0x0  }
0x12c: {  	s6 =	simm.s32 $0x0;
	[sflag:s30] =	ssyncadd.s32 $0xFFFFE000  }
0x12d: {  	v3 =	vld [tilespmem:s6+$0x13400]  }
0x12e: {  	v5 =	vld [tilespmem:s6+$0x13410]  }
0x12f: {  	v4 =	vld [tilespmem:s6+$0x13420]  }
0x130: {  	v2 =	vld [tilespmem:s6+$0x13430]  }
0x131: {  	v0 =	vld [tilespmem:s6+$0x13440]  }
0x132: {  	v1 =	vld [tilespmem:s6+$0x13450];
	v6 =	vmul.f32 $1.131370830e+01, v3  }
0x133: {  	s14 =	simm.s32 $0x200;
	v5 =	vmul.f32 $1.131370830e+01, v5;
	v3 =	vld [tilespmem:s6+$0x13460]  }
.LBB2_19:
0x134: {  	s16 =	sshra.s32 s14, $0x2;
	p1 =	sne.s32 s14, $0x7E00;
	[tilespmem:s6+$0x13400] =	vst v6;
	v4 =	vmul.f32 $1.131370830e+01, v4;
	v6 =	vld [tilespmem:s6+$0x13470]  }
0x135: {  	v7 =	vld [tilespmem:s16+$0x13400];
	[tilespmem:s6+$0x13410] =	vst v5;
	v2 =	vmul.f32 $1.131370830e+01, v2  }
0x136: {  	v5 =	vld [tilespmem:s16+$0x13410];
	[tilespmem:s6+$0x13420] =	vst v4;
	v0 =	vmul.f32 $1.131370830e+01, v0  }
.Ltmp10:
0x137: {  	v4 =	vld [tilespmem:s16+$0x13420];
	[tilespmem:s6+$0x13430] =	vst v2;
	v1 =	vmul.f32 $1.131370830e+01, v1;
	(pc) =	sbr.rel @p1 .LBB2_19-.Ltmp10, $4  }
0x138: {  	v2 =	vld [tilespmem:s16+$0x13430];
	[tilespmem:s6+$0x13440] =	vst v0;
	v3 =	vmul.f32 $1.131370830e+01, v3  }
0x139: {  	v0 =	vld [tilespmem:s16+$0x13440];
	[tilespmem:s6+$0x13450] =	vst v1;
	v8 =	vmul.f32 $1.131370830e+01, v6  }
0x13a: {  	v6 =	vmul.f32 $1.131370830e+01, v7;
	v1 =	vld [tilespmem:s16+$0x13450];
	[tilespmem:s6+$0x13460] =	vst v3  }
0x13b: {  	s14 =	sadd.s32 $0x200, s14;
	v5 =	vmul.f32 $1.131370830e+01, v5;
	v3 =	vld [tilespmem:s16+$0x13460];
	[tilespmem:s6+$0x13470] =	vst v8;
	s6 =	smov.u32 s16  }
0x13c: {  	[tilespmem:s6+$0x13400] =	vst v6;
	v4 =	vmul.f32 $1.131370830e+01, v4;
	v6 =	vld [tilespmem:s6+$0x13470]  }
0x13d: {  	[tilespmem:s6+$0x13410] =	vst v5;
	v2 =	vmul.f32 $1.131370830e+01, v2  }
0x13e: {  	[tilespmem:s6+$0x13420] =	vst v4;
	v0 =	vmul.f32 $1.131370830e+01, v0  }
0x13f: {  	[tilespmem:s6+$0x13430] =	vst v2;
	v1 =	vmul.f32 $1.131370830e+01, v1  }
0x140: {  	s14 =	sshll.u32 s25, $0xD;
	[tilespmem:s6+$0x13440] =	vst v0;
	v0 =	vmul.f32 $1.131370830e+01, v3  }
0x141: {  	s14 =	sadd.s32 s5, s14;
	[tilespmem:s6+$0x13450] =	vst v1;
	v1 =	vmul.f32 $1.131370830e+01, v6  }
0x142: {  	s14 =	sshrl.u32 s14, $0x3;
	[tilespmem:s6+$0x13460] =	vst v0  }
0x143: {  	s25 =	sadd.s32 s3, s14;
	[tilespmem:s6+$0x13470] =	vst v1  }
0x144: {  	[hbm4b:s25+s4] =	stream.linear.scatter [tilespmem:s1], [sflag:$0x2], $0x2000, $0x38;
	[tilespmem:$0x17400] =	vst v63  }
0x145: {  	_ =	swait.ge [sflag:s17], $0x2000  }
0x146: {  	s14 =	simm.s32 @!p0 $0xD400;
	[sflag:s17] =	ssyncset.done $0x0  }
0x147: {  	s6 =	sadd.s32 @!p0 $0x780, s13;
	s13 =	simm.s32 @!p0 $0x40;
	[sflag:s17] =	ssyncadd.s32 $0xFFFFE000  }
0x148: {  	[tilespmem:s14], [sflag:$0x1] =	stream.indirect.gather @!p0 [hbm4b:s2+s13], $0x80, s6, s13, $0xb8;
	[tilespmem:$0x17400] =	vst v63  }
0x149: {  	_ =	swait.ge [sflag:s30], $0x2000  }
0x14a: {  	[sflag:s30] =	ssyncset.done $0x0  }
0x14b: {  	s6 =	simm.s32 $0x0;
	[sflag:s30] =	ssyncadd.s32 $0xFFFFE000  }
0x14c: {  	v3 =	vld [tilespmem:s6+$0x15400]  }
0x14d: {  	v5 =	vld [tilespmem:s6+$0x15410]  }
0x14e: {  	v4 =	vld [tilespmem:s6+$0x15420]  }
0x14f: {  	v2 =	vld [tilespmem:s6+$0x15430]  }
0x150: {  	v0 =	vld [tilespmem:s6+$0x15440]  }
0x151: {  	v1 =	vld [tilespmem:s6+$0x15450];
	v6 =	vmul.f32 $1.131370830e+01, v3  }
0x152: {  	s13 =	simm.s32 $0x200;
	v5 =	vmul.f32 $1.131370830e+01, v5;
	v3 =	vld [tilespmem:s6+$0x15460]  }
.LBB2_21:
0x153: {  	s14 =	sshra.s32 s13, $0x2;
	p1 =	sne.s32 s13, $0x7E00;
	[tilespmem:s6+$0x15400] =	vst v6;
	v4 =	vmul.f32 $1.131370830e+01, v4;
	v6 =	vld [tilespmem:s6+$0x15470]  }
0x154: {  	v7 =	vld [tilespmem:s14+$0x15400];
	[tilespmem:s6+$0x15410] =	vst v5;
	v2 =	vmul.f32 $1.131370830e+01, v2  }
0x155: {  	v5 =	vld [tilespmem:s14+$0x15410];
	[tilespmem:s6+$0x15420] =	vst v4;
	v0 =	vmul.f32 $1.131370830e+01, v0  }
.Ltmp11:
0x156: {  	v4 =	vld [tilespmem:s14+$0x15420];
	[tilespmem:s6+$0x15430] =	vst v2;
	v1 =	vmul.f32 $1.131370830e+01, v1;
	(pc) =	sbr.rel @p1 .LBB2_21-.Ltmp11, $4  }
0x157: {  	v2 =	vld [tilespmem:s14+$0x15430];
	[tilespmem:s6+$0x15440] =	vst v0;
	v3 =	vmul.f32 $1.131370830e+01, v3  }
0x158: {  	v0 =	vld [tilespmem:s14+$0x15440];
	[tilespmem:s6+$0x15450] =	vst v1;
	v8 =	vmul.f32 $1.131370830e+01, v6  }
0x159: {  	v6 =	vmul.f32 $1.131370830e+01, v7;
	v1 =	vld [tilespmem:s14+$0x15450];
	[tilespmem:s6+$0x15460] =	vst v3  }
0x15a: {  	s13 =	sadd.s32 $0x200, s13;
	v5 =	vmul.f32 $1.131370830e+01, v5;
	v3 =	vld [tilespmem:s14+$0x15460];
	[tilespmem:s6+$0x15470] =	vst v8;
	s6 =	smov.u32 s14  }
0x15b: {  	[tilespmem:s6+$0x15400] =	vst v6;
	v4 =	vmul.f32 $1.131370830e+01, v4;
	v61 =	vld [tilespmem:s6+$0x15470]  }
0x15c: {  	[tilespmem:s6+$0x15410] =	vst v5;
	v2 =	vmul.f32 $1.131370830e+01, v2  }
0x15d: {  	[tilespmem:s6+$0x15420] =	vst v4;
	v0 =	vmul.f32 $1.131370830e+01, v0  }
0x15e: {  	[tilespmem:s6+$0x15430] =	vst v2;
	v1 =	vmul.f32 $1.131370830e+01, v1  }
0x15f: {  	s13 =	sshll.u32 s28, $0xD;
	[tilespmem:s6+$0x15440] =	vst v0;
	v62 =	vmul.f32 $1.131370830e+01, v3  }
0x160: {  	s13 =	sadd.s32 s5, s13;
	[tilespmem:s6+$0x15450] =	vst v1;
	v63 =	vmul.f32 $1.131370830e+01, v61  }
0x161: {  	s13 =	sshrl.u32 s13, $0x3;
	[tilespmem:s6+$0x15460] =	vst v62  }
.Ltmp12:
0x162: {  	s28 =	sadd.s32 s3, s13;
	[tilespmem:s6+$0x15470] =	vst v63;
	(pc) =	sbr.rel @p0 .LBB2_24-.Ltmp12, $4  }
0x163: {  	[hbm4b:s28+s4] =	stream.linear.scatter [tilespmem:s0], [sflag:$0x2], $0x2000, $0x38;
	[tilespmem:$0x17400] =	vst v63  }
0x164: {  	_ =	swait.ge [sflag:s17], $0x2000  }
0x165: {  	[sflag:s17] =	ssyncset.done $0x0  }
0x166: {  	[sflag:s17] =	ssyncadd.s32 $0xFFFFE000  }
0x167: {  	s6 =	smul.u32 $0x1400, s21  }
.Ltmp13:
0x168: {  	_ = 	snop;
	(pc) =	sbr.rel .LBB2_2-.Ltmp13, $4  }
0x169: {  	_ = 	snop  }
0x16a: {  	s6 =	sshra.s32 s6, $0x2  }
0x16b: {  	s21 =	sadd.s32 $0x1, s21;
	s6 =	sadd.s32 $0x800, s6  }
0x16c: {  	[tilespmem:s29], [sflag:$0x1] =	stream.indirect.gather [hbm4b:s2+s15], $0x80, s6, s15, $0xb8;
	[tilespmem:$0x17400] =	vst v63  }
.LBB2_25:
0x16d: {  	_ =	sfence.sel $0x180000  }
0x16e: {  	[bflag:$0x0] =	sbarrier.arrive $0xFFFF  }
0x16f: {  	_ =	strace $0x90000047  }
0x170: {  	s0 =	stileid.u32;
	[bflag:$0x2] =	sbarrier.arrive $0xFFFF  }
0x171: {  	p0 =	sne.s32 s0, $0x0;
	s0 =	rddreg [dreg:$0x3]  }
0x172: {  	s0 =	sadd.s32 @!p0 $0x100000, s0  }
0x173: {  	[sflag:s0] =	ssyncadd.tile.s32 @!p0 $0x1;
	_ =	shalt  }
.Lfunc_end2:
_tile_overlayer_lowered:
.L_overlay_start_2:
0x174: {  	(tag) =	ssettag $0x2  }
0x175: {  	s0 =	rddreg [dreg:$0x0];
	s2 =	stileid.u32  }
0x176: {  	s1 =	rddreg [dreg:$0x1];
	p0 =	sne.s32 s2, $0x0  }
0x177: {  	s3 =	rddreg [dreg:$0x2];
	[bflag:$0x3] =	sbarrier.arrive $0xFFFF;
	s2 =	simm.s32 @!p0 $0x1C03  }
0x178: {  	[timem:s3], [sflag:s2] =	dma.local @!p0 [hbm:s0], s1  }
0x179: {  	s0 =	simm.s32 @!p0 $0x3  }
0x17a: {  	_ =	swait.ge @!p0 [sflag:s0], s1  }
0x17b: {  	s1 =	ssub.s32 @!p0 $0x0, s1;
	[sflag:s0] =	ssyncset.done @!p0 $0x0  }
0x17c: {  	[sflag:s0] =	ssyncadd.s32 @!p0 s1  }
0x17d: {  	[bflag:$0x3] =	sbarrier.arrive $0xFFFF  }
0x17e: {  	_ =	shalt  }

</sc_bundles>
